<compile_context>
chip_gen: v7x
topology: tpu7x:2x2x1
jax: 0.10.2.dev20260603
libtpu: 0.0.44.dev20260713+nightly
codegen_flags: <defaults>
</compile_context>

<pallas_src>
import functools

import jax
import jax.numpy as jnp
from jax import lax
from jax.experimental import pallas as pl
from jax.experimental.pallas import tpu as pltpu
from jax.experimental.pallas import tpu_sc as plsc

_L = 16

_C = (0.9993023813893658, -0.4846417935604534, 0.2518836787117894,
      -0.07390210770466205)


def _softplus(x):
    nabs = plsc.bitcast(plsc.bitcast(x, jnp.int32) | jnp.int32(-2**31),
                        jnp.float32)
    t = jnp.exp(nabs)
    p = jnp.float32(_C[-1])
    for c in _C[-2::-1]:
        p = p * t + jnp.float32(c)
    return jnp.maximum(x, jnp.float32(0.0)) + t * p


@functools.lru_cache(maxsize=None)
def _build(B, T, nw):
    cpw = B // nw
    cb_w = 128
    nb = cpw // cb_w
    gpb = cb_w // _L
    ju = 4
    mesh = plsc.VectorSubcoreMesh(core_axis_name="c", subcore_axis_name="s")

    @functools.partial(
        pl.kernel,
        out_type=jax.ShapeDtypeStruct((nw, _L), jnp.float32),
        mesh=mesh,
        compiler_params=pltpu.CompilerParams(needs_layout_passes=False),
        scratch_types=[
            pltpu.VMEM((T, cb_w), jnp.float32),
            pltpu.VMEM((T, cb_w), jnp.float32),
            pltpu.VMEM((cpw,), jnp.int32),
            pltpu.VMEM((cpw,), jnp.float32),
            pltpu.VMEM((_L,), jnp.float32),
            pltpu.SemaphoreType.DMA,
            pltpu.SemaphoreType.DMA,
        ],
    )
    def k(phit_hbm, idx_hbm, ev_hbm, out_hbm, pb0, pb1, idx_v, ev_v, o_v,
          sem0, sem1):
        wid = lax.axis_index("s") * 2 + lax.axis_index("c")
        base = wid * cpw
        bufs, sems = (pb0, pb1), (sem0, sem1)
        copies = [None, None]
        copies[0] = pltpu.async_copy(
            phit_hbm.at[:, pl.ds(base, cb_w)], bufs[0], sems[0])
        pltpu.sync_copy(idx_hbm.at[pl.ds(base, cpw)], idx_v)
        pltpu.sync_copy(ev_hbm.at[pl.ds(base, cpw)], ev_v)
        lanes = lax.iota(jnp.int32, 16)

        acc = jnp.zeros((_L,), jnp.float32)
        for b in range(nb):
            if b + 1 < nb:
                copies[(b + 1) % 2] = pltpu.async_copy(
                    phit_hbm.at[:, pl.ds(base + (b + 1) * cb_w, cb_w)],
                    bufs[(b + 1) % 2], sems[(b + 1) % 2])
            copies[b % 2].wait()
            phi_v = bufs[b % 2]

            @plsc.parallel_loop(0, gpb, carry=acc)
            def acc(g, acc, b=b, phi_v=phi_v):
                cb = g * _L
                idx16 = idx_v[pl.ds(b * cb_w + cb, _L)]
                ev16 = ev_v[pl.ds(b * cb_w + cb, _L)]

                @plsc.parallel_loop(0, T // ju, unroll=4,
                                    carry=jnp.zeros((_L,), jnp.float32))
                def a(jc, a):
                    parts = []
                    for d in range(ju):
                        j = jc * ju + d
                        x = phi_v[j, pl.ds(cb, _L)]
                        m = j <= idx16
                        parts.append(jnp.where(m, _softplus(x),
                                               jnp.float32(0.0)))
                    while len(parts) > 1:
                        parts = [u + v
                                 for u, v in zip(parts[::2], parts[1::2])]
                    return a + parts[0]

                for j in range(T - T % ju, T):
                    m = j <= idx16
                    a = a + jnp.where(m, _softplus(phi_v[j, pl.ds(cb, _L)]),
                                      jnp.float32(0.0))
                a = a - ev16 * plsc.load_gather(phi_v, [idx16, cb + lanes])
                return acc + a

        o_v[...] = acc
        pltpu.sync_copy(o_v, out_hbm.at[wid])

    return k


def kernel(phi, idx_durations, events):
    B, T = phi.shape
    info = plsc.get_sparse_core_info()
    nw = info.num_cores * info.num_subcores
    out = _build(B, T, nw)(phi.T, idx_durations, events.astype(jnp.float32))
    return jnp.sum(out) / B

# --- scband reference (transcript-rebuilt; emitter-appended) ---
"""Pipeline reference for scband-nlllogisti-hazard-loss-34359738924 (READ-ONLY COPY).

The authoritative reference and input builder live on the scoring server;
editing this copy changes nothing except your own understanding.
"""

import jax, jax.numpy as jnp
import numpy as np

B = 16384
T = 200

def setup_inputs(seed: int = 0) -> dict:
    key = jax.random.key(seed)
    k1, k2, k3 = jax.random.split(key, 3)
    phi = jax.random.normal(k1, (B, T), dtype=jnp.float32)
    idx_durations = jax.random.randint(k2, (B,), 0, T, dtype=jnp.int32)
    events = jax.random.randint(k3, (B,), 0, 2, dtype=jnp.int32).astype(jnp.bool_)
    return {"phi": phi, "idx_durations": idx_durations, "events": events}


def reference(phi, idx_durations, events):
    # events bool -> float, as in torch implementation
    events_f = events.astype(jnp.float32)
    idx = idx_durations.reshape(-1)
    n = phi.shape[0]
    # torch scatter(1, idx_durations, events): overwrite one column per row
    y_bce = jnp.zeros_like(phi).at[jnp.arange(n), idx].set(events_f)
    # binary_cross_entropy_with_logits, reduction='none' (numerically stable form)
    bce = jnp.maximum(phi, 0.0) - phi * y_bce + jnp.log1p(jnp.exp(-jnp.abs(phi)))
    cs = jnp.cumsum(bce, axis=1)
    loss = jnp.take_along_axis(cs, idx[:, None], axis=1).reshape(-1)
    # reduction='mean'
    return jnp.mean(loss)

if __name__ == "__main__":
    import jax
    _d = setup_inputs()
    print(jax.jit(kernel)(*tuple(_d.values())))

</pallas_src>

<mosaic_0001>
#map = affine_map<(d0, d1) -> (0, 0)>
#map1 = affine_map<(d0, d1) -> (0)>
module attributes {stable_mosaic.version = 14 : i64} {
  func.func @k(%arg0: i32, %arg1: i32, %arg2: memref<200x16384xf32, #tpu.memory_space<hbm>>, %arg3: memref<16384xi32, #tpu.memory_space<hbm>>, %arg4: memref<16384xf32, #tpu.memory_space<hbm>>, %arg5: memref<32x16xf32, #tpu.memory_space<hbm>>, %arg6: memref<200x128xf32, #tpu.memory_space<vmem>>, %arg7: memref<200x128xf32, #tpu.memory_space<vmem>>, %arg8: memref<512xi32, #tpu.memory_space<vmem>>, %arg9: memref<512xf32, #tpu.memory_space<vmem>>, %arg10: memref<16xf32, #tpu.memory_space<vmem>>, %arg11: memref<!tpu.dma_semaphore, #tpu.memory_space<semaphore_mem>>, %arg12: memref<!tpu.dma_semaphore, #tpu.memory_space<semaphore_mem>>) attributes {dimension_semantics = [#tpu.dimension_semantics<core_parallel>, #tpu.dimension_semantics<subcore_parallel>], iteration_bounds = array<i64: 2, 16>, scalar_prefetch = 0 : i64, scratch_operands = 7 : i64, tpu.core_type = #tpu.core_type<sc_vector_subcore>, window_params = [{transform_indices = #map}, {transform_indices = #map1}, {transform_indices = #map1}, {transform_indices = #map}]} {
    %mul3A = arith.constant 2 : i32
    %mul3A_0 = arith.muli %arg1, %mul3A : i32
    %add3A = arith.addi %mul3A_0, %arg0 : i32
    %mul3A_1 = arith.constant 512 : i32
    %mul3A_2 = arith.muli %add3A, %mul3A_1 : i32
    %dma_start3A = arith.constant 0 : i32
    %dma_start3A_3 = tpu.memref_slice %arg2[%dma_start3A, %mul3A_2] : memref<200x16384xf32, #tpu.memory_space<hbm>> -> memref<200x128xf32, #tpu.memory_space<hbm>>
    %dma_start3A_4 = arith.constant 0 : i32
    %dma_start3A_5 = tpu.memref_slice %arg2[%dma_start3A_4, %mul3A_2] : memref<200x16384xf32, #tpu.memory_space<hbm>> -> memref<200x128xf32, #tpu.memory_space<hbm>>
    tpu.enqueue_dma source(%dma_start3A_5 : memref<200x128xf32, #tpu.memory_space<hbm>>) target(%arg6 : memref<200x128xf32, #tpu.memory_space<vmem>>) target_semaphore(%arg11 : memref<!tpu.dma_semaphore, #tpu.memory_space<semaphore_mem>>)
    "tpu.region"() ({
      %run_scoped3A = tpu.sem_alloc : memref<!tpu.dma_semaphore, #tpu.memory_space<semaphore_mem>>
      %dma_start3A_56 = tpu.memref_slice %arg3[%mul3A_2] : memref<16384xi32, #tpu.memory_space<hbm>> -> memref<512xi32, #tpu.memory_space<hbm>>
      %dma_start3A_57 = tpu.memref_slice %arg3[%mul3A_2] : memref<16384xi32, #tpu.memory_space<hbm>> -> memref<512xi32, #tpu.memory_space<hbm>>
      tpu.enqueue_dma source(%dma_start3A_57 : memref<512xi32, #tpu.memory_space<hbm>>) target(%arg8 : memref<512xi32, #tpu.memory_space<vmem>>) target_semaphore(%run_scoped3A : memref<!tpu.dma_semaphore, #tpu.memory_space<semaphore_mem>>)
      %dma_wait3A_58 = tpu.memref_slice %arg3[%mul3A_2] : memref<16384xi32, #tpu.memory_space<hbm>> -> memref<512xi32, #tpu.memory_space<hbm>>
      %dma_wait3A_59 = tpu.memref_slice %arg3[%mul3A_2] : memref<16384xi32, #tpu.memory_space<hbm>> -> memref<512xi32, #tpu.memory_space<hbm>>
      tpu.wait_dma2 semaphore(%run_scoped3A : memref<!tpu.dma_semaphore, #tpu.memory_space<semaphore_mem>>) src(%dma_wait3A_59 : memref<512xi32, #tpu.memory_space<hbm>>) dst(%arg8 : memref<512xi32, #tpu.memory_space<vmem>>)
      tpu.yield
    }) : () -> ()
    "tpu.region"() ({
      %run_scoped3A = tpu.sem_alloc : memref<!tpu.dma_semaphore, #tpu.memory_space<semaphore_mem>>
      %dma_start3A_56 = tpu.memref_slice %arg4[%mul3A_2] : memref<16384xf32, #tpu.memory_space<hbm>> -> memref<512xf32, #tpu.memory_space<hbm>>
      %dma_start3A_57 = tpu.memref_slice %arg4[%mul3A_2] : memref<16384xf32, #tpu.memory_space<hbm>> -> memref<512xf32, #tpu.memory_space<hbm>>
      tpu.enqueue_dma source(%dma_start3A_57 : memref<512xf32, #tpu.memory_space<hbm>>) target(%arg9 : memref<512xf32, #tpu.memory_space<vmem>>) target_semaphore(%run_scoped3A : memref<!tpu.dma_semaphore, #tpu.memory_space<semaphore_mem>>)
      %dma_wait3A_58 = tpu.memref_slice %arg4[%mul3A_2] : memref<16384xf32, #tpu.memory_space<hbm>> -> memref<512xf32, #tpu.memory_space<hbm>>
      %dma_wait3A_59 = tpu.memref_slice %arg4[%mul3A_2] : memref<16384xf32, #tpu.memory_space<hbm>> -> memref<512xf32, #tpu.memory_space<hbm>>
      tpu.wait_dma2 semaphore(%run_scoped3A : memref<!tpu.dma_semaphore, #tpu.memory_space<semaphore_mem>>) src(%dma_wait3A_59 : memref<512xf32, #tpu.memory_space<hbm>>) dst(%arg9 : memref<512xf32, #tpu.memory_space<vmem>>)
      tpu.yield
    }) : () -> ()
    %iota3A = tpu.iota {dimensions = array<i32: 0>} : vector<16xi32>
    %broadcast_in_dim3A = arith.constant 0.000000e+00 : f32
    %broadcast_in_dim3A_6 = vector.broadcast %broadcast_in_dim3A : f32 to vector<16xf32>
    %add3A_7 = arith.constant 128 : i32
    %add3A_8 = arith.addi %mul3A_2, %add3A_7 : i32
    %dma_start3A_9 = arith.constant 0 : i32
    %dma_start3A_10 = tpu.memref_slice %arg2[%dma_start3A_9, %add3A_8] : memref<200x16384xf32, #tpu.memory_space<hbm>> -> memref<200x128xf32, #tpu.memory_space<hbm>>
    %dma_start3A_11 = arith.constant 0 : i32
    %dma_start3A_12 = tpu.memref_slice %arg2[%dma_start3A_11, %add3A_8] : memref<200x16384xf32, #tpu.memory_space<hbm>> -> memref<200x128xf32, #tpu.memory_space<hbm>>
    tpu.enqueue_dma source(%dma_start3A_12 : memref<200x128xf32, #tpu.memory_space<hbm>>) target(%arg7 : memref<200x128xf32, #tpu.memory_space<vmem>>) target_semaphore(%arg12 : memref<!tpu.dma_semaphore, #tpu.memory_space<semaphore_mem>>)
    %dma_wait3A = arith.constant 0 : i32
    %dma_wait3A_13 = tpu.memref_slice %arg2[%dma_wait3A, %mul3A_2] : memref<200x16384xf32, #tpu.memory_space<hbm>> -> memref<200x128xf32, #tpu.memory_space<hbm>>
    %dma_wait3A_14 = arith.constant 0 : i32
    %dma_wait3A_15 = tpu.memref_slice %arg2[%dma_wait3A_14, %mul3A_2] : memref<200x16384xf32, #tpu.memory_space<hbm>> -> memref<200x128xf32, #tpu.memory_space<hbm>>
    tpu.wait_dma2 semaphore(%arg11 : memref<!tpu.dma_semaphore, #tpu.memory_space<semaphore_mem>>) src(%dma_wait3A_15 : memref<200x128xf32, #tpu.memory_space<hbm>>) dst(%arg6 : memref<200x128xf32, #tpu.memory_space<vmem>>)
    %parallel_loop3A = arith.constant 0 : i32
    %parallel_loop3A_16 = arith.constant 8 : i32
    %parallel_loop3A_17 = arith.constant 1 : i32
    %parallel_loop3A_18 = scf.for %parallel_loop3A_56 = %parallel_loop3A to %parallel_loop3A_16 step %parallel_loop3A_17 iter_args(%parallel_loop3A_57 = %broadcast_in_dim3A_6) -> (vector<16xf32>)  : i32 {
      %parallel_loop3A_58 = arith.constant 16 : i32
      %parallel_loop3A_59 = arith.muli %parallel_loop3A_56, %parallel_loop3A_58 : i32
      %parallel_loop3A_60 = arith.constant 0 : i32
      %parallel_loop3A_61 = arith.addi %parallel_loop3A_60, %parallel_loop3A_59 : i32
      %parallel_loop3A_62 = arith.index_cast %parallel_loop3A_61 : i32 to index
      %parallel_loop3A_63 = tpu.vector_load %arg8[%parallel_loop3A_62] {strides = array<i32>} : memref<512xi32, #tpu.memory_space<vmem>>, vector<16xi32>,
      %parallel_loop3A_64 = arith.constant 0 : i32
      %parallel_loop3A_65 = arith.addi %parallel_loop3A_64, %parallel_loop3A_59 : i32
      %parallel_loop3A_66 = arith.index_cast %parallel_loop3A_65 : i32 to index
      %parallel_loop3A_67 = tpu.vector_load %arg9[%parallel_loop3A_66] {strides = array<i32>} : memref<512xf32, #tpu.memory_space<vmem>>, vector<16xf32>,
      %parallel_loop3A_68 = arith.constant 0.000000e+00 : f32
      %parallel_loop3A_69 = vector.broadcast %parallel_loop3A_68 : f32 to vector<16xf32>
      %parallel_loop3A_70 = arith.constant 0 : i32
      %parallel_loop3A_71 = arith.constant 50 : i32
      %parallel_loop3A_72 = arith.constant 1 : i32
      %parallel_loop3A_73 = scf.for %parallel_loop3A_80 = %parallel_loop3A_70 to %parallel_loop3A_71 step %parallel_loop3A_72 iter_args(%parallel_loop3A_81 = %parallel_loop3A_69) -> (vector<16xf32>)  : i32 {
        %parallel_loop3A_82 = arith.constant 4 : i32
        %parallel_loop3A_83 = arith.muli %parallel_loop3A_80, %parallel_loop3A_82 : i32
        %parallel_loop3A_84 = arith.constant 0 : i32
        %parallel_loop3A_85 = arith.addi %parallel_loop3A_83, %parallel_loop3A_84 : i32
        %parallel_loop3A_86 = arith.index_cast %parallel_loop3A_85 : i32 to index
        %parallel_loop3A_87 = arith.index_cast %parallel_loop3A_59 : i32 to index
        %parallel_loop3A_88 = tpu.vector_load %arg6[%parallel_loop3A_86, %parallel_loop3A_87] {strides = array<i32>} : memref<200x128xf32, #tpu.memory_space<vmem>>, vector<16xf32>,
        %parallel_loop3A_89 = vector.broadcast %parallel_loop3A_85 : i32 to vector<16xi32>
        %parallel_loop3A_90 = arith.cmpi sle, %parallel_loop3A_89, %parallel_loop3A_63 : vector<16xi32>
        %parallel_loop3A_91 = vector.bitcast %parallel_loop3A_88 : vector<16xf32> to vector<16xi32>
        %parallel_loop3A_92 = arith.constant -2147483648 : i32
        %parallel_loop3A_93 = vector.broadcast %parallel_loop3A_92 : i32 to vector<16xi32>
        %parallel_loop3A_94 = arith.ori %parallel_loop3A_91, %parallel_loop3A_93 : vector<16xi32>
        %parallel_loop3A_95 = vector.bitcast %parallel_loop3A_94 : vector<16xi32> to vector<16xf32>
        %parallel_loop3A_96 = math.exp %parallel_loop3A_95 : vector<16xf32>
        %parallel_loop3A_97 = arith.constant -0.0739021078 : f32
        %parallel_loop3A_98 = vector.broadcast %parallel_loop3A_97 : f32 to vector<16xf32>
        %parallel_loop3A_99 = arith.mulf %parallel_loop3A_98, %parallel_loop3A_96 : vector<16xf32>
        %parallel_loop3A_100 = arith.constant 0.251883686 : f32
        %parallel_loop3A_101 = vector.broadcast %parallel_loop3A_100 : f32 to vector<16xf32>
        %parallel_loop3A_102 = arith.addf %parallel_loop3A_99, %parallel_loop3A_101 : vector<16xf32>
        %parallel_loop3A_103 = arith.mulf %parallel_loop3A_102, %parallel_loop3A_96 : vector<16xf32>
        %parallel_loop3A_104 = arith.constant -0.48464179 : f32
        %parallel_loop3A_105 = vector.broadcast %parallel_loop3A_104 : f32 to vector<16xf32>
        %parallel_loop3A_106 = arith.addf %parallel_loop3A_103, %parallel_loop3A_105 : vector<16xf32>
        %parallel_loop3A_107 = arith.mulf %parallel_loop3A_106, %parallel_loop3A_96 : vector<16xf32>
        %parallel_loop3A_108 = arith.constant 0.999302387 : f32
        %parallel_loop3A_109 = vector.broadcast %parallel_loop3A_108 : f32 to vector<16xf32>
        %parallel_loop3A_110 = arith.addf %parallel_loop3A_107, %parallel_loop3A_109 : vector<16xf32>
        %parallel_loop3A_111 = arith.constant 0.000000e+00 : f32
        %parallel_loop3A_112 = vector.broadcast %parallel_loop3A_111 : f32 to vector<16xf32>
        %parallel_loop3A_113 = arith.maximumf %parallel_loop3A_88, %parallel_loop3A_112 : vector<16xf32>
        %parallel_loop3A_114 = arith.mulf %parallel_loop3A_96, %parallel_loop3A_110 : vector<16xf32>
        %parallel_loop3A_115 = arith.addf %parallel_loop3A_113, %parallel_loop3A_114 : vector<16xf32>
        %parallel_loop3A_116 = arith.constant 0.000000e+00 : f32
        %parallel_loop3A_117 = vector.broadcast %parallel_loop3A_116 : f32 to vector<16xf32>
        %parallel_loop3A_118 = arith.select %parallel_loop3A_90, %parallel_loop3A_115, %parallel_loop3A_117 : vector<16xi1>, vector<16xf32>
        %parallel_loop3A_119 = arith.constant 4 : i32
        %parallel_loop3A_120 = arith.muli %parallel_loop3A_80, %parallel_loop3A_119 : i32
        %parallel_loop3A_121 = arith.constant 1 : i32
        %parallel_loop3A_122 = arith.addi %parallel_loop3A_120, %parallel_loop3A_121 : i32
        %parallel_loop3A_123 = arith.index_cast %parallel_loop3A_122 : i32 to index
        %parallel_loop3A_124 = arith.index_cast %parallel_loop3A_59 : i32 to index
        %parallel_loop3A_125 = tpu.vector_load %arg6[%parallel_loop3A_123, %parallel_loop3A_124] {strides = array<i32>} : memref<200x128xf32, #tpu.memory_space<vmem>>, vector<16xf32>,
        %parallel_loop3A_126 = vector.broadcast %parallel_loop3A_122 : i32 to vector<16xi32>
        %parallel_loop3A_127 = arith.cmpi sle, %parallel_loop3A_126, %parallel_loop3A_63 : vector<16xi32>
        %parallel_loop3A_128 = vector.bitcast %parallel_loop3A_125 : vector<16xf32> to vector<16xi32>
        %parallel_loop3A_129 = arith.constant -2147483648 : i32
        %parallel_loop3A_130 = vector.broadcast %parallel_loop3A_129 : i32 to vector<16xi32>
        %parallel_loop3A_131 = arith.ori %parallel_loop3A_128, %parallel_loop3A_130 : vector<16xi32>
        %parallel_loop3A_132 = vector.bitcast %parallel_loop3A_131 : vector<16xi32> to vector<16xf32>
        %parallel_loop3A_133 = math.exp %parallel_loop3A_132 : vector<16xf32>
        %parallel_loop3A_134 = arith.constant -0.0739021078 : f32
        %parallel_loop3A_135 = vector.broadcast %parallel_loop3A_134 : f32 to vector<16xf32>
        %parallel_loop3A_136 = arith.mulf %parallel_loop3A_135, %parallel_loop3A_133 : vector<16xf32>
        %parallel_loop3A_137 = arith.constant 0.251883686 : f32
        %parallel_loop3A_138 = vector.broadcast %parallel_loop3A_137 : f32 to vector<16xf32>
        %parallel_loop3A_139 = arith.addf %parallel_loop3A_136, %parallel_loop3A_138 : vector<16xf32>
        %parallel_loop3A_140 = arith.mulf %parallel_loop3A_139, %parallel_loop3A_133 : vector<16xf32>
        %parallel_loop3A_141 = arith.constant -0.48464179 : f32
        %parallel_loop3A_142 = vector.broadcast %parallel_loop3A_141 : f32 to vector<16xf32>
        %parallel_loop3A_143 = arith.addf %parallel_loop3A_140, %parallel_loop3A_142 : vector<16xf32>
        %parallel_loop3A_144 = arith.mulf %parallel_loop3A_143, %parallel_loop3A_133 : vector<16xf32>
        %parallel_loop3A_145 = arith.constant 0.999302387 : f32
        %parallel_loop3A_146 = vector.broadcast %parallel_loop3A_145 : f32 to vector<16xf32>
        %parallel_loop3A_147 = arith.addf %parallel_loop3A_144, %parallel_loop3A_146 : vector<16xf32>
        %parallel_loop3A_148 = arith.constant 0.000000e+00 : f32
        %parallel_loop3A_149 = vector.broadcast %parallel_loop3A_148 : f32 to vector<16xf32>
        %parallel_loop3A_150 = arith.maximumf %parallel_loop3A_125, %parallel_loop3A_149 : vector<16xf32>
        %parallel_loop3A_151 = arith.mulf %parallel_loop3A_133, %parallel_loop3A_147 : vector<16xf32>
        %parallel_loop3A_152 = arith.addf %parallel_loop3A_150, %parallel_loop3A_151 : vector<16xf32>
        %parallel_loop3A_153 = arith.constant 0.000000e+00 : f32
        %parallel_loop3A_154 = vector.broadcast %parallel_loop3A_153 : f32 to vector<16xf32>
        %parallel_loop3A_155 = arith.select %parallel_loop3A_127, %parallel_loop3A_152, %parallel_loop3A_154 : vector<16xi1>, vector<16xf32>
        %parallel_loop3A_156 = arith.constant 4 : i32
        %parallel_loop3A_157 = arith.muli %parallel_loop3A_80, %parallel_loop3A_156 : i32
        %parallel_loop3A_158 = arith.constant 2 : i32
        %parallel_loop3A_159 = arith.addi %parallel_loop3A_157, %parallel_loop3A_158 : i32
        %parallel_loop3A_160 = arith.index_cast %parallel_loop3A_159 : i32 to index
        %parallel_loop3A_161 = arith.index_cast %parallel_loop3A_59 : i32 to index
        %parallel_loop3A_162 = tpu.vector_load %arg6[%parallel_loop3A_160, %parallel_loop3A_161] {strides = array<i32>} : memref<200x128xf32, #tpu.memory_space<vmem>>, vector<16xf32>,
        %parallel_loop3A_163 = vector.broadcast %parallel_loop3A_159 : i32 to vector<16xi32>
        %parallel_loop3A_164 = arith.cmpi sle, %parallel_loop3A_163, %parallel_loop3A_63 : vector<16xi32>
        %parallel_loop3A_165 = vector.bitcast %parallel_loop3A_162 : vector<16xf32> to vector<16xi32>
        %parallel_loop3A_166 = arith.constant -2147483648 : i32
        %parallel_loop3A_167 = vector.broadcast %parallel_loop3A_166 : i32 to vector<16xi32>
        %parallel_loop3A_168 = arith.ori %parallel_loop3A_165, %parallel_loop3A_167 : vector<16xi32>
        %parallel_loop3A_169 = vector.bitcast %parallel_loop3A_168 : vector<16xi32> to vector<16xf32>
        %parallel_loop3A_170 = math.exp %parallel_loop3A_169 : vector<16xf32>
        %parallel_loop3A_171 = arith.constant -0.0739021078 : f32
        %parallel_loop3A_172 = vector.broadcast %parallel_loop3A_171 : f32 to vector<16xf32>
        %parallel_loop3A_173 = arith.mulf %parallel_loop3A_172, %parallel_loop3A_170 : vector<16xf32>
        %parallel_loop3A_174 = arith.constant 0.251883686 : f32
        %parallel_loop3A_175 = vector.broadcast %parallel_loop3A_174 : f32 to vector<16xf32>
        %parallel_loop3A_176 = arith.addf %parallel_loop3A_173, %parallel_loop3A_175 : vector<16xf32>
        %parallel_loop3A_177 = arith.mulf %parallel_loop3A_176, %parallel_loop3A_170 : vector<16xf32>
        %parallel_loop3A_178 = arith.constant -0.48464179 : f32
        %parallel_loop3A_179 = vector.broadcast %parallel_loop3A_178 : f32 to vector<16xf32>
        %parallel_loop3A_180 = arith.addf %parallel_loop3A_177, %parallel_loop3A_179 : vector<16xf32>
        %parallel_loop3A_181 = arith.mulf %parallel_loop3A_180, %parallel_loop3A_170 : vector<16xf32>
        %parallel_loop3A_182 = arith.constant 0.999302387 : f32
        %parallel_loop3A_183 = vector.broadcast %parallel_loop3A_182 : f32 to vector<16xf32>
        %parallel_loop3A_184 = arith.addf %parallel_loop3A_181, %parallel_loop3A_183 : vector<16xf32>
        %parallel_loop3A_185 = arith.constant 0.000000e+00 : f32
        %parallel_loop3A_186 = vector.broadcast %parallel_loop3A_185 : f32 to vector<16xf32>
        %parallel_loop3A_187 = arith.maximumf %parallel_loop3A_162, %parallel_loop3A_186 : vector<16xf32>
        %parallel_loop3A_188 = arith.mulf %parallel_loop3A_170, %parallel_loop3A_184 : vector<16xf32>
        %parallel_loop3A_189 = arith.addf %parallel_loop3A_187, %parallel_loop3A_188 : vector<16xf32>
        %parallel_loop3A_190 = arith.constant 0.000000e+00 : f32
        %parallel_loop3A_191 = vector.broadcast %parallel_loop3A_190 : f32 to vector<16xf32>
        %parallel_loop3A_192 = arith.select %parallel_loop3A_164, %parallel_loop3A_189, %parallel_loop3A_191 : vector<16xi1>, vector<16xf32>
        %parallel_loop3A_193 = arith.constant 4 : i32
        %parallel_loop3A_194 = arith.muli %parallel_loop3A_80, %parallel_loop3A_193 : i32
        %parallel_loop3A_195 = arith.constant 3 : i32
        %parallel_loop3A_196 = arith.addi %parallel_loop3A_194, %parallel_loop3A_195 : i32
        %parallel_loop3A_197 = arith.index_cast %parallel_loop3A_196 : i32 to index
        %parallel_loop3A_198 = arith.index_cast %parallel_loop3A_59 : i32 to index
        %parallel_loop3A_199 = tpu.vector_load %arg6[%parallel_loop3A_197, %parallel_loop3A_198] {strides = array<i32>} : memref<200x128xf32, #tpu.memory_space<vmem>>, vector<16xf32>,
        %parallel_loop3A_200 = vector.broadcast %parallel_loop3A_196 : i32 to vector<16xi32>
        %parallel_loop3A_201 = arith.cmpi sle, %parallel_loop3A_200, %parallel_loop3A_63 : vector<16xi32>
        %parallel_loop3A_202 = vector.bitcast %parallel_loop3A_199 : vector<16xf32> to vector<16xi32>
        %parallel_loop3A_203 = arith.constant -2147483648 : i32
        %parallel_loop3A_204 = vector.broadcast %parallel_loop3A_203 : i32 to vector<16xi32>
        %parallel_loop3A_205 = arith.ori %parallel_loop3A_202, %parallel_loop3A_204 : vector<16xi32>
        %parallel_loop3A_206 = vector.bitcast %parallel_loop3A_205 : vector<16xi32> to vector<16xf32>
        %parallel_loop3A_207 = math.exp %parallel_loop3A_206 : vector<16xf32>
        %parallel_loop3A_208 = arith.constant -0.0739021078 : f32
        %parallel_loop3A_209 = vector.broadcast %parallel_loop3A_208 : f32 to vector<16xf32>
        %parallel_loop3A_210 = arith.mulf %parallel_loop3A_209, %parallel_loop3A_207 : vector<16xf32>
        %parallel_loop3A_211 = arith.constant 0.251883686 : f32
        %parallel_loop3A_212 = vector.broadcast %parallel_loop3A_211 : f32 to vector<16xf32>
        %parallel_loop3A_213 = arith.addf %parallel_loop3A_210, %parallel_loop3A_212 : vector<16xf32>
        %parallel_loop3A_214 = arith.mulf %parallel_loop3A_213, %parallel_loop3A_207 : vector<16xf32>
        %parallel_loop3A_215 = arith.constant -0.48464179 : f32
        %parallel_loop3A_216 = vector.broadcast %parallel_loop3A_215 : f32 to vector<16xf32>
        %parallel_loop3A_217 = arith.addf %parallel_loop3A_214, %parallel_loop3A_216 : vector<16xf32>
        %parallel_loop3A_218 = arith.mulf %parallel_loop3A_217, %parallel_loop3A_207 : vector<16xf32>
        %parallel_loop3A_219 = arith.constant 0.999302387 : f32
        %parallel_loop3A_220 = vector.broadcast %parallel_loop3A_219 : f32 to vector<16xf32>
        %parallel_loop3A_221 = arith.addf %parallel_loop3A_218, %parallel_loop3A_220 : vector<16xf32>
        %parallel_loop3A_222 = arith.constant 0.000000e+00 : f32
        %parallel_loop3A_223 = vector.broadcast %parallel_loop3A_222 : f32 to vector<16xf32>
        %parallel_loop3A_224 = arith.maximumf %parallel_loop3A_199, %parallel_loop3A_223 : vector<16xf32>
        %parallel_loop3A_225 = arith.mulf %parallel_loop3A_207, %parallel_loop3A_221 : vector<16xf32>
        %parallel_loop3A_226 = arith.addf %parallel_loop3A_224, %parallel_loop3A_225 : vector<16xf32>
        %parallel_loop3A_227 = arith.constant 0.000000e+00 : f32
        %parallel_loop3A_228 = vector.broadcast %parallel_loop3A_227 : f32 to vector<16xf32>
        %parallel_loop3A_229 = arith.select %parallel_loop3A_201, %parallel_loop3A_226, %parallel_loop3A_228 : vector<16xi1>, vector<16xf32>
        %parallel_loop3A_230 = arith.addf %parallel_loop3A_118, %parallel_loop3A_155 : vector<16xf32>
        %parallel_loop3A_231 = arith.addf %parallel_loop3A_192, %parallel_loop3A_229 : vector<16xf32>
        %parallel_loop3A_232 = arith.addf %parallel_loop3A_230, %parallel_loop3A_231 : vector<16xf32>
        %parallel_loop3A_233 = arith.addf %parallel_loop3A_81, %parallel_loop3A_232 : vector<16xf32>
        scf.yield %parallel_loop3A_233 : vector<16xf32>
      } {sc.loop_unroll_factor = 4 : i64, sc.parallel_access}
      %parallel_loop3A_74 = vector.broadcast %parallel_loop3A_59 : i32 to vector<16xi32>
      %parallel_loop3A_75 = arith.addi %parallel_loop3A_74, %iota3A : vector<16xi32>
      %parallel_loop3A_76 = tpu.vector_load_idx %arg6[%parallel_loop3A_63, %parallel_loop3A_75] : memref<200x128xf32, #tpu.memory_space<vmem>>[vector<16xi32>, vector<16xi32>], vector<16xf32>,
      %parallel_loop3A_77 = arith.mulf %parallel_loop3A_67, %parallel_loop3A_76 : vector<16xf32>
      %parallel_loop3A_78 = arith.subf %parallel_loop3A_73, %parallel_loop3A_77 : vector<16xf32>
      %parallel_loop3A_79 = arith.addf %parallel_loop3A_57, %parallel_loop3A_78 : vector<16xf32>
      scf.yield %parallel_loop3A_79 : vector<16xf32>
    } {sc.loop_unroll_factor = 1 : i64, sc.parallel_access}
    %add3A_19 = arith.constant 256 : i32
    %add3A_20 = arith.addi %mul3A_2, %add3A_19 : i32
    %dma_start3A_21 = arith.constant 0 : i32
    %dma_start3A_22 = tpu.memref_slice %arg2[%dma_start3A_21, %add3A_20] : memref<200x16384xf32, #tpu.memory_space<hbm>> -> memref<200x128xf32, #tpu.memory_space<hbm>>
    %dma_start3A_23 = arith.constant 0 : i32
    %dma_start3A_24 = tpu.memref_slice %arg2[%dma_start3A_23, %add3A_20] : memref<200x16384xf32, #tpu.memory_space<hbm>> -> memref<200x128xf32, #tpu.memory_space<hbm>>
    tpu.enqueue_dma source(%dma_start3A_24 : memref<200x128xf32, #tpu.memory_space<hbm>>) target(%arg6 : memref<200x128xf32, #tpu.memory_space<vmem>>) target_semaphore(%arg11 : memref<!tpu.dma_semaphore, #tpu.memory_space<semaphore_mem>>)
    %dma_wait3A_25 = arith.constant 0 : i32
    %dma_wait3A_26 = tpu.memref_slice %arg2[%dma_wait3A_25, %add3A_8] : memref<200x16384xf32, #tpu.memory_space<hbm>> -> memref<200x128xf32, #tpu.memory_space<hbm>>
    %dma_wait3A_27 = arith.constant 0 : i32
    %dma_wait3A_28 = tpu.memref_slice %arg2[%dma_wait3A_27, %add3A_8] : memref<200x16384xf32, #tpu.memory_space<hbm>> -> memref<200x128xf32, #tpu.memory_space<hbm>>
    tpu.wait_dma2 semaphore(%arg12 : memref<!tpu.dma_semaphore, #tpu.memory_space<semaphore_mem>>) src(%dma_wait3A_28 : memref<200x128xf32, #tpu.memory_space<hbm>>) dst(%arg7 : memref<200x128xf32, #tpu.memory_space<vmem>>)
    %parallel_loop3A_29 = arith.constant 0 : i32
    %parallel_loop3A_30 = arith.constant 8 : i32
    %parallel_loop3A_31 = arith.constant 1 : i32
    %parallel_loop3A_32 = scf.for %parallel_loop3A_56 = %parallel_loop3A_29 to %parallel_loop3A_30 step %parallel_loop3A_31 iter_args(%parallel_loop3A_57 = %parallel_loop3A_18) -> (vector<16xf32>)  : i32 {
      %parallel_loop3A_58 = arith.constant 16 : i32
      %parallel_loop3A_59 = arith.muli %parallel_loop3A_56, %parallel_loop3A_58 : i32
      %parallel_loop3A_60 = arith.constant 128 : i32
      %parallel_loop3A_61 = arith.addi %parallel_loop3A_60, %parallel_loop3A_59 : i32
      %parallel_loop3A_62 = arith.index_cast %parallel_loop3A_61 : i32 to index
      %parallel_loop3A_63 = tpu.vector_load %arg8[%parallel_loop3A_62] {strides = array<i32>} : memref<512xi32, #tpu.memory_space<vmem>>, vector<16xi32>,
      %parallel_loop3A_64 = arith.constant 128 : i32
      %parallel_loop3A_65 = arith.addi %parallel_loop3A_64, %parallel_loop3A_59 : i32
      %parallel_loop3A_66 = arith.index_cast %parallel_loop3A_65 : i32 to index
      %parallel_loop3A_67 = tpu.vector_load %arg9[%parallel_loop3A_66] {strides = array<i32>} : memref<512xf32, #tpu.memory_space<vmem>>, vector<16xf32>,
      %parallel_loop3A_68 = arith.constant 0.000000e+00 : f32
      %parallel_loop3A_69 = vector.broadcast %parallel_loop3A_68 : f32 to vector<16xf32>
      %parallel_loop3A_70 = arith.constant 0 : i32
      %parallel_loop3A_71 = arith.constant 50 : i32
      %parallel_loop3A_72 = arith.constant 1 : i32
      %parallel_loop3A_73 = scf.for %parallel_loop3A_80 = %parallel_loop3A_70 to %parallel_loop3A_71 step %parallel_loop3A_72 iter_args(%parallel_loop3A_81 = %parallel_loop3A_69) -> (vector<16xf32>)  : i32 {
        %parallel_loop3A_82 = arith.constant 4 : i32
        %parallel_loop3A_83 = arith.muli %parallel_loop3A_80, %parallel_loop3A_82 : i32
        %parallel_loop3A_84 = arith.constant 0 : i32
        %parallel_loop3A_85 = arith.addi %parallel_loop3A_83, %parallel_loop3A_84 : i32
        %parallel_loop3A_86 = arith.index_cast %parallel_loop3A_85 : i32 to index
        %parallel_loop3A_87 = arith.index_cast %parallel_loop3A_59 : i32 to index
        %parallel_loop3A_88 = tpu.vector_load %arg7[%parallel_loop3A_86, %parallel_loop3A_87] {strides = array<i32>} : memref<200x128xf32, #tpu.memory_space<vmem>>, vector<16xf32>,
        %parallel_loop3A_89 = vector.broadcast %parallel_loop3A_85 : i32 to vector<16xi32>
        %parallel_loop3A_90 = arith.cmpi sle, %parallel_loop3A_89, %parallel_loop3A_63 : vector<16xi32>
        %parallel_loop3A_91 = vector.bitcast %parallel_loop3A_88 : vector<16xf32> to vector<16xi32>
        %parallel_loop3A_92 = arith.constant -2147483648 : i32
        %parallel_loop3A_93 = vector.broadcast %parallel_loop3A_92 : i32 to vector<16xi32>
        %parallel_loop3A_94 = arith.ori %parallel_loop3A_91, %parallel_loop3A_93 : vector<16xi32>
        %parallel_loop3A_95 = vector.bitcast %parallel_loop3A_94 : vector<16xi32> to vector<16xf32>
        %parallel_loop3A_96 = math.exp %parallel_loop3A_95 : vector<16xf32>
        %parallel_loop3A_97 = arith.constant -0.0739021078 : f32
        %parallel_loop3A_98 = vector.broadcast %parallel_loop3A_97 : f32 to vector<16xf32>
        %parallel_loop3A_99 = arith.mulf %parallel_loop3A_98, %parallel_loop3A_96 : vector<16xf32>
        %parallel_loop3A_100 = arith.constant 0.251883686 : f32
        %parallel_loop3A_101 = vector.broadcast %parallel_loop3A_100 : f32 to vector<16xf32>
        %parallel_loop3A_102 = arith.addf %parallel_loop3A_99, %parallel_loop3A_101 : vector<16xf32>
        %parallel_loop3A_103 = arith.mulf %parallel_loop3A_102, %parallel_loop3A_96 : vector<16xf32>
        %parallel_loop3A_104 = arith.constant -0.48464179 : f32
        %parallel_loop3A_105 = vector.broadcast %parallel_loop3A_104 : f32 to vector<16xf32>
        %parallel_loop3A_106 = arith.addf %parallel_loop3A_103, %parallel_loop3A_105 : vector<16xf32>
        %parallel_loop3A_107 = arith.mulf %parallel_loop3A_106, %parallel_loop3A_96 : vector<16xf32>
        %parallel_loop3A_108 = arith.constant 0.999302387 : f32
        %parallel_loop3A_109 = vector.broadcast %parallel_loop3A_108 : f32 to vector<16xf32>
        %parallel_loop3A_110 = arith.addf %parallel_loop3A_107, %parallel_loop3A_109 : vector<16xf32>
        %parallel_loop3A_111 = arith.constant 0.000000e+00 : f32
        %parallel_loop3A_112 = vector.broadcast %parallel_loop3A_111 : f32 to vector<16xf32>
        %parallel_loop3A_113 = arith.maximumf %parallel_loop3A_88, %parallel_loop3A_112 : vector<16xf32>
        %parallel_loop3A_114 = arith.mulf %parallel_loop3A_96, %parallel_loop3A_110 : vector<16xf32>
        %parallel_loop3A_115 = arith.addf %parallel_loop3A_113, %parallel_loop3A_114 : vector<16xf32>
        %parallel_loop3A_116 = arith.constant 0.000000e+00 : f32
        %parallel_loop3A_117 = vector.broadcast %parallel_loop3A_116 : f32 to vector<16xf32>
        %parallel_loop3A_118 = arith.select %parallel_loop3A_90, %parallel_loop3A_115, %parallel_loop3A_117 : vector<16xi1>, vector<16xf32>
        %parallel_loop3A_119 = arith.constant 4 : i32
        %parallel_loop3A_120 = arith.muli %parallel_loop3A_80, %parallel_loop3A_119 : i32
        %parallel_loop3A_121 = arith.constant 1 : i32
        %parallel_loop3A_122 = arith.addi %parallel_loop3A_120, %parallel_loop3A_121 : i32
        %parallel_loop3A_123 = arith.index_cast %parallel_loop3A_122 : i32 to index
        %parallel_loop3A_124 = arith.index_cast %parallel_loop3A_59 : i32 to index
        %parallel_loop3A_125 = tpu.vector_load %arg7[%parallel_loop3A_123, %parallel_loop3A_124] {strides = array<i32>} : memref<200x128xf32, #tpu.memory_space<vmem>>, vector<16xf32>,
        %parallel_loop3A_126 = vector.broadcast %parallel_loop3A_122 : i32 to vector<16xi32>
        %parallel_loop3A_127 = arith.cmpi sle, %parallel_loop3A_126, %parallel_loop3A_63 : vector<16xi32>
        %parallel_loop3A_128 = vector.bitcast %parallel_loop3A_125 : vector<16xf32> to vector<16xi32>
        %parallel_loop3A_129 = arith.constant -2147483648 : i32
        %parallel_loop3A_130 = vector.broadcast %parallel_loop3A_129 : i32 to vector<16xi32>
        %parallel_loop3A_131 = arith.ori %parallel_loop3A_128, %parallel_loop3A_130 : vector<16xi32>
        %parallel_loop3A_132 = vector.bitcast %parallel_loop3A_131 : vector<16xi32> to vector<16xf32>
        %parallel_loop3A_133 = math.exp %parallel_loop3A_132 : vector<16xf32>
        %parallel_loop3A_134 = arith.constant -0.0739021078 : f32
        %parallel_loop3A_135 = vector.broadcast %parallel_loop3A_134 : f32 to vector<16xf32>
        %parallel_loop3A_136 = arith.mulf %parallel_loop3A_135, %parallel_loop3A_133 : vector<16xf32>
        %parallel_loop3A_137 = arith.constant 0.251883686 : f32
        %parallel_loop3A_138 = vector.broadcast %parallel_loop3A_137 : f32 to vector<16xf32>
        %parallel_loop3A_139 = arith.addf %parallel_loop3A_136, %parallel_loop3A_138 : vector<16xf32>
        %parallel_loop3A_140 = arith.mulf %parallel_loop3A_139, %parallel_loop3A_133 : vector<16xf32>
        %parallel_loop3A_141 = arith.constant -0.48464179 : f32
        %parallel_loop3A_142 = vector.broadcast %parallel_loop3A_141 : f32 to vector<16xf32>
        %parallel_loop3A_143 = arith.addf %parallel_loop3A_140, %parallel_loop3A_142 : vector<16xf32>
        %parallel_loop3A_144 = arith.mulf %parallel_loop3A_143, %parallel_loop3A_133 : vector<16xf32>
        %parallel_loop3A_145 = arith.constant 0.999302387 : f32
        %parallel_loop3A_146 = vector.broadcast %parallel_loop3A_145 : f32 to vector<16xf32>
        %parallel_loop3A_147 = arith.addf %parallel_loop3A_144, %parallel_loop3A_146 : vector<16xf32>
        %parallel_loop3A_148 = arith.constant 0.000000e+00 : f32
        %parallel_loop3A_149 = vector.broadcast %parallel_loop3A_148 : f32 to vector<16xf32>
        %parallel_loop3A_150 = arith.maximumf %parallel_loop3A_125, %parallel_loop3A_149 : vector<16xf32>
        %parallel_loop3A_151 = arith.mulf %parallel_loop3A_133, %parallel_loop3A_147 : vector<16xf32>
        %parallel_loop3A_152 = arith.addf %parallel_loop3A_150, %parallel_loop3A_151 : vector<16xf32>
        %parallel_loop3A_153 = arith.constant 0.000000e+00 : f32
        %parallel_loop3A_154 = vector.broadcast %parallel_loop3A_153 : f32 to vector<16xf32>
        %parallel_loop3A_155 = arith.select %parallel_loop3A_127, %parallel_loop3A_152, %parallel_loop3A_154 : vector<16xi1>, vector<16xf32>
        %parallel_loop3A_156 = arith.constant 4 : i32
        %parallel_loop3A_157 = arith.muli %parallel_loop3A_80, %parallel_loop3A_156 : i32
        %parallel_loop3A_158 = arith.constant 2 : i32
        %parallel_loop3A_159 = arith.addi %parallel_loop3A_157, %parallel_loop3A_158 : i32
        %parallel_loop3A_160 = arith.index_cast %parallel_loop3A_159 : i32 to index
        %parallel_loop3A_161 = arith.index_cast %parallel_loop3A_59 : i32 to index
        %parallel_loop3A_162 = tpu.vector_load %arg7[%parallel_loop3A_160, %parallel_loop3A_161] {strides = array<i32>} : memref<200x128xf32, #tpu.memory_space<vmem>>, vector<16xf32>,
        %parallel_loop3A_163 = vector.broadcast %parallel_loop3A_159 : i32 to vector<16xi32>
        %parallel_loop3A_164 = arith.cmpi sle, %parallel_loop3A_163, %parallel_loop3A_63 : vector<16xi32>
        %parallel_loop3A_165 = vector.bitcast %parallel_loop3A_162 : vector<16xf32> to vector<16xi32>
        %parallel_loop3A_166 = arith.constant -2147483648 : i32
        %parallel_loop3A_167 = vector.broadcast %parallel_loop3A_166 : i32 to vector<16xi32>
        %parallel_loop3A_168 = arith.ori %parallel_loop3A_165, %parallel_loop3A_167 : vector<16xi32>
        %parallel_loop3A_169 = vector.bitcast %parallel_loop3A_168 : vector<16xi32> to vector<16xf32>
        %parallel_loop3A_170 = math.exp %parallel_loop3A_169 : vector<16xf32>
        %parallel_loop3A_171 = arith.constant -0.0739021078 : f32
        %parallel_loop3A_172 = vector.broadcast %parallel_loop3A_171 : f32 to vector<16xf32>
        %parallel_loop3A_173 = arith.mulf %parallel_loop3A_172, %parallel_loop3A_170 : vector<16xf32>
        %parallel_loop3A_174 = arith.constant 0.251883686 : f32
        %parallel_loop3A_175 = vector.broadcast %parallel_loop3A_174 : f32 to vector<16xf32>
        %parallel_loop3A_176 = arith.addf %parallel_loop3A_173, %parallel_loop3A_175 : vector<16xf32>
        %parallel_loop3A_177 = arith.mulf %parallel_loop3A_176, %parallel_loop3A_170 : vector<16xf32>
        %parallel_loop3A_178 = arith.constant -0.48464179 : f32
        %parallel_loop3A_179 = vector.broadcast %parallel_loop3A_178 : f32 to vector<16xf32>
        %parallel_loop3A_180 = arith.addf %parallel_loop3A_177, %parallel_loop3A_179 : vector<16xf32>
        %parallel_loop3A_181 = arith.mulf %parallel_loop3A_180, %parallel_loop3A_170 : vector<16xf32>
        %parallel_loop3A_182 = arith.constant 0.999302387 : f32
        %parallel_loop3A_183 = vector.broadcast %parallel_loop3A_182 : f32 to vector<16xf32>
        %parallel_loop3A_184 = arith.addf %parallel_loop3A_181, %parallel_loop3A_183 : vector<16xf32>
        %parallel_loop3A_185 = arith.constant 0.000000e+00 : f32
        %parallel_loop3A_186 = vector.broadcast %parallel_loop3A_185 : f32 to vector<16xf32>
        %parallel_loop3A_187 = arith.maximumf %parallel_loop3A_162, %parallel_loop3A_186 : vector<16xf32>
        %parallel_loop3A_188 = arith.mulf %parallel_loop3A_170, %parallel_loop3A_184 : vector<16xf32>
        %parallel_loop3A_189 = arith.addf %parallel_loop3A_187, %parallel_loop3A_188 : vector<16xf32>
        %parallel_loop3A_190 = arith.constant 0.000000e+00 : f32
        %parallel_loop3A_191 = vector.broadcast %parallel_loop3A_190 : f32 to vector<16xf32>
        %parallel_loop3A_192 = arith.select %parallel_loop3A_164, %parallel_loop3A_189, %parallel_loop3A_191 : vector<16xi1>, vector<16xf32>
        %parallel_loop3A_193 = arith.constant 4 : i32
        %parallel_loop3A_194 = arith.muli %parallel_loop3A_80, %parallel_loop3A_193 : i32
        %parallel_loop3A_195 = arith.constant 3 : i32
        %parallel_loop3A_196 = arith.addi %parallel_loop3A_194, %parallel_loop3A_195 : i32
        %parallel_loop3A_197 = arith.index_cast %parallel_loop3A_196 : i32 to index
        %parallel_loop3A_198 = arith.index_cast %parallel_loop3A_59 : i32 to index
        %parallel_loop3A_199 = tpu.vector_load %arg7[%parallel_loop3A_197, %parallel_loop3A_198] {strides = array<i32>} : memref<200x128xf32, #tpu.memory_space<vmem>>, vector<16xf32>,
        %parallel_loop3A_200 = vector.broadcast %parallel_loop3A_196 : i32 to vector<16xi32>
        %parallel_loop3A_201 = arith.cmpi sle, %parallel_loop3A_200, %parallel_loop3A_63 : vector<16xi32>
        %parallel_loop3A_202 = vector.bitcast %parallel_loop3A_199 : vector<16xf32> to vector<16xi32>
        %parallel_loop3A_203 = arith.constant -2147483648 : i32
        %parallel_loop3A_204 = vector.broadcast %parallel_loop3A_203 : i32 to vector<16xi32>
        %parallel_loop3A_205 = arith.ori %parallel_loop3A_202, %parallel_loop3A_204 : vector<16xi32>
        %parallel_loop3A_206 = vector.bitcast %parallel_loop3A_205 : vector<16xi32> to vector<16xf32>
        %parallel_loop3A_207 = math.exp %parallel_loop3A_206 : vector<16xf32>
        %parallel_loop3A_208 = arith.constant -0.0739021078 : f32
        %parallel_loop3A_209 = vector.broadcast %parallel_loop3A_208 : f32 to vector<16xf32>
        %parallel_loop3A_210 = arith.mulf %parallel_loop3A_209, %parallel_loop3A_207 : vector<16xf32>
        %parallel_loop3A_211 = arith.constant 0.251883686 : f32
        %parallel_loop3A_212 = vector.broadcast %parallel_loop3A_211 : f32 to vector<16xf32>
        %parallel_loop3A_213 = arith.addf %parallel_loop3A_210, %parallel_loop3A_212 : vector<16xf32>
        %parallel_loop3A_214 = arith.mulf %parallel_loop3A_213, %parallel_loop3A_207 : vector<16xf32>
        %parallel_loop3A_215 = arith.constant -0.48464179 : f32
        %parallel_loop3A_216 = vector.broadcast %parallel_loop3A_215 : f32 to vector<16xf32>
        %parallel_loop3A_217 = arith.addf %parallel_loop3A_214, %parallel_loop3A_216 : vector<16xf32>
        %parallel_loop3A_218 = arith.mulf %parallel_loop3A_217, %parallel_loop3A_207 : vector<16xf32>
        %parallel_loop3A_219 = arith.constant 0.999302387 : f32
        %parallel_loop3A_220 = vector.broadcast %parallel_loop3A_219 : f32 to vector<16xf32>
        %parallel_loop3A_221 = arith.addf %parallel_loop3A_218, %parallel_loop3A_220 : vector<16xf32>
        %parallel_loop3A_222 = arith.constant 0.000000e+00 : f32
        %parallel_loop3A_223 = vector.broadcast %parallel_loop3A_222 : f32 to vector<16xf32>
        %parallel_loop3A_224 = arith.maximumf %parallel_loop3A_199, %parallel_loop3A_223 : vector<16xf32>
        %parallel_loop3A_225 = arith.mulf %parallel_loop3A_207, %parallel_loop3A_221 : vector<16xf32>
        %parallel_loop3A_226 = arith.addf %parallel_loop3A_224, %parallel_loop3A_225 : vector<16xf32>
        %parallel_loop3A_227 = arith.constant 0.000000e+00 : f32
        %parallel_loop3A_228 = vector.broadcast %parallel_loop3A_227 : f32 to vector<16xf32>
        %parallel_loop3A_229 = arith.select %parallel_loop3A_201, %parallel_loop3A_226, %parallel_loop3A_228 : vector<16xi1>, vector<16xf32>
        %parallel_loop3A_230 = arith.addf %parallel_loop3A_118, %parallel_loop3A_155 : vector<16xf32>
        %parallel_loop3A_231 = arith.addf %parallel_loop3A_192, %parallel_loop3A_229 : vector<16xf32>
        %parallel_loop3A_232 = arith.addf %parallel_loop3A_230, %parallel_loop3A_231 : vector<16xf32>
        %parallel_loop3A_233 = arith.addf %parallel_loop3A_81, %parallel_loop3A_232 : vector<16xf32>
        scf.yield %parallel_loop3A_233 : vector<16xf32>
      } {sc.loop_unroll_factor = 4 : i64, sc.parallel_access}
      %parallel_loop3A_74 = vector.broadcast %parallel_loop3A_59 : i32 to vector<16xi32>
      %parallel_loop3A_75 = arith.addi %parallel_loop3A_74, %iota3A : vector<16xi32>
      %parallel_loop3A_76 = tpu.vector_load_idx %arg7[%parallel_loop3A_63, %parallel_loop3A_75] : memref<200x128xf32, #tpu.memory_space<vmem>>[vector<16xi32>, vector<16xi32>], vector<16xf32>,
      %parallel_loop3A_77 = arith.mulf %parallel_loop3A_67, %parallel_loop3A_76 : vector<16xf32>
      %parallel_loop3A_78 = arith.subf %parallel_loop3A_73, %parallel_loop3A_77 : vector<16xf32>
      %parallel_loop3A_79 = arith.addf %parallel_loop3A_57, %parallel_loop3A_78 : vector<16xf32>
      scf.yield %parallel_loop3A_79 : vector<16xf32>
    } {sc.loop_unroll_factor = 1 : i64, sc.parallel_access}
    %add3A_33 = arith.constant 384 : i32
    %add3A_34 = arith.addi %mul3A_2, %add3A_33 : i32
    %dma_start3A_35 = arith.constant 0 : i32
    %dma_start3A_36 = tpu.memref_slice %arg2[%dma_start3A_35, %add3A_34] : memref<200x16384xf32, #tpu.memory_space<hbm>> -> memref<200x128xf32, #tpu.memory_space<hbm>>
    %dma_start3A_37 = arith.constant 0 : i32
    %dma_start3A_38 = tpu.memref_slice %arg2[%dma_start3A_37, %add3A_34] : memref<200x16384xf32, #tpu.memory_space<hbm>> -> memref<200x128xf32, #tpu.memory_space<hbm>>
    tpu.enqueue_dma source(%dma_start3A_38 : memref<200x128xf32, #tpu.memory_space<hbm>>) target(%arg7 : memref<200x128xf32, #tpu.memory_space<vmem>>) target_semaphore(%arg12 : memref<!tpu.dma_semaphore, #tpu.memory_space<semaphore_mem>>)
    %dma_wait3A_39 = arith.constant 0 : i32
    %dma_wait3A_40 = tpu.memref_slice %arg2[%dma_wait3A_39, %add3A_20] : memref<200x16384xf32, #tpu.memory_space<hbm>> -> memref<200x128xf32, #tpu.memory_space<hbm>>
    %dma_wait3A_41 = arith.constant 0 : i32
    %dma_wait3A_42 = tpu.memref_slice %arg2[%dma_wait3A_41, %add3A_20] : memref<200x16384xf32, #tpu.memory_space<hbm>> -> memref<200x128xf32, #tpu.memory_space<hbm>>
    tpu.wait_dma2 semaphore(%arg11 : memref<!tpu.dma_semaphore, #tpu.memory_space<semaphore_mem>>) src(%dma_wait3A_42 : memref<200x128xf32, #tpu.memory_space<hbm>>) dst(%arg6 : memref<200x128xf32, #tpu.memory_space<vmem>>)
    %parallel_loop3A_43 = arith.constant 0 : i32
    %parallel_loop3A_44 = arith.constant 8 : i32
    %parallel_loop3A_45 = arith.constant 1 : i32
    %parallel_loop3A_46 = scf.for %parallel_loop3A_56 = %parallel_loop3A_43 to %parallel_loop3A_44 step %parallel_loop3A_45 iter_args(%parallel_loop3A_57 = %parallel_loop3A_32) -> (vector<16xf32>)  : i32 {
      %parallel_loop3A_58 = arith.constant 16 : i32
      %parallel_loop3A_59 = arith.muli %parallel_loop3A_56, %parallel_loop3A_58 : i32
      %parallel_loop3A_60 = arith.constant 256 : i32
      %parallel_loop3A_61 = arith.addi %parallel_loop3A_60, %parallel_loop3A_59 : i32
      %parallel_loop3A_62 = arith.index_cast %parallel_loop3A_61 : i32 to index
      %parallel_loop3A_63 = tpu.vector_load %arg8[%parallel_loop3A_62] {strides = array<i32>} : memref<512xi32, #tpu.memory_space<vmem>>, vector<16xi32>,
      %parallel_loop3A_64 = arith.constant 256 : i32
      %parallel_loop3A_65 = arith.addi %parallel_loop3A_64, %parallel_loop3A_59 : i32
      %parallel_loop3A_66 = arith.index_cast %parallel_loop3A_65 : i32 to index
      %parallel_loop3A_67 = tpu.vector_load %arg9[%parallel_loop3A_66] {strides = array<i32>} : memref<512xf32, #tpu.memory_space<vmem>>, vector<16xf32>,
      %parallel_loop3A_68 = arith.constant 0.000000e+00 : f32
      %parallel_loop3A_69 = vector.broadcast %parallel_loop3A_68 : f32 to vector<16xf32>
      %parallel_loop3A_70 = arith.constant 0 : i32
      %parallel_loop3A_71 = arith.constant 50 : i32
      %parallel_loop3A_72 = arith.constant 1 : i32
      %parallel_loop3A_73 = scf.for %parallel_loop3A_80 = %parallel_loop3A_70 to %parallel_loop3A_71 step %parallel_loop3A_72 iter_args(%parallel_loop3A_81 = %parallel_loop3A_69) -> (vector<16xf32>)  : i32 {
        %parallel_loop3A_82 = arith.constant 4 : i32
        %parallel_loop3A_83 = arith.muli %parallel_loop3A_80, %parallel_loop3A_82 : i32
        %parallel_loop3A_84 = arith.constant 0 : i32
        %parallel_loop3A_85 = arith.addi %parallel_loop3A_83, %parallel_loop3A_84 : i32
        %parallel_loop3A_86 = arith.index_cast %parallel_loop3A_85 : i32 to index
        %parallel_loop3A_87 = arith.index_cast %parallel_loop3A_59 : i32 to index
        %parallel_loop3A_88 = tpu.vector_load %arg6[%parallel_loop3A_86, %parallel_loop3A_87] {strides = array<i32>} : memref<200x128xf32, #tpu.memory_space<vmem>>, vector<16xf32>,
        %parallel_loop3A_89 = vector.broadcast %parallel_loop3A_85 : i32 to vector<16xi32>
        %parallel_loop3A_90 = arith.cmpi sle, %parallel_loop3A_89, %parallel_loop3A_63 : vector<16xi32>
        %parallel_loop3A_91 = vector.bitcast %parallel_loop3A_88 : vector<16xf32> to vector<16xi32>
        %parallel_loop3A_92 = arith.constant -2147483648 : i32
        %parallel_loop3A_93 = vector.broadcast %parallel_loop3A_92 : i32 to vector<16xi32>
        %parallel_loop3A_94 = arith.ori %parallel_loop3A_91, %parallel_loop3A_93 : vector<16xi32>
        %parallel_loop3A_95 = vector.bitcast %parallel_loop3A_94 : vector<16xi32> to vector<16xf32>
        %parallel_loop3A_96 = math.exp %parallel_loop3A_95 : vector<16xf32>
        %parallel_loop3A_97 = arith.constant -0.0739021078 : f32
        %parallel_loop3A_98 = vector.broadcast %parallel_loop3A_97 : f32 to vector<16xf32>
        %parallel_loop3A_99 = arith.mulf %parallel_loop3A_98, %parallel_loop3A_96 : vector<16xf32>
        %parallel_loop3A_100 = arith.constant 0.251883686 : f32
        %parallel_loop3A_101 = vector.broadcast %parallel_loop3A_100 : f32 to vector<16xf32>
        %parallel_loop3A_102 = arith.addf %parallel_loop3A_99, %parallel_loop3A_101 : vector<16xf32>
        %parallel_loop3A_103 = arith.mulf %parallel_loop3A_102, %parallel_loop3A_96 : vector<16xf32>
        %parallel_loop3A_104 = arith.constant -0.48464179 : f32
        %parallel_loop3A_105 = vector.broadcast %parallel_loop3A_104 : f32 to vector<16xf32>
        %parallel_loop3A_106 = arith.addf %parallel_loop3A_103, %parallel_loop3A_105 : vector<16xf32>
        %parallel_loop3A_107 = arith.mulf %parallel_loop3A_106, %parallel_loop3A_96 : vector<16xf32>
        %parallel_loop3A_108 = arith.constant 0.999302387 : f32
        %parallel_loop3A_109 = vector.broadcast %parallel_loop3A_108 : f32 to vector<16xf32>
        %parallel_loop3A_110 = arith.addf %parallel_loop3A_107, %parallel_loop3A_109 : vector<16xf32>
        %parallel_loop3A_111 = arith.constant 0.000000e+00 : f32
        %parallel_loop3A_112 = vector.broadcast %parallel_loop3A_111 : f32 to vector<16xf32>
        %parallel_loop3A_113 = arith.maximumf %parallel_loop3A_88, %parallel_loop3A_112 : vector<16xf32>
        %parallel_loop3A_114 = arith.mulf %parallel_loop3A_96, %parallel_loop3A_110 : vector<16xf32>
        %parallel_loop3A_115 = arith.addf %parallel_loop3A_113, %parallel_loop3A_114 : vector<16xf32>
        %parallel_loop3A_116 = arith.constant 0.000000e+00 : f32
        %parallel_loop3A_117 = vector.broadcast %parallel_loop3A_116 : f32 to vector<16xf32>
        %parallel_loop3A_118 = arith.select %parallel_loop3A_90, %parallel_loop3A_115, %parallel_loop3A_117 : vector<16xi1>, vector<16xf32>
        %parallel_loop3A_119 = arith.constant 4 : i32
        %parallel_loop3A_120 = arith.muli %parallel_loop3A_80, %parallel_loop3A_119 : i32
        %parallel_loop3A_121 = arith.constant 1 : i32
        %parallel_loop3A_122 = arith.addi %parallel_loop3A_120, %parallel_loop3A_121 : i32
        %parallel_loop3A_123 = arith.index_cast %parallel_loop3A_122 : i32 to index
        %parallel_loop3A_124 = arith.index_cast %parallel_loop3A_59 : i32 to index
        %parallel_loop3A_125 = tpu.vector_load %arg6[%parallel_loop3A_123, %parallel_loop3A_124] {strides = array<i32>} : memref<200x128xf32, #tpu.memory_space<vmem>>, vector<16xf32>,
        %parallel_loop3A_126 = vector.broadcast %parallel_loop3A_122 : i32 to vector<16xi32>
        %parallel_loop3A_127 = arith.cmpi sle, %parallel_loop3A_126, %parallel_loop3A_63 : vector<16xi32>
        %parallel_loop3A_128 = vector.bitcast %parallel_loop3A_125 : vector<16xf32> to vector<16xi32>
        %parallel_loop3A_129 = arith.constant -2147483648 : i32
        %parallel_loop3A_130 = vector.broadcast %parallel_loop3A_129 : i32 to vector<16xi32>
        %parallel_loop3A_131 = arith.ori %parallel_loop3A_128, %parallel_loop3A_130 : vector<16xi32>
        %parallel_loop3A_132 = vector.bitcast %parallel_loop3A_131 : vector<16xi32> to vector<16xf32>
        %parallel_loop3A_133 = math.exp %parallel_loop3A_132 : vector<16xf32>
        %parallel_loop3A_134 = arith.constant -0.0739021078 : f32
        %parallel_loop3A_135 = vector.broadcast %parallel_loop3A_134 : f32 to vector<16xf32>
        %parallel_loop3A_136 = arith.mulf %parallel_loop3A_135, %parallel_loop3A_133 : vector<16xf32>
        %parallel_loop3A_137 = arith.constant 0.251883686 : f32
        %parallel_loop3A_138 = vector.broadcast %parallel_loop3A_137 : f32 to vector<16xf32>
        %parallel_loop3A_139 = arith.addf %parallel_loop3A_136, %parallel_loop3A_138 : vector<16xf32>
        %parallel_loop3A_140 = arith.mulf %parallel_loop3A_139, %parallel_loop3A_133 : vector<16xf32>
        %parallel_loop3A_141 = arith.constant -0.48464179 : f32
        %parallel_loop3A_142 = vector.broadcast %parallel_loop3A_141 : f32 to vector<16xf32>
        %parallel_loop3A_143 = arith.addf %parallel_loop3A_140, %parallel_loop3A_142 : vector<16xf32>
        %parallel_loop3A_144 = arith.mulf %parallel_loop3A_143, %parallel_loop3A_133 : vector<16xf32>
        %parallel_loop3A_145 = arith.constant 0.999302387 : f32
        %parallel_loop3A_146 = vector.broadcast %parallel_loop3A_145 : f32 to vector<16xf32>
        %parallel_loop3A_147 = arith.addf %parallel_loop3A_144, %parallel_loop3A_146 : vector<16xf32>
        %parallel_loop3A_148 = arith.constant 0.000000e+00 : f32
        %parallel_loop3A_149 = vector.broadcast %parallel_loop3A_148 : f32 to vector<16xf32>
        %parallel_loop3A_150 = arith.maximumf %parallel_loop3A_125, %parallel_loop3A_149 : vector<16xf32>
        %parallel_loop3A_151 = arith.mulf %parallel_loop3A_133, %parallel_loop3A_147 : vector<16xf32>
        %parallel_loop3A_152 = arith.addf %parallel_loop3A_150, %parallel_loop3A_151 : vector<16xf32>
        %parallel_loop3A_153 = arith.constant 0.000000e+00 : f32
        %parallel_loop3A_154 = vector.broadcast %parallel_loop3A_153 : f32 to vector<16xf32>
        %parallel_loop3A_155 = arith.select %parallel_loop3A_127, %parallel_loop3A_152, %parallel_loop3A_154 : vector<16xi1>, vector<16xf32>
        %parallel_loop3A_156 = arith.constant 4 : i32
        %parallel_loop3A_157 = arith.muli %parallel_loop3A_80, %parallel_loop3A_156 : i32
        %parallel_loop3A_158 = arith.constant 2 : i32
        %parallel_loop3A_159 = arith.addi %parallel_loop3A_157, %parallel_loop3A_158 : i32
        %parallel_loop3A_160 = arith.index_cast %parallel_loop3A_159 : i32 to index
        %parallel_loop3A_161 = arith.index_cast %parallel_loop3A_59 : i32 to index
        %parallel_loop3A_162 = tpu.vector_load %arg6[%parallel_loop3A_160, %parallel_loop3A_161] {strides = array<i32>} : memref<200x128xf32, #tpu.memory_space<vmem>>, vector<16xf32>,
        %parallel_loop3A_163 = vector.broadcast %parallel_loop3A_159 : i32 to vector<16xi32>
        %parallel_loop3A_164 = arith.cmpi sle, %parallel_loop3A_163, %parallel_loop3A_63 : vector<16xi32>
        %parallel_loop3A_165 = vector.bitcast %parallel_loop3A_162 : vector<16xf32> to vector<16xi32>
        %parallel_loop3A_166 = arith.constant -2147483648 : i32
        %parallel_loop3A_167 = vector.broadcast %parallel_loop3A_166 : i32 to vector<16xi32>
        %parallel_loop3A_168 = arith.ori %parallel_loop3A_165, %parallel_loop3A_167 : vector<16xi32>
        %parallel_loop3A_169 = vector.bitcast %parallel_loop3A_168 : vector<16xi32> to vector<16xf32>
        %parallel_loop3A_170 = math.exp %parallel_loop3A_169 : vector<16xf32>
        %parallel_loop3A_171 = arith.constant -0.0739021078 : f32
        %parallel_loop3A_172 = vector.broadcast %parallel_loop3A_171 : f32 to vector<16xf32>
        %parallel_loop3A_173 = arith.mulf %parallel_loop3A_172, %parallel_loop3A_170 : vector<16xf32>
        %parallel_loop3A_174 = arith.constant 0.251883686 : f32
        %parallel_loop3A_175 = vector.broadcast %parallel_loop3A_174 : f32 to vector<16xf32>
        %parallel_loop3A_176 = arith.addf %parallel_loop3A_173, %parallel_loop3A_175 : vector<16xf32>
        %parallel_loop3A_177 = arith.mulf %parallel_loop3A_176, %parallel_loop3A_170 : vector<16xf32>
        %parallel_loop3A_178 = arith.constant -0.48464179 : f32
        %parallel_loop3A_179 = vector.broadcast %parallel_loop3A_178 : f32 to vector<16xf32>
        %parallel_loop3A_180 = arith.addf %parallel_loop3A_177, %parallel_loop3A_179 : vector<16xf32>
        %parallel_loop3A_181 = arith.mulf %parallel_loop3A_180, %parallel_loop3A_170 : vector<16xf32>
        %parallel_loop3A_182 = arith.constant 0.999302387 : f32
        %parallel_loop3A_183 = vector.broadcast %parallel_loop3A_182 : f32 to vector<16xf32>
        %parallel_loop3A_184 = arith.addf %parallel_loop3A_181, %parallel_loop3A_183 : vector<16xf32>
        %parallel_loop3A_185 = arith.constant 0.000000e+00 : f32
        %parallel_loop3A_186 = vector.broadcast %parallel_loop3A_185 : f32 to vector<16xf32>
        %parallel_loop3A_187 = arith.maximumf %parallel_loop3A_162, %parallel_loop3A_186 : vector<16xf32>
        %parallel_loop3A_188 = arith.mulf %parallel_loop3A_170, %parallel_loop3A_184 : vector<16xf32>
        %parallel_loop3A_189 = arith.addf %parallel_loop3A_187, %parallel_loop3A_188 : vector<16xf32>
        %parallel_loop3A_190 = arith.constant 0.000000e+00 : f32
        %parallel_loop3A_191 = vector.broadcast %parallel_loop3A_190 : f32 to vector<16xf32>
        %parallel_loop3A_192 = arith.select %parallel_loop3A_164, %parallel_loop3A_189, %parallel_loop3A_191 : vector<16xi1>, vector<16xf32>
        %parallel_loop3A_193 = arith.constant 4 : i32
        %parallel_loop3A_194 = arith.muli %parallel_loop3A_80, %parallel_loop3A_193 : i32
        %parallel_loop3A_195 = arith.constant 3 : i32
        %parallel_loop3A_196 = arith.addi %parallel_loop3A_194, %parallel_loop3A_195 : i32
        %parallel_loop3A_197 = arith.index_cast %parallel_loop3A_196 : i32 to index
        %parallel_loop3A_198 = arith.index_cast %parallel_loop3A_59 : i32 to index
        %parallel_loop3A_199 = tpu.vector_load %arg6[%parallel_loop3A_197, %parallel_loop3A_198] {strides = array<i32>} : memref<200x128xf32, #tpu.memory_space<vmem>>, vector<16xf32>,
        %parallel_loop3A_200 = vector.broadcast %parallel_loop3A_196 : i32 to vector<16xi32>
        %parallel_loop3A_201 = arith.cmpi sle, %parallel_loop3A_200, %parallel_loop3A_63 : vector<16xi32>
        %parallel_loop3A_202 = vector.bitcast %parallel_loop3A_199 : vector<16xf32> to vector<16xi32>
        %parallel_loop3A_203 = arith.constant -2147483648 : i32
        %parallel_loop3A_204 = vector.broadcast %parallel_loop3A_203 : i32 to vector<16xi32>
        %parallel_loop3A_205 = arith.ori %parallel_loop3A_202, %parallel_loop3A_204 : vector<16xi32>
        %parallel_loop3A_206 = vector.bitcast %parallel_loop3A_205 : vector<16xi32> to vector<16xf32>
        %parallel_loop3A_207 = math.exp %parallel_loop3A_206 : vector<16xf32>
        %parallel_loop3A_208 = arith.constant -0.0739021078 : f32
        %parallel_loop3A_209 = vector.broadcast %parallel_loop3A_208 : f32 to vector<16xf32>
        %parallel_loop3A_210 = arith.mulf %parallel_loop3A_209, %parallel_loop3A_207 : vector<16xf32>
        %parallel_loop3A_211 = arith.constant 0.251883686 : f32
        %parallel_loop3A_212 = vector.broadcast %parallel_loop3A_211 : f32 to vector<16xf32>
        %parallel_loop3A_213 = arith.addf %parallel_loop3A_210, %parallel_loop3A_212 : vector<16xf32>
        %parallel_loop3A_214 = arith.mulf %parallel_loop3A_213, %parallel_loop3A_207 : vector<16xf32>
        %parallel_loop3A_215 = arith.constant -0.48464179 : f32
        %parallel_loop3A_216 = vector.broadcast %parallel_loop3A_215 : f32 to vector<16xf32>
        %parallel_loop3A_217 = arith.addf %parallel_loop3A_214, %parallel_loop3A_216 : vector<16xf32>
        %parallel_loop3A_218 = arith.mulf %parallel_loop3A_217, %parallel_loop3A_207 : vector<16xf32>
        %parallel_loop3A_219 = arith.constant 0.999302387 : f32
        %parallel_loop3A_220 = vector.broadcast %parallel_loop3A_219 : f32 to vector<16xf32>
        %parallel_loop3A_221 = arith.addf %parallel_loop3A_218, %parallel_loop3A_220 : vector<16xf32>
        %parallel_loop3A_222 = arith.constant 0.000000e+00 : f32
        %parallel_loop3A_223 = vector.broadcast %parallel_loop3A_222 : f32 to vector<16xf32>
        %parallel_loop3A_224 = arith.maximumf %parallel_loop3A_199, %parallel_loop3A_223 : vector<16xf32>
        %parallel_loop3A_225 = arith.mulf %parallel_loop3A_207, %parallel_loop3A_221 : vector<16xf32>
        %parallel_loop3A_226 = arith.addf %parallel_loop3A_224, %parallel_loop3A_225 : vector<16xf32>
        %parallel_loop3A_227 = arith.constant 0.000000e+00 : f32
        %parallel_loop3A_228 = vector.broadcast %parallel_loop3A_227 : f32 to vector<16xf32>
        %parallel_loop3A_229 = arith.select %parallel_loop3A_201, %parallel_loop3A_226, %parallel_loop3A_228 : vector<16xi1>, vector<16xf32>
        %parallel_loop3A_230 = arith.addf %parallel_loop3A_118, %parallel_loop3A_155 : vector<16xf32>
        %parallel_loop3A_231 = arith.addf %parallel_loop3A_192, %parallel_loop3A_229 : vector<16xf32>
        %parallel_loop3A_232 = arith.addf %parallel_loop3A_230, %parallel_loop3A_231 : vector<16xf32>
        %parallel_loop3A_233 = arith.addf %parallel_loop3A_81, %parallel_loop3A_232 : vector<16xf32>
        scf.yield %parallel_loop3A_233 : vector<16xf32>
      } {sc.loop_unroll_factor = 4 : i64, sc.parallel_access}
      %parallel_loop3A_74 = vector.broadcast %parallel_loop3A_59 : i32 to vector<16xi32>
      %parallel_loop3A_75 = arith.addi %parallel_loop3A_74, %iota3A : vector<16xi32>
      %parallel_loop3A_76 = tpu.vector_load_idx %arg6[%parallel_loop3A_63, %parallel_loop3A_75] : memref<200x128xf32, #tpu.memory_space<vmem>>[vector<16xi32>, vector<16xi32>], vector<16xf32>,
      %parallel_loop3A_77 = arith.mulf %parallel_loop3A_67, %parallel_loop3A_76 : vector<16xf32>
      %parallel_loop3A_78 = arith.subf %parallel_loop3A_73, %parallel_loop3A_77 : vector<16xf32>
      %parallel_loop3A_79 = arith.addf %parallel_loop3A_57, %parallel_loop3A_78 : vector<16xf32>
      scf.yield %parallel_loop3A_79 : vector<16xf32>
    } {sc.loop_unroll_factor = 1 : i64, sc.parallel_access}
    %dma_wait3A_47 = arith.constant 0 : i32
    %dma_wait3A_48 = tpu.memref_slice %arg2[%dma_wait3A_47, %add3A_34] : memref<200x16384xf32, #tpu.memory_space<hbm>> -> memref<200x128xf32, #tpu.memory_space<hbm>>
    %dma_wait3A_49 = arith.constant 0 : i32
    %dma_wait3A_50 = tpu.memref_slice %arg2[%dma_wait3A_49, %add3A_34] : memref<200x16384xf32, #tpu.memory_space<hbm>> -> memref<200x128xf32, #tpu.memory_space<hbm>>
    tpu.wait_dma2 semaphore(%arg12 : memref<!tpu.dma_semaphore, #tpu.memory_space<semaphore_mem>>) src(%dma_wait3A_50 : memref<200x128xf32, #tpu.memory_space<hbm>>) dst(%arg7 : memref<200x128xf32, #tpu.memory_space<vmem>>)
    %parallel_loop3A_51 = arith.constant 0 : i32
    %parallel_loop3A_52 = arith.constant 8 : i32
    %parallel_loop3A_53 = arith.constant 1 : i32
    %parallel_loop3A_54 = scf.for %parallel_loop3A_56 = %parallel_loop3A_51 to %parallel_loop3A_52 step %parallel_loop3A_53 iter_args(%parallel_loop3A_57 = %parallel_loop3A_46) -> (vector<16xf32>)  : i32 {
      %parallel_loop3A_58 = arith.constant 16 : i32
      %parallel_loop3A_59 = arith.muli %parallel_loop3A_56, %parallel_loop3A_58 : i32
      %parallel_loop3A_60 = arith.constant 384 : i32
      %parallel_loop3A_61 = arith.addi %parallel_loop3A_60, %parallel_loop3A_59 : i32
      %parallel_loop3A_62 = arith.index_cast %parallel_loop3A_61 : i32 to index
      %parallel_loop3A_63 = tpu.vector_load %arg8[%parallel_loop3A_62] {strides = array<i32>} : memref<512xi32, #tpu.memory_space<vmem>>, vector<16xi32>,
      %parallel_loop3A_64 = arith.constant 384 : i32
      %parallel_loop3A_65 = arith.addi %parallel_loop3A_64, %parallel_loop3A_59 : i32
      %parallel_loop3A_66 = arith.index_cast %parallel_loop3A_65 : i32 to index
      %parallel_loop3A_67 = tpu.vector_load %arg9[%parallel_loop3A_66] {strides = array<i32>} : memref<512xf32, #tpu.memory_space<vmem>>, vector<16xf32>,
      %parallel_loop3A_68 = arith.constant 0.000000e+00 : f32
      %parallel_loop3A_69 = vector.broadcast %parallel_loop3A_68 : f32 to vector<16xf32>
      %parallel_loop3A_70 = arith.constant 0 : i32
      %parallel_loop3A_71 = arith.constant 50 : i32
      %parallel_loop3A_72 = arith.constant 1 : i32
      %parallel_loop3A_73 = scf.for %parallel_loop3A_80 = %parallel_loop3A_70 to %parallel_loop3A_71 step %parallel_loop3A_72 iter_args(%parallel_loop3A_81 = %parallel_loop3A_69) -> (vector<16xf32>)  : i32 {
        %parallel_loop3A_82 = arith.constant 4 : i32
        %parallel_loop3A_83 = arith.muli %parallel_loop3A_80, %parallel_loop3A_82 : i32
        %parallel_loop3A_84 = arith.constant 0 : i32
        %parallel_loop3A_85 = arith.addi %parallel_loop3A_83, %parallel_loop3A_84 : i32
        %parallel_loop3A_86 = arith.index_cast %parallel_loop3A_85 : i32 to index
        %parallel_loop3A_87 = arith.index_cast %parallel_loop3A_59 : i32 to index
        %parallel_loop3A_88 = tpu.vector_load %arg7[%parallel_loop3A_86, %parallel_loop3A_87] {strides = array<i32>} : memref<200x128xf32, #tpu.memory_space<vmem>>, vector<16xf32>,
        %parallel_loop3A_89 = vector.broadcast %parallel_loop3A_85 : i32 to vector<16xi32>
        %parallel_loop3A_90 = arith.cmpi sle, %parallel_loop3A_89, %parallel_loop3A_63 : vector<16xi32>
        %parallel_loop3A_91 = vector.bitcast %parallel_loop3A_88 : vector<16xf32> to vector<16xi32>
        %parallel_loop3A_92 = arith.constant -2147483648 : i32
        %parallel_loop3A_93 = vector.broadcast %parallel_loop3A_92 : i32 to vector<16xi32>
        %parallel_loop3A_94 = arith.ori %parallel_loop3A_91, %parallel_loop3A_93 : vector<16xi32>
        %parallel_loop3A_95 = vector.bitcast %parallel_loop3A_94 : vector<16xi32> to vector<16xf32>
        %parallel_loop3A_96 = math.exp %parallel_loop3A_95 : vector<16xf32>
        %parallel_loop3A_97 = arith.constant -0.0739021078 : f32
        %parallel_loop3A_98 = vector.broadcast %parallel_loop3A_97 : f32 to vector<16xf32>
        %parallel_loop3A_99 = arith.mulf %parallel_loop3A_98, %parallel_loop3A_96 : vector<16xf32>
        %parallel_loop3A_100 = arith.constant 0.251883686 : f32
        %parallel_loop3A_101 = vector.broadcast %parallel_loop3A_100 : f32 to vector<16xf32>
        %parallel_loop3A_102 = arith.addf %parallel_loop3A_99, %parallel_loop3A_101 : vector<16xf32>
        %parallel_loop3A_103 = arith.mulf %parallel_loop3A_102, %parallel_loop3A_96 : vector<16xf32>
        %parallel_loop3A_104 = arith.constant -0.48464179 : f32
        %parallel_loop3A_105 = vector.broadcast %parallel_loop3A_104 : f32 to vector<16xf32>
        %parallel_loop3A_106 = arith.addf %parallel_loop3A_103, %parallel_loop3A_105 : vector<16xf32>
        %parallel_loop3A_107 = arith.mulf %parallel_loop3A_106, %parallel_loop3A_96 : vector<16xf32>
        %parallel_loop3A_108 = arith.constant 0.999302387 : f32
        %parallel_loop3A_109 = vector.broadcast %parallel_loop3A_108 : f32 to vector<16xf32>
        %parallel_loop3A_110 = arith.addf %parallel_loop3A_107, %parallel_loop3A_109 : vector<16xf32>
        %parallel_loop3A_111 = arith.constant 0.000000e+00 : f32
        %parallel_loop3A_112 = vector.broadcast %parallel_loop3A_111 : f32 to vector<16xf32>
        %parallel_loop3A_113 = arith.maximumf %parallel_loop3A_88, %parallel_loop3A_112 : vector<16xf32>
        %parallel_loop3A_114 = arith.mulf %parallel_loop3A_96, %parallel_loop3A_110 : vector<16xf32>
        %parallel_loop3A_115 = arith.addf %parallel_loop3A_113, %parallel_loop3A_114 : vector<16xf32>
        %parallel_loop3A_116 = arith.constant 0.000000e+00 : f32
        %parallel_loop3A_117 = vector.broadcast %parallel_loop3A_116 : f32 to vector<16xf32>
        %parallel_loop3A_118 = arith.select %parallel_loop3A_90, %parallel_loop3A_115, %parallel_loop3A_117 : vector<16xi1>, vector<16xf32>
        %parallel_loop3A_119 = arith.constant 4 : i32
        %parallel_loop3A_120 = arith.muli %parallel_loop3A_80, %parallel_loop3A_119 : i32
        %parallel_loop3A_121 = arith.constant 1 : i32
        %parallel_loop3A_122 = arith.addi %parallel_loop3A_120, %parallel_loop3A_121 : i32
        %parallel_loop3A_123 = arith.index_cast %parallel_loop3A_122 : i32 to index
        %parallel_loop3A_124 = arith.index_cast %parallel_loop3A_59 : i32 to index
        %parallel_loop3A_125 = tpu.vector_load %arg7[%parallel_loop3A_123, %parallel_loop3A_124] {strides = array<i32>} : memref<200x128xf32, #tpu.memory_space<vmem>>, vector<16xf32>,
        %parallel_loop3A_126 = vector.broadcast %parallel_loop3A_122 : i32 to vector<16xi32>
        %parallel_loop3A_127 = arith.cmpi sle, %parallel_loop3A_126, %parallel_loop3A_63 : vector<16xi32>
        %parallel_loop3A_128 = vector.bitcast %parallel_loop3A_125 : vector<16xf32> to vector<16xi32>
        %parallel_loop3A_129 = arith.constant -2147483648 : i32
        %parallel_loop3A_130 = vector.broadcast %parallel_loop3A_129 : i32 to vector<16xi32>
        %parallel_loop3A_131 = arith.ori %parallel_loop3A_128, %parallel_loop3A_130 : vector<16xi32>
        %parallel_loop3A_132 = vector.bitcast %parallel_loop3A_131 : vector<16xi32> to vector<16xf32>
        %parallel_loop3A_133 = math.exp %parallel_loop3A_132 : vector<16xf32>
        %parallel_loop3A_134 = arith.constant -0.0739021078 : f32
        %parallel_loop3A_135 = vector.broadcast %parallel_loop3A_134 : f32 to vector<16xf32>
        %parallel_loop3A_136 = arith.mulf %parallel_loop3A_135, %parallel_loop3A_133 : vector<16xf32>
        %parallel_loop3A_137 = arith.constant 0.251883686 : f32
        %parallel_loop3A_138 = vector.broadcast %parallel_loop3A_137 : f32 to vector<16xf32>
        %parallel_loop3A_139 = arith.addf %parallel_loop3A_136, %parallel_loop3A_138 : vector<16xf32>
        %parallel_loop3A_140 = arith.mulf %parallel_loop3A_139, %parallel_loop3A_133 : vector<16xf32>
        %parallel_loop3A_141 = arith.constant -0.48464179 : f32
        %parallel_loop3A_142 = vector.broadcast %parallel_loop3A_141 : f32 to vector<16xf32>
        %parallel_loop3A_143 = arith.addf %parallel_loop3A_140, %parallel_loop3A_142 : vector<16xf32>
        %parallel_loop3A_144 = arith.mulf %parallel_loop3A_143, %parallel_loop3A_133 : vector<16xf32>
        %parallel_loop3A_145 = arith.constant 0.999302387 : f32
        %parallel_loop3A_146 = vector.broadcast %parallel_loop3A_145 : f32 to vector<16xf32>
        %parallel_loop3A_147 = arith.addf %parallel_loop3A_144, %parallel_loop3A_146 : vector<16xf32>
        %parallel_loop3A_148 = arith.constant 0.000000e+00 : f32
        %parallel_loop3A_149 = vector.broadcast %parallel_loop3A_148 : f32 to vector<16xf32>
        %parallel_loop3A_150 = arith.maximumf %parallel_loop3A_125, %parallel_loop3A_149 : vector<16xf32>
        %parallel_loop3A_151 = arith.mulf %parallel_loop3A_133, %parallel_loop3A_147 : vector<16xf32>
        %parallel_loop3A_152 = arith.addf %parallel_loop3A_150, %parallel_loop3A_151 : vector<16xf32>
        %parallel_loop3A_153 = arith.constant 0.000000e+00 : f32
        %parallel_loop3A_154 = vector.broadcast %parallel_loop3A_153 : f32 to vector<16xf32>
        %parallel_loop3A_155 = arith.select %parallel_loop3A_127, %parallel_loop3A_152, %parallel_loop3A_154 : vector<16xi1>, vector<16xf32>
        %parallel_loop3A_156 = arith.constant 4 : i32
        %parallel_loop3A_157 = arith.muli %parallel_loop3A_80, %parallel_loop3A_156 : i32
        %parallel_loop3A_158 = arith.constant 2 : i32
        %parallel_loop3A_159 = arith.addi %parallel_loop3A_157, %parallel_loop3A_158 : i32
        %parallel_loop3A_160 = arith.index_cast %parallel_loop3A_159 : i32 to index
        %parallel_loop3A_161 = arith.index_cast %parallel_loop3A_59 : i32 to index
        %parallel_loop3A_162 = tpu.vector_load %arg7[%parallel_loop3A_160, %parallel_loop3A_161] {strides = array<i32>} : memref<200x128xf32, #tpu.memory_space<vmem>>, vector<16xf32>,
        %parallel_loop3A_163 = vector.broadcast %parallel_loop3A_159 : i32 to vector<16xi32>
        %parallel_loop3A_164 = arith.cmpi sle, %parallel_loop3A_163, %parallel_loop3A_63 : vector<16xi32>
        %parallel_loop3A_165 = vector.bitcast %parallel_loop3A_162 : vector<16xf32> to vector<16xi32>
        %parallel_loop3A_166 = arith.constant -2147483648 : i32
        %parallel_loop3A_167 = vector.broadcast %parallel_loop3A_166 : i32 to vector<16xi32>
        %parallel_loop3A_168 = arith.ori %parallel_loop3A_165, %parallel_loop3A_167 : vector<16xi32>
        %parallel_loop3A_169 = vector.bitcast %parallel_loop3A_168 : vector<16xi32> to vector<16xf32>
        %parallel_loop3A_170 = math.exp %parallel_loop3A_169 : vector<16xf32>
        %parallel_loop3A_171 = arith.constant -0.0739021078 : f32
        %parallel_loop3A_172 = vector.broadcast %parallel_loop3A_171 : f32 to vector<16xf32>
        %parallel_loop3A_173 = arith.mulf %parallel_loop3A_172, %parallel_loop3A_170 : vector<16xf32>
        %parallel_loop3A_174 = arith.constant 0.251883686 : f32
        %parallel_loop3A_175 = vector.broadcast %parallel_loop3A_174 : f32 to vector<16xf32>
        %parallel_loop3A_176 = arith.addf %parallel_loop3A_173, %parallel_loop3A_175 : vector<16xf32>
        %parallel_loop3A_177 = arith.mulf %parallel_loop3A_176, %parallel_loop3A_170 : vector<16xf32>
        %parallel_loop3A_178 = arith.constant -0.48464179 : f32
        %parallel_loop3A_179 = vector.broadcast %parallel_loop3A_178 : f32 to vector<16xf32>
        %parallel_loop3A_180 = arith.addf %parallel_loop3A_177, %parallel_loop3A_179 : vector<16xf32>
        %parallel_loop3A_181 = arith.mulf %parallel_loop3A_180, %parallel_loop3A_170 : vector<16xf32>
        %parallel_loop3A_182 = arith.constant 0.999302387 : f32
        %parallel_loop3A_183 = vector.broadcast %parallel_loop3A_182 : f32 to vector<16xf32>
        %parallel_loop3A_184 = arith.addf %parallel_loop3A_181, %parallel_loop3A_183 : vector<16xf32>
        %parallel_loop3A_185 = arith.constant 0.000000e+00 : f32
        %parallel_loop3A_186 = vector.broadcast %parallel_loop3A_185 : f32 to vector<16xf32>
        %parallel_loop3A_187 = arith.maximumf %parallel_loop3A_162, %parallel_loop3A_186 : vector<16xf32>
        %parallel_loop3A_188 = arith.mulf %parallel_loop3A_170, %parallel_loop3A_184 : vector<16xf32>
        %parallel_loop3A_189 = arith.addf %parallel_loop3A_187, %parallel_loop3A_188 : vector<16xf32>
        %parallel_loop3A_190 = arith.constant 0.000000e+00 : f32
        %parallel_loop3A_191 = vector.broadcast %parallel_loop3A_190 : f32 to vector<16xf32>
        %parallel_loop3A_192 = arith.select %parallel_loop3A_164, %parallel_loop3A_189, %parallel_loop3A_191 : vector<16xi1>, vector<16xf32>
        %parallel_loop3A_193 = arith.constant 4 : i32
        %parallel_loop3A_194 = arith.muli %parallel_loop3A_80, %parallel_loop3A_193 : i32
        %parallel_loop3A_195 = arith.constant 3 : i32
        %parallel_loop3A_196 = arith.addi %parallel_loop3A_194, %parallel_loop3A_195 : i32
        %parallel_loop3A_197 = arith.index_cast %parallel_loop3A_196 : i32 to index
        %parallel_loop3A_198 = arith.index_cast %parallel_loop3A_59 : i32 to index
        %parallel_loop3A_199 = tpu.vector_load %arg7[%parallel_loop3A_197, %parallel_loop3A_198] {strides = array<i32>} : memref<200x128xf32, #tpu.memory_space<vmem>>, vector<16xf32>,
        %parallel_loop3A_200 = vector.broadcast %parallel_loop3A_196 : i32 to vector<16xi32>
        %parallel_loop3A_201 = arith.cmpi sle, %parallel_loop3A_200, %parallel_loop3A_63 : vector<16xi32>
        %parallel_loop3A_202 = vector.bitcast %parallel_loop3A_199 : vector<16xf32> to vector<16xi32>
        %parallel_loop3A_203 = arith.constant -2147483648 : i32
        %parallel_loop3A_204 = vector.broadcast %parallel_loop3A_203 : i32 to vector<16xi32>
        %parallel_loop3A_205 = arith.ori %parallel_loop3A_202, %parallel_loop3A_204 : vector<16xi32>
        %parallel_loop3A_206 = vector.bitcast %parallel_loop3A_205 : vector<16xi32> to vector<16xf32>
        %parallel_loop3A_207 = math.exp %parallel_loop3A_206 : vector<16xf32>
        %parallel_loop3A_208 = arith.constant -0.0739021078 : f32
        %parallel_loop3A_209 = vector.broadcast %parallel_loop3A_208 : f32 to vector<16xf32>
        %parallel_loop3A_210 = arith.mulf %parallel_loop3A_209, %parallel_loop3A_207 : vector<16xf32>
        %parallel_loop3A_211 = arith.constant 0.251883686 : f32
        %parallel_loop3A_212 = vector.broadcast %parallel_loop3A_211 : f32 to vector<16xf32>
        %parallel_loop3A_213 = arith.addf %parallel_loop3A_210, %parallel_loop3A_212 : vector<16xf32>
        %parallel_loop3A_214 = arith.mulf %parallel_loop3A_213, %parallel_loop3A_207 : vector<16xf32>
        %parallel_loop3A_215 = arith.constant -0.48464179 : f32
        %parallel_loop3A_216 = vector.broadcast %parallel_loop3A_215 : f32 to vector<16xf32>
        %parallel_loop3A_217 = arith.addf %parallel_loop3A_214, %parallel_loop3A_216 : vector<16xf32>
        %parallel_loop3A_218 = arith.mulf %parallel_loop3A_217, %parallel_loop3A_207 : vector<16xf32>
        %parallel_loop3A_219 = arith.constant 0.999302387 : f32
        %parallel_loop3A_220 = vector.broadcast %parallel_loop3A_219 : f32 to vector<16xf32>
        %parallel_loop3A_221 = arith.addf %parallel_loop3A_218, %parallel_loop3A_220 : vector<16xf32>
        %parallel_loop3A_222 = arith.constant 0.000000e+00 : f32
        %parallel_loop3A_223 = vector.broadcast %parallel_loop3A_222 : f32 to vector<16xf32>
        %parallel_loop3A_224 = arith.maximumf %parallel_loop3A_199, %parallel_loop3A_223 : vector<16xf32>
        %parallel_loop3A_225 = arith.mulf %parallel_loop3A_207, %parallel_loop3A_221 : vector<16xf32>
        %parallel_loop3A_226 = arith.addf %parallel_loop3A_224, %parallel_loop3A_225 : vector<16xf32>
        %parallel_loop3A_227 = arith.constant 0.000000e+00 : f32
        %parallel_loop3A_228 = vector.broadcast %parallel_loop3A_227 : f32 to vector<16xf32>
        %parallel_loop3A_229 = arith.select %parallel_loop3A_201, %parallel_loop3A_226, %parallel_loop3A_228 : vector<16xi1>, vector<16xf32>
        %parallel_loop3A_230 = arith.addf %parallel_loop3A_118, %parallel_loop3A_155 : vector<16xf32>
        %parallel_loop3A_231 = arith.addf %parallel_loop3A_192, %parallel_loop3A_229 : vector<16xf32>
        %parallel_loop3A_232 = arith.addf %parallel_loop3A_230, %parallel_loop3A_231 : vector<16xf32>
        %parallel_loop3A_233 = arith.addf %parallel_loop3A_81, %parallel_loop3A_232 : vector<16xf32>
        scf.yield %parallel_loop3A_233 : vector<16xf32>
      } {sc.loop_unroll_factor = 4 : i64, sc.parallel_access}
      %parallel_loop3A_74 = vector.broadcast %parallel_loop3A_59 : i32 to vector<16xi32>
      %parallel_loop3A_75 = arith.addi %parallel_loop3A_74, %iota3A : vector<16xi32>
      %parallel_loop3A_76 = tpu.vector_load_idx %arg7[%parallel_loop3A_63, %parallel_loop3A_75] : memref<200x128xf32, #tpu.memory_space<vmem>>[vector<16xi32>, vector<16xi32>], vector<16xf32>,
      %parallel_loop3A_77 = arith.mulf %parallel_loop3A_67, %parallel_loop3A_76 : vector<16xf32>
      %parallel_loop3A_78 = arith.subf %parallel_loop3A_73, %parallel_loop3A_77 : vector<16xf32>
      %parallel_loop3A_79 = arith.addf %parallel_loop3A_57, %parallel_loop3A_78 : vector<16xf32>
      scf.yield %parallel_loop3A_79 : vector<16xf32>
    } {sc.loop_unroll_factor = 1 : i64, sc.parallel_access}
    %swap3A = arith.constant 0 : index
    %swap3A_55 = tpu.vector_load %arg10[%swap3A] {strides = array<i32>} : memref<16xf32, #tpu.memory_space<vmem>>, vector<16xf32>,
    tpu.vector_store %arg10[%swap3A], %parallel_loop3A_54 {strides = array<i32>} : memref<16xf32, #tpu.memory_space<vmem>>, vector<16xf32>,
    "tpu.region"() ({
      %run_scoped3A = tpu.sem_alloc : memref<!tpu.dma_semaphore, #tpu.memory_space<semaphore_mem>>
      %dma_start3A_56 = arith.constant 0 : i32
      %dma_start3A_57 = tpu.memref_slice %arg5[%add3A, %dma_start3A_56] : memref<32x16xf32, #tpu.memory_space<hbm>> -> memref<1x16xf32, #tpu.memory_space<hbm>>
      %dma_start3A_58 = tpu.memref_squeeze %dma_start3A_57 : memref<1x16xf32, #tpu.memory_space<hbm>> -> memref<16xf32, #tpu.memory_space<hbm>>
      %dma_start3A_59 = arith.constant 0 : i32
      %dma_start3A_60 = tpu.memref_slice %arg5[%add3A, %dma_start3A_59] : memref<32x16xf32, #tpu.memory_space<hbm>> -> memref<1x16xf32, #tpu.memory_space<hbm>>
      %dma_start3A_61 = tpu.memref_squeeze %dma_start3A_60 : memref<1x16xf32, #tpu.memory_space<hbm>> -> memref<16xf32, #tpu.memory_space<hbm>>
      tpu.enqueue_dma source(%arg10 : memref<16xf32, #tpu.memory_space<vmem>>) target(%dma_start3A_61 : memref<16xf32, #tpu.memory_space<hbm>>) target_semaphore(%run_scoped3A : memref<!tpu.dma_semaphore, #tpu.memory_space<semaphore_mem>>)
      %dma_wait3A_62 = arith.constant 0 : i32
      %dma_wait3A_63 = tpu.memref_slice %arg5[%add3A, %dma_wait3A_62] : memref<32x16xf32, #tpu.memory_space<hbm>> -> memref<1x16xf32, #tpu.memory_space<hbm>>
      %dma_wait3A_64 = tpu.memref_squeeze %dma_wait3A_63 : memref<1x16xf32, #tpu.memory_space<hbm>> -> memref<16xf32, #tpu.memory_space<hbm>>
      %dma_wait3A_65 = arith.constant 0 : i32
      %dma_wait3A_66 = tpu.memref_slice %arg5[%add3A, %dma_wait3A_65] : memref<32x16xf32, #tpu.memory_space<hbm>> -> memref<1x16xf32, #tpu.memory_space<hbm>>
      %dma_wait3A_67 = tpu.memref_squeeze %dma_wait3A_66 : memref<1x16xf32, #tpu.memory_space<hbm>> -> memref<16xf32, #tpu.memory_space<hbm>>
      tpu.wait_dma2 semaphore(%run_scoped3A : memref<!tpu.dma_semaphore, #tpu.memory_space<semaphore_mem>>) src(%arg10 : memref<16xf32, #tpu.memory_space<vmem>>) dst(%dma_wait3A_67 : memref<16xf32, #tpu.memory_space<hbm>>)
      tpu.yield
    }) : () -> ()
    return
  }
}

</mosaic_0001>

<sc_bundles>
// kernel: kernel.3.cloned.1.call-start
scs
__scs_entry_jumppad:
0x0: {  	(pc) =	sbr.rel $0x88, $3  }
0x1: {  	(tag) =	ssettag $0x0;
	lr =	simm.s32 $0x1  }
0x2: {  	[smem:$0x3F9E] =	sst lr;
	_ =	strace $0xD0000000  }
0x3: {  	_ = 	snop  }
0x4: {  	_ = 	snop  }
0x5: {  	_ = 	snop  }
0x6: {  	_ = 	snop  }
0x7: {  	_ = 	snop  }
__scs_overlays_trampoline_lowered:
0x8: {  	[smem:$0x3FAD] =	sst s0  }
0x9: {  	[smem:$0x3FAE] =	sst s1  }
0xa: {  	[smem:$0x3FAF] =	sst s2  }
0xb: {  	[smem:$0x3FB0] =	sst s3  }
0xc: {  	[smem:$0x3FB1] =	sst s4  }
0xd: {  	[smem:$0x3FB2] =	sst s5  }
0xe: {  	[smem:$0x3FB3] =	sst s6  }
0xf: {  	[smem:$0x3FB4] =	sst s7  }
0x10: {  	[smem:$0x3FB5] =	sst s8  }
0x11: {  	[smem:$0x3FB6] =	sst s9;
	s0 =	simm.s32 @!p0 $0x0  }
0x12: {  	s1 =	sld [smem:$0x3F9C];
	s0 =	simm.s32 @p0 $0x1  }
0x13: {  	[smem:$0x3FB7] =	sst s0;
	s0 =	simm.s32 @!p1 $0x0  }
0x14: {  	s2 =	sld [smem:$0x3F9B];
	s0 =	simm.s32 @p1 $0x1  }
0x15: {  	[smem:$0x3FB8] =	sst s0;
	s0 =	simm.s32 @!p2 $0x0  }
0x16: {  	s3 =	sld [smem:$0x3FDB];
	s0 =	simm.s32 @p2 $0x1  }
0x17: {  	s4 =	simm.s32 $0x1BF5;
	[smem:$0x3FBA] =	sst s0  }
0x18: {  	s0 =	sld [smem:$0x3F9D];
	_ =	swait.ge [sflag:s4], $0x0  }
0x19: {  	s7 =	sld [smem:$0x3F9E]  }
0x1a: {  	s8 =	sadd.s32 $0xFFFFE003, lr  }
0x1b: {  	s9 =	sadd.s32 $0xFFFFFEF7, lr;
	s5 =	simm.s32 $0xFFFFFFFF;
	p2 =	slt.u32 s8, $0xFFFFF086  }
0x1c: {  	p1 =	slt.u32 s9, $0xF7A;
	s5 =	simm.s32 @!p2 $0x0  }
0x1d: {  	s5 =	simm.s32 @p1 $0x1;
	p0 =	seq.s32 s7, s2  }
0x1e: {  	s7 =	smul.u32 @!p0 $0xF7A, s2;
	p2 =	seq.s32 @!p0 s5, $0x0  }
0x1f: {  	s9 =	smul.u32 $0xF7A, s1;
	s8 =	simm.s32 @!p0 $0x1BF5;
	p2 =	por !p2, p0  }
0x20: {  	[sflag:s8] =	ssyncset.s32 @!p0 $0xFFFFF086;
	s6 =	sadd.s32 @!p0 s3, s7;
	s7 =	simm.s32 @!p0 $0x108  }
0x21: {  	s3 =	sadd.s32 s3, s9;
	s6 =	sadd.s32 @!p0 $0x88, s6;
	s7 =	simm.s32 @p2 $0x1082  }
0x22: {  	[simem:s7], [sflag:s8] =	dma.local @!p0 [hbm:s6], $0xF7A  }
0x23: {  	s9 =	sor.u32 $0xD0000000, s2;
	s6 =	simm.s32 $0x108;
	_ =	swait.ge @!p0 [sflag:s8], $0x0  }
0x24: {  	s3 =	sadd.s32 $0x88, s3;
	s6 =	simm.s32 @!p1 $0x1082;
	[sflag:s4] =	ssyncset.s32 $0xFFFFF086  }
0x25: {  	[simem:s6], [sflag:s4] =	dma.local [hbm:s3], $0xF7A  }
0x26: {  	[smem:$0x3F9E] =	sst s1;
	(tag) =	ssettag s2;
	_ =	strace s9  }
0x27: {  	s1 =	sld [smem:$0x3FAE]  }
0x28: {  	s2 =	sld [smem:$0x3FAF]  }
0x29: {  	s4 =	sld [smem:$0x3FB1]  }
0x2a: {  	p0 =	seq.s32 s5, $0x0;
	s5 =	sld [smem:$0x3FB2]  }
0x2b: {  	s6 =	sld [smem:$0x3FB3]  }
0x2c: {  	s7 =	sld [smem:$0x3FB4]  }
0x2d: {  	s3 =	simm.s32 $0x108;
	s8 =	sld [smem:$0x3FB5]  }
0x2e: {  	s3 =	simm.s32 @!p0 $0x1082;
	s9 =	sld [smem:$0x3FB6]  }
0x2f: {  	lr =	sadd.s32 s0, s3;
	s0 =	sld [smem:$0x3FAD]  }
0x30: {  	s3 =	sld [smem:$0x3FB0]  }
0x31: {  	[smem:$0x3FB9] =	sst s10  }
0x32: {  	s10 =	sld [smem:$0x3FB7];
	_ =	sdelay $0x3  }
0x33: {  	p0 =	seq.s32 s10, $0x1;
	s10 =	sld [smem:$0x3FB9];
	_ =	sdelay $0x3  }
0x34: {  	[smem:$0x3FB9] =	sst s10  }
0x35: {  	s10 =	sld [smem:$0x3FB8];
	_ =	sdelay $0x3  }
0x36: {  	p1 =	seq.s32 s10, $0x1;
	s10 =	sld [smem:$0x3FB9];
	_ =	sdelay $0x3  }
0x37: {  	[smem:$0x3FB9] =	sst s10  }
0x38: {  	s10 =	sld [smem:$0x3FBA]  }
0x39: {  	_ = 	snop;
	(pc) =	sbr.ind lr, $3  }
0x3a: {  	_ = 	snop  }
0x3b: {  	_ = 	snop  }
0x3c: {  	p2 =	seq.s32 s10, $0x1;
	s10 =	sld [smem:$0x3FB9]  }
0x3d: {  	_ =	shalt  }
0x3e: {  	_ =	shalt  }
0x3f: {  	_ =	shalt  }
0x40: {  	_ =	shalt  }
0x41: {  	_ =	shalt  }
0x42: {  	_ =	shalt  }
0x43: {  	_ =	shalt  }
0x44: {  	_ =	shalt  }
0x45: {  	_ =	shalt  }
0x46: {  	_ =	shalt  }
0x47: {  	_ =	shalt  }
0x48: {  	_ =	shalt  }
0x49: {  	_ =	shalt  }
0x4a: {  	_ =	shalt  }
0x4b: {  	_ =	shalt  }
0x4c: {  	_ =	shalt  }
0x4d: {  	_ =	shalt  }
0x4e: {  	_ =	shalt  }
0x4f: {  	_ =	shalt  }
0x50: {  	_ =	shalt  }
0x51: {  	_ =	shalt  }
0x52: {  	_ =	shalt  }
0x53: {  	_ =	shalt  }
0x54: {  	_ =	shalt  }
0x55: {  	_ =	shalt  }
0x56: {  	_ =	shalt  }
0x57: {  	_ =	shalt  }
0x58: {  	_ =	shalt  }
0x59: {  	_ =	shalt  }
0x5a: {  	_ =	shalt  }
0x5b: {  	_ =	shalt  }
0x5c: {  	_ =	shalt  }
0x5d: {  	_ =	shalt  }
0x5e: {  	_ =	shalt  }
0x5f: {  	_ =	shalt  }
0x60: {  	_ =	shalt  }
0x61: {  	_ =	shalt  }
0x62: {  	_ =	shalt  }
0x63: {  	_ =	shalt  }
0x64: {  	_ =	shalt  }
0x65: {  	_ =	shalt  }
0x66: {  	_ =	shalt  }
0x67: {  	_ =	shalt  }
0x68: {  	_ =	shalt  }
0x69: {  	_ =	shalt  }
0x6a: {  	_ =	shalt  }
0x6b: {  	_ =	shalt  }
0x6c: {  	_ =	shalt  }
0x6d: {  	_ =	shalt  }
0x6e: {  	_ =	shalt  }
0x6f: {  	_ =	shalt  }
0x70: {  	_ =	shalt  }
0x71: {  	_ =	shalt  }
0x72: {  	_ =	shalt  }
0x73: {  	_ =	shalt  }
0x74: {  	_ =	shalt  }
0x75: {  	_ =	shalt  }
0x76: {  	_ =	shalt  }
0x77: {  	_ =	shalt  }
0x78: {  	_ =	shalt  }
0x79: {  	_ =	shalt  }
0x7a: {  	_ =	shalt  }
0x7b: {  	_ =	shalt  }
0x7c: {  	_ =	shalt  }
0x7d: {  	_ =	shalt  }
0x7e: {  	_ =	shalt  }
0x7f: {  	_ =	shalt  }
0x80: {  	_ =	shalt  }
0x81: {  	_ =	shalt  }
0x82: {  	_ =	shalt  }
0x83: {  	_ =	shalt  }
0x84: {  	_ =	shalt  }
0x85: {  	_ =	shalt  }
0x86: {  	_ =	shalt  }
0x87: {  	_ =	shalt  }
.Lfunc_end0:
.L_simem_size_0:
called_computation_lowered:
.L_overlay_start_0:
0x88: {  	s2 =	sld [smem:$0x3FD9]  }
0x89: {  	s3 =	sld [smem:$0x3FFE];
	_ =	sdelay $0x1  }
0x8a: {  	s1 =	srdreg.scid  }
0x8b: {  	s0 =	sand.u32 $0x1, s1  }
0x8c: {  	s17 =	sshll.u32 s0, $0xA;
	s2 =	sadd.s32 s3, s2  }
0x8d: {  	s2 =	sadd.s32 s2, s17  }
0x8e: {  	[smem:$0x3FC5] =	sst s2  }
0x8f: {  	_ = 	snop  }
0x90: {  	s2 =	sld [smem:$0x3FC9]  }
0x91: {  	s18 =	sld [smem:$0x3FC8];
	(tm) =	ssettm $0x1  }
0x92: {  	s4 =	sld [smem:$0x3FFB];
	_ =	sdelay $0x3  }
0x93: {  	_ =	strace s4  }
0x94: {  	s4 =	sld [smem:$0x3FFC];
	_ =	sdelay $0x3  }
0x95: {  	_ =	strace s4  }
0x96: {  	s4 =	sld [smem:$0x3FFD];
	_ =	sdelay $0x3  }
0x97: {  	_ =	strace s4  }
0x98: {  	_ =	strace $0x8FFFFFFF  }
0x99: {  	s19 =	sld [smem:$0x3FDB];
	_ =	sdelay $0x1  }
0x9a: {  	s5 =	simm.s32 $_scs_section_size  }
0x9b: {  	s6 =	simm.s32 $_size__tile_overlayer_lowered;
	s7 =	simm.s32 $_tile_overlayer_lowered  }
0x9c: {  	s22 =	simm.s32 $0x1BFF;
	s21 =	sshll.u32 s7, $0x1;
	s4 =	sadd.s32 s5, s19  }
0x9d: {  	s8 =	simm.s32 $0x0;
	s20 =	sshll.u32 s6, $0x1;
	s6 =	sadd.s32 s21, s4  }
0x9e: {  	[timem:s8], [sflag:s22] =	dma.local [hbm:s6], s20  }
0x9f: {  	_ =	swait.ge [sflag:s22], s20  }
0xa0: {  	s5 =	ssub.s32 $0x0, s20;
	[sflag:s22] =	ssyncset.done $0x0  }
0xa1: {  	[sflag:s22] =	ssyncadd.s32 s5;
	_ =	sdelay $0x1  }
0xa2: {  	s23 =	simm.s32 $0x1B8B  }
0xa3: {  	_ =	swait.ge [sflag:s23], $0x1  }
0xa4: {  	[sflag:s23] =	ssyncset.done $0x0  }
0xa5: {  	s25 =	simm.s32 $0x1B8E;
	s24 =	sld [smem:$0x3FFE];
	[sflag:s23] =	ssyncadd.s32 $0xFFFFFFFF  }
0xa6: {  	s26 =	simm.s32 $execute0_lowered;
	[smem:$0x3FD2] =	sst s25  }
0xa7: {  	s6 =	sshll.u32 s26, $0x1;
	_ =	strace $0x80000046;
	[dreg:$0x1] =	wrdreg $0xFFFFFFFF  }
0xa8: {  	s28 =	simm.s32 $_size_execute0_lowered;
	s4 =	sadd.s32 s4, s6;
	[dreg:$0x0] =	wrdreg $0x0  }
0xa9: {  	s6 =	sshll.u32 s28, $0x1;
	[dreg:$0x2] =	wrdreg s4  }
0xaa: {  	[dreg:$0x3] =	wrdreg s6  }
0xab: {  	[dreg:$0x4] =	wrdreg $0xC0  }
0xac: {  	_ =	task [dreg:s8], $0x5FFFF  }
0xad: {  	[dreg:$0x1] =	wrdreg $0xFFFFFFFF  }
0xae: {  	[dreg:$0x0] =	wrdreg $0x60  }
0xaf: {  	[dreg:$0x2] =	wrdreg s2  }
0xb0: {  	[dreg:$0x3] =	wrdreg s18  }
0xb1: {  	[dreg:$0x4] =	wrdreg s24  }
0xb2: {  	[dreg:$0x5] =	wrdreg $0x9  }
0xb3: {  	_ =	task.clear_ibuf [dreg:s8], $0x6FFFF;
	_ =	strace $0x90000046  }
0xb4: {  	s29 =	simm.s32 $0x9;
	_ =	strace $0x80000048  }
0xb5: {  	_ =	swait.ge [sflag:s29], $0x1  }
0xb6: {  	[sflag:s29] =	ssyncadd.s32 $0xFFFFFFFF  }
0xb7: {  	_ =	strace $0x90000048  }
0xb8: {  	_ =	sfence  }
0xb9: {  	s30 =	sld [smem:$0x0];
	_ =	sdelay $0x2  }
0xba: {  	s31 =	sshll.u32 s1, $0xD;
	s1 =	sshrl.u32 s1, $0x2  }
0xbb: {  	s3 =	sand.u32 $0x4000, s31;
	s1 =	sadd.s32 s1, s30  }
0xbc: {  	s0 =	sor.u32 s3, s0;
	s1 =	sshll.u32 s1, $0x11  }
0xbd: {  	s0 =	sor.u32 s1, s0  }
0xbe: {  	s0 =	sadd.s32 $0x8F2B, s0  }
0xbf: {  	[sflag:s0] =	ssyncadd.remote.s32 $0x1  }
0xc0: {  	_ =	sfence.sel $0xFFFF  }
0xc1: {  	[dreg:$0x0] =	wrdreg $0xFFFFFFFF;
	(pc) =	sbr.abs _section_cstart, $3  }
0xc2: {  	[dreg:$0x1] =	wrdreg $0xFFFFFFFF  }
0xc3: {  	_ =	task.clear_ibuf [dreg:s8], $0x2FFFF;
	_ =	strace $0x9FFFFFFF  }
0xc4: {  	(tm) =	ssettm $0x7FFFFFFF  }
0xc5: {  	_ =	shalt  }
tec
execute0_lowered:
.L_overlay_start_1:
0x0: {  	(tag) =	ssettag $0x1  }
0x1: {  	s3 =	rddreg [dreg:$0x0]  }
0x2: {  	s4 =	rddreg [dreg:$0x1];
	s1 =	srdreg.scid  }
0x3: {  	s0 =	stileid.u32;
	s5 =	rddreg [dreg:$0x2]  }
0x4: {  	s2 =	simm.s32 $0x0;
	s11 =	simm.s32 $0x20000;
	s13 =	simm.s32 $0x3  }
0x5: {  	s14 =	simm.s32 $0xCA00;
	s15 =	simm.s32 $0x6400;
	s16 =	simm.s32 $0x1  }
0x6: {  	s17 =	simm.s32 $0x400;
	s18 =	simm.s32 $0x2;
	s19 =	simm.s32 $0xCC00  }
0x7: {  	s20 =	simm.s32 $0x0;
	s6 =	sand.u32 $0x1, s1;
	s7 =	sshll.u32 s0, $0x1  }
0x8: {  	[smem:$0x7FF] =	sst s2;
	s7 =	sor.u32 s6, s7;
	s6 =	ssub.s32 $0x2, s6  }
0x9: {  	_ =	strace $0x80000047;
	s8 =	sshll.u32 s7, $0x4;
	s30 =	sshrl.u32 s6, $0x1  }
0xa: {  	s31 =	sshll.u32 s7, $0x9;
	s7 =	sshll.u32 s7, $0x6;
	s9 =	sadd.s32 s8, s5  }
0xb: {  	s10 =	ssub.s32 s6, s30;
	s3 =	sadd.s32 s3, s31;
	s4 =	sadd.s32 s4, s7  }
0xc: {  	s5 =	sadd.s32 s5, s7;
	s6 =	sadd.s32 $0x80, s3;
	s7 =	sadd.s32 $0x100, s3  }
0xd: {  	v0 =	vlaneseq.u32;
	s8 =	sadd.s32 $0x180, s3;
	s9 =	sadd.s32 $0x800, s9;
	s10 =	smax.u32 s10, $0x1  }
.LBB2_1:
0xe: {  	[tilespmem:s2], [sflag:$0x1] =	stream.strided.gather [hbm4b:s3+s17], $0x6400, s11, s17, $0x38;
	[tilespmem:$0xCC80] =	vst v63  }
0xf: {  	s0 =	simm.s32 $0xC800  }
0x10: {  	[tilespmem:s0], [sflag:$0x3] =	stream.linear.gather [hbm4b:s4+s2], $0x200, $0x38;
	[tilespmem:$0xCC80] =	vst v63  }
0x11: {  	_ =	swait.ge [sflag:s13], $0x200  }
0x12: {  	[sflag:s13] =	ssyncset.done $0x0  }
0x13: {  	[sflag:s13] =	ssyncadd.s32 $0xFFFFFE00  }
0x14: {  	[tilespmem:s14], [sflag:$0x3] =	stream.linear.gather [hbm4b:s5+s2], $0x200, $0x38;
	[tilespmem:$0xCC80] =	vst v63  }
0x15: {  	_ =	swait.ge [sflag:s13], $0x200  }
0x16: {  	[sflag:s13] =	ssyncset.done $0x0  }
0x17: {  	[sflag:s13] =	ssyncadd.s32 $0xFFFFFE00  }
0x18: {  	[tilespmem:s15], [sflag:$0x2] =	stream.strided.gather [hbm4b:s6+s17], $0x6400, s11, s17, $0x38;
	[tilespmem:$0xCC80] =	vst v63  }
0x19: {  	_ =	swait.ge [sflag:s16], $0x6400  }
0x1a: {  	s21 =	simm.s32 $0x6000;
	[sflag:s16] =	ssyncset.done $0x0  }
0x1b: {  	v2 =	vimm.f32 $0.0e+00;
	s22 =	simm.s32 $0x400;
	v1 =	vimm.f32 $0.0e+00;
	s23 =	simm.s32 $0x0;
	[sflag:s16] =	ssyncadd.s32 $0xFFFF9C00  }
.LBB2_2:
0x1c: {  	v20 =	vld [tilespmem:s22+$0x280]  }
0x1d: {  	v21 =	vld [tilespmem:s22+$0x300]  }
0x1e: {  	v42 =	vld [tilespmem:s22+$0x100]  }
0x1f: {  	v45 =	vld [tilespmem:s22+$0x180]  }
0x20: {  	s24 =	sshll.u32 s23, $0x4;
	s25 =	simm.s32 $0xF;
	v48 =	vld [tilespmem:s22+$0xFFFFFE80]  }
0x21: {  	s26 =	simm.s32 $0xC;
	s30 =	simm.s32 $0x8;
	s28 =	simm.s32 $0x9;
	v49 =	vld [tilespmem:s22+$0xFFFFFF00];
	v4 =	vmov s25  }
0x22: {  	s31 =	simm.s32 $0xE;
	s0 =	simm.s32 $0xA;
	s1 =	simm.s32 $0x4;
	v51 =	vld [tilespmem:s22+$0xFFFFFF80];
	v5 =	vmov s26;
	v6 =	vmov s30;
	v7 =	vmov s28  }
0x23: {  	s29 =	simm.s32 $0x5;
	s12 =	simm.s32 $0x0;
	v22 =	vld [tilespmem:s22+$0xFFFFFC80];
	s28 =	simm.s32 $0xB;
	v8 =	vmov s31;
	v9 =	vmov s0;
	v11 =	vmov s1  }
0x24: {  	v23 =	vld [tilespmem:s22+$0xFFFFFD00];
	s30 =	simm.s32 $0x6;
	v12 =	vmov s29;
	v14 =	vmov s12;
	s31 =	simm.s32 $0x2;
	v10 =	vmov s28;
	s28 =	simm.s32 $0x1  }
0x25: {  	v3 =	vld [tilespmem:s24+$0xC800];
	v13 =	vmov s30;
	s30 =	simm.s32 $0x7;
	v18 =	vmov s31;
	v15 =	vmov s28;
	s28 =	simm.s32 $0x3  }
0x26: {  	v16 =	vmov s30;
	v19 =	vmov s28;
	v44 =	vand.u32 $0x7FFFFFFF, v20  }
0x27: {  	v46 =	vand.u32 $0x7FFFFFFF, v21;
	v52 =	vand.u32 $0x7FFFFFFF, v42;
	v55 =	vand.u32 $0x7FFFFFFF, v45  }
0x28: {  	v56 =	vand.u32 $0x7FFFFFFF, v48;
	v57 =	vand.u32 $0x7FFFFFFF, v49;
	v59 =	vand.u32 $0x7FFFFFFF, v51  }
0x29: {  	v17 =	vld [tilespmem:s22+$0x200];
	s26 =	simm.s32 $0xD;
	v61 =	vand.u32 $0x7FFFFFFF, v22;
	v62 =	vand.u32 $0x7FFFFFFF, v23;
	v22 =	vmax.f32 v22, $0.0e+00  }
0x2a: {  	v23 =	vmax.f32 v23, $0.0e+00;
	vm0 =	vgt.s32 v4, v3;
	v4 =	vmov s26  }
0x2b: {  	vm5 =	vgt.s32 v5, v3;
	vm7 =	vgt.s32 v6, v3;
	vm1 =	vgt.s32 v8, v3  }
0x2c: {  	vm10 =	vgt.s32 v7, v3;
	vm8 =	vgt.s32 v9, v3;
	vm2 =	vgt.s32 v10, v3  }
0x2d: {  	v9 =	vld [tilespmem:s22+$0x380];
	vm11 =	vgt.s32 v11, v3;
	vm3 =	vgt.s32 v12, v3;
	vm4 =	vgt.s32 v13, v3  }
0x2e: {  	v10 =	vld [tilespmem:s22+$0x0];
	vm15 =	vgt.s32 v14, v3;
	vm12 =	vgt.s32 v15, v3;
	v7 =	vand.u32 $0x7FFFFFFF, v17  }
0x2f: {  	vm9 =	vgt.s32 v16, v3;
	vm13 =	vgt.s32 v18, v3;
	v43 =	vmul.f32 $-1.442695020e+00, v7  }
0x30: {  	vm14 =	vgt.s32 v19, v3;
	v11 =	vld [tilespmem:s22+$0x80];
	v14 =	vmul.f32 $-1.442695020e+00, v44;
	v16 =	vmul.f32 $-1.442695020e+00, v46  }
0x31: {  	v6 =	vmax.f32 v20, $0.0e+00;
	v58 =	vmul.f32 $-1.442695020e+00, v57;
	(erf) = vpow2.f32 v43  }
0x32: {  	v47 =	vld [tilespmem:s22+$0xFFFFFE00];
	v5 =	vmax.f32 v21, $0.0e+00;
	v24 =	vmul.f32 $-1.442695020e+00, v59;
	(erf) = vpow2.f32 v14  }
0x33: {  	v8 =	vmax.f32 v9, $0.0e+00;
	v7 =	vmax.f32 v10, $0.0e+00;
	v9 =	vand.u32 $0x7FFFFFFF, v9  }
0x34: {  	v10 =	vand.u32 $0x7FFFFFFF, v10;
	(erf) = vpow2.f32 v16;
	v9 =	vmul.f32 $-1.442695020e+00, v9  }
0x35: {  	v14 =	vmul.f32 $-1.442695020e+00, v55;
	v50 =	vand.u32 $0x7FFFFFFF, v11;
	v10 =	vmul.f32 $-1.442695020e+00, v10  }
0x36: {  	v53 =	vld [tilespmem:s22+$0xFFFFFC00];
	v12 =	vmax.f32 v45, $0.0e+00;
	v13 =	vmul.f32 $-1.442695020e+00, v50;
	(erf) = vpow2.f32 v9  }
0x37: {  	v9 =	vmul.f32 $-1.442695020e+00, v52;
	(erf) = vpow2.f32 v10;
	v10 =	vand.u32 $0x7FFFFFFF, v47  }
0x38: {  	v15 =	vmax.f32 v49, $0.0e+00;
	(erf) = vpow2.f32 v13;
	v10 =	vmul.f32 $-1.442695020e+00, v10  }
0x39: {  	vm6 =	vgt.s32 v4, v3;
	v13 =	vmul.f32 $-1.442695020e+00, v56;
	(erf) = vpow2.f32 v9  }
0x3a: {  	v4 =	vmax.f32 v17, $0.0e+00;
	v9 =	vld [tilespmem:s22+$0xFFFFFD80];
	(erf) = vpow2.f32 v14;
	v60 =	vpop (erf);
	v14 =	vmul.f32 $-1.442695020e+00, v62  }
0x3b: {  	(erf) = vpow2.f32 v10;
	v10 =	vand.u32 $0x7FFFFFFF, v53;
	v54 =	vmul.f32 $7.390210780e-02, v60  }
0x3c: {  	v16 =	vmax.f32 v51, $0.0e+00;
	v25 =	vpop (erf);
	(erf) = vpow2.f32 v13;
	v10 =	vmul.f32 $-1.442695020e+00, v10  }
0x3d: {  	v56 =	vmax.f32 v53, $0.0e+00;
	v13 =	vmul.f32 $-1.442695020e+00, v61;
	v63 =	vpop (erf);
	v55 =	vmul.f32 $7.390210780e-02, v25  }
0x3e: {  	(erf) = vpow2.f32 v58;
	v31 =	vmul.f32 $7.390210780e-02, v63;
	v20 =	vsub.f32 $2.518836860e-01, v54  }
0x3f: {  	(erf) = vpow2.f32 v24;
	v26 =	vand.u32 $0x7FFFFFFF, v9;
	v9 =	vmax.f32 v9, $0.0e+00  }
0x40: {  	(erf) = vpow2.f32 v10;
	v26 =	vmul.f32 $-1.442695020e+00, v26;
	v10 =	vmax.f32 v11, $0.0e+00  }
0x41: {  	v27 =	vpop (erf);
	v11 =	vmax.f32 v42, $0.0e+00;
	v31 =	vsub.f32 $2.518836860e-01, v31;
	v20 =	vmul.f32 v20, v60  }
0x42: {  	(erf) = vpow2.f32 v13;
	v28 =	vpop (erf);
	v13 =	vmax.f32 v47, $0.0e+00;
	v32 =	vmul.f32 $7.390210780e-02, v27  }
0x43: {  	(erf) = vpow2.f32 v14;
	v14 =	vmax.f32 v48, $0.0e+00;
	v57 =	vmul.f32 $7.390210780e-02, v28  }
0x44: {  	v29 =	vpop (erf);
	v31 =	vmul.f32 v31, v63;
	v20 =	vadd.f32 $-4.846417900e-01, v20;
	(erf) = vpow2.f32 v26  }
0x45: {  	v19 =	vpop (erf);
	v34 =	vmul.f32 $7.390210780e-02, v29;
	v26 =	vsub.f32 $2.518836860e-01, v55;
	v32 =	vsub.f32 $2.518836860e-01, v32  }
0x46: {  	v30 =	vpop (erf);
	v36 =	vmul.f32 $7.390210780e-02, v19;
	v21 =	vsub.f32 $2.518836860e-01, v57;
	v20 =	vmul.f32 v20, v60  }
0x47: {  	v31 =	vadd.f32 $-4.846417900e-01, v31;
	v33 =	vpop (erf);
	v37 =	vmul.f32 $7.390210780e-02, v30;
	v26 =	vmul.f32 v26, v25  }
0x48: {  	v34 =	vsub.f32 $2.518836860e-01, v34;
	v32 =	vmul.f32 v32, v27;
	v39 =	vmul.f32 $7.390210780e-02, v33  }
0x49: {  	v35 =	vpop (erf);
	v36 =	vsub.f32 $2.518836860e-01, v36;
	v21 =	vmul.f32 v21, v28;
	v31 =	vmul.f32 v31, v63  }
0x4a: {  	v20 =	vadd.f32 $9.993023870e-01, v20;
	v40 =	vmul.f32 $7.390210780e-02, v35;
	v37 =	vsub.f32 $2.518836860e-01, v37  }
0x4b: {  	v38 =	vpop (erf);
	v34 =	vmul.f32 v34, v29;
	v26 =	vadd.f32 $-4.846417900e-01, v26;
	v32 =	vadd.f32 $-4.846417900e-01, v32  }
0x4c: {  	v42 =	vmul.f32 $7.390210780e-02, v38;
	v39 =	vsub.f32 $2.518836860e-01, v39;
	v36 =	vmul.f32 v36, v19  }
0x4d: {  	v41 =	vpop (erf);
	v21 =	vadd.f32 $-4.846417900e-01, v21;
	v31 =	vadd.f32 $9.993023870e-01, v31;
	v17 =	vmul.f32 v20, v60  }
0x4e: {  	v43 =	vmul.f32 $7.390210780e-02, v41;
	v40 =	vsub.f32 $2.518836860e-01, v40;
	v37 =	vmul.f32 v37, v30  }
0x4f: {  	v44 =	vpop (erf);
	v34 =	vadd.f32 $-4.846417900e-01, v34;
	v26 =	vmul.f32 v26, v25;
	v32 =	vmul.f32 v32, v27  }
0x50: {  	v45 =	vmul.f32 $7.390210780e-02, v44;
	v42 =	vsub.f32 $2.518836860e-01, v42;
	v39 =	vmul.f32 v39, v33  }
0x51: {  	v46 =	vpop (erf);
	v36 =	vadd.f32 $-4.846417900e-01, v36;
	v21 =	vmul.f32 v21, v28;
	v24 =	vmul.f32 v31, v63  }
0x52: {  	v4 =	vadd.f32 v17, v4;
	v47 =	vmul.f32 $7.390210780e-02, v46;
	v43 =	vsub.f32 $2.518836860e-01, v43  }
0x53: {  	v48 =	vpop (erf);
	v40 =	vmul.f32 v40, v35;
	v37 =	vadd.f32 $-4.846417900e-01, v37;
	v34 =	vmul.f32 v34, v29  }
0x54: {  	v26 =	vadd.f32 $9.993023870e-01, v26;
	v32 =	vadd.f32 $9.993023870e-01, v32;
	v49 =	vmul.f32 $7.390210780e-02, v48  }
0x55: {  	v45 =	vsub.f32 $2.518836860e-01, v45;
	v42 =	vmul.f32 v42, v38;
	v39 =	vadd.f32 $-4.846417900e-01, v39  }
0x56: {  	v50 =	vpop (erf);
	v36 =	vmul.f32 v36, v19;
	v21 =	vadd.f32 $9.993023870e-01, v21;
	v5 =	vadd.f32 v24, v5  }
0x57: {  	v51 =	vmul.f32 $7.390210780e-02, v50;
	v47 =	vsub.f32 $2.518836860e-01, v47;
	v43 =	vmul.f32 v43, v41  }
0x58: {  	v40 =	vadd.f32 $-4.846417900e-01, v40;
	v37 =	vmul.f32 v37, v30;
	v34 =	vadd.f32 $9.993023870e-01, v34  }
0x59: {  	v58 =	vmul.f32 v26, v25;
	v60 =	vmul.f32 v32, v27;
	v49 =	vsub.f32 $2.518836860e-01, v49  }
0x5a: {  	v45 =	vmul.f32 v45, v44;
	v42 =	vadd.f32 $-4.846417900e-01, v42;
	v39 =	vmul.f32 v39, v33  }
0x5b: {  	v36 =	vadd.f32 $9.993023870e-01, v36;
	v21 =	vmul.f32 v21, v28;
	v51 =	vsub.f32 $2.518836860e-01, v51  }
0x5c: {  	v47 =	vmul.f32 v47, v46;
	v43 =	vadd.f32 $-4.846417900e-01, v43;
	v40 =	vmul.f32 v40, v35  }
0x5d: {  	v37 =	vadd.f32 $9.993023870e-01, v37;
	v62 =	vmul.f32 v34, v29;
	v6 =	vadd.f32 v58, v6  }
0x5e: {  	v8 =	vadd.f32 v60, v8;
	v49 =	vmul.f32 v49, v48;
	v45 =	vadd.f32 $-4.846417900e-01, v45  }
0x5f: {  	v42 =	vmul.f32 v42, v38;
	v39 =	vadd.f32 $9.993023870e-01, v39;
	v19 =	vmul.f32 v36, v19  }
0x60: {  	v7 =	vadd.f32 v21, v7;
	v51 =	vmul.f32 v51, v50;
	v47 =	vadd.f32 $-4.846417900e-01, v47  }
0x61: {  	v43 =	vmul.f32 v43, v41;
	v40 =	vadd.f32 $9.993023870e-01, v40;
	v30 =	vmul.f32 v37, v30  }
0x62: {  	v10 =	vadd.f32 v62, v10;
	v57 =	vsel vm6, $0x0, v6;
	v49 =	vadd.f32 $-4.846417900e-01, v49  }
0x63: {  	v45 =	vmul.f32 v45, v44;
	v42 =	vadd.f32 $9.993023870e-01, v42;
	v39 =	vmul.f32 v39, v33  }
0x64: {  	v11 =	vadd.f32 v19, v11;
	v51 =	vadd.f32 $-4.846417900e-01, v51;
	v47 =	vmul.f32 v47, v46  }
0x65: {  	v43 =	vadd.f32 $9.993023870e-01, v43;
	v40 =	vmul.f32 v40, v35;
	v12 =	vadd.f32 v30, v12  }
0x66: {  	v49 =	vmul.f32 v49, v48;
	v59 =	vadd.f32 $9.993023870e-01, v45;
	v45 =	vmul.f32 v42, v38  }
0x67: {  	v13 =	vadd.f32 v39, v13;
	v51 =	vmul.f32 v51, v50;
	v61 =	vadd.f32 $9.993023870e-01, v47  }
0x68: {  	v47 =	vmul.f32 v43, v41;
	v14 =	vadd.f32 v40, v14;
	v63 =	vadd.f32 $9.993023870e-01, v49  }
0x69: {  	v49 =	vmul.f32 v59, v44;
	v15 =	vadd.f32 v45, v15;
	v37 =	vadd.f32 $9.993023870e-01, v51  }
0x6a: {  	v51 =	vmul.f32 v61, v46;
	v16 =	vadd.f32 v47, v16;
	v60 =	vsel vm3, $0x0, v14  }
0x6b: {  	v52 =	vmul.f32 v63, v48;
	v54 =	vadd.f32 v49, v56;
	v53 =	vmul.f32 v37, v50  }
0x6c: {  	v56 =	vsel vm5, $0x0, v4;
	v4 =	vsel vm7, $0x0, v7;
	v55 =	vadd.f32 v51, v22  }
0x6d: {  	v7 =	vsel vm10, $0x0, v10;
	v19 =	vadd.f32 v52, v23;
	v9 =	vadd.f32 v53, v9  }
0x6e: {  	v10 =	vsel vm11, $0x0, v13;
	v61 =	vsel vm4, $0x0, v15;
	v6 =	vsel vm15, $0x0, v54  }
0x6f: {  	v58 =	vsel vm12, $0x0, v55;
	v59 =	vsel vm13, $0x0, v19;
	v9 =	vsel vm14, $0x0, v9  }
0x70: {  	v62 =	vsel vm9, $0x0, v16;
	v6 =	vadd.f32 v58, v6;
	v9 =	vadd.f32 v9, v59  }
0x71: {  	v10 =	vadd.f32 v60, v10;
	v63 =	vadd.f32 v62, v61  }
0x72: {  	v8 =	vsel vm0, $0x0, v8;
	v11 =	vsel vm8, $0x0, v11;
	v9 =	vadd.f32 v9, v6  }
0x73: {  	v12 =	vsel vm2, $0x0, v12;
	v10 =	vadd.f32 v63, v10;
	v6 =	vadd.f32 v7, v4  }
0x74: {  	v7 =	vadd.f32 v12, v11;
	v11 =	vsel vm1, $0x0, v5;
	v9 =	vadd.f32 v9, v2  }
0x75: {  	s29 =	smov.u32 s22;
	s28 =	simm.s32 $0x1F;
	s26 =	simm.s32 $0x0;
	v4 =	vld [tilespmem:s24+$0xCA00];
	v5 =	vadd.f32 v57, v56;
	v8 =	vadd.f32 v8, v11  }
.LBB2_3:
0x76: {  	s25 =	sadd.s32 $0xFFFFFFFD, s28;
	v11 =	vmov s28;
	v9 =	vadd.f32 v10, v9;
	v6 =	vadd.f32 v7, v6  }
0x77: {  	s30 =	sadd.s32 $0xFFFFFFFE, s28;
	v7 =	vmov s25;
	vm0 =	vgt.s32 v11, v3;
	s25 =	simm.s32 $0xC3  }
0x78: {  	s31 =	sadd.s32 $0xFFFFFFF9, s28;
	s1 =	sadd.s32 $0xFFFFFFFA, s28;
	v10 =	vmov s30;
	s30 =	sadd.s32 $0xFFFFFFFF, s28;
	v5 =	vadd.f32 v8, v5;
	v6 =	vadd.f32 v6, v9  }
0x79: {  	s29 =	sadd.s32 $0x800, s29;
	v8 =	vmov s31;
	s31 =	sadd.s32 $0xFFFFFFFC, s28;
	v9 =	vmov s1;
	s1 =	sadd.s32 $0xFFFFFFFB, s28;
	v11 =	vmov s30  }
0x7a: {  	s0 =	sadd.s32 $0xFFFFFFF6, s28;
	s12 =	sadd.s32 $0xFFFFFFF7, s28;
	s30 =	sadd.s32 $0xFFFFFFF5, s28;
	v13 =	vmov s31;
	v12 =	vmov s1;
	v5 =	vadd.f32 v5, v6  }
0x7b: {  	v14 =	vmov s0;
	v15 =	vmov s12;
	s0 =	sadd.s32 $0xFFFFFFF8, s28;
	s31 =	sadd.s32 $0xFFFFFFF2, s28;
	s1 =	sadd.s32 $0xFFFFFFF1, s28;
	v6 =	vmov s30  }
0x7c: {  	s12 =	sadd.s32 $0xFFFFFFF4, s28;
	v18 =	vmov s0;
	v17 =	vmov s31;
	v16 =	vmov s1;
	s1 =	sadd.s32 $0xFFFFFFF3, s28;
	v19 =	vld [tilespmem:s29+$0x200]  }
0x7d: {  	v21 =	vmov s12;
	vm5 =	vgt.s32 v7, v3;
	v20 =	vmov s1;
	v22 =	vld [tilespmem:s29+$0x280]  }
0x7e: {  	vm8 =	vgt.s32 v8, v3;
	vm6 =	vgt.s32 v10, v3;
	vm1 =	vgt.s32 v11, v3;
	v23 =	vld [tilespmem:s29+$0x300]  }
0x7f: {  	vm10 =	vgt.s32 v9, v3;
	vm2 =	vgt.s32 v13, v3;
	vm9 =	vgt.s32 v12, v3;
	v11 =	vld [tilespmem:s29+$0x380]  }
0x80: {  	vm4 =	vgt.s32 v14, v3;
	vm3 =	vgt.s32 v15, v3;
	vm11 =	vgt.s32 v6, v3;
	v12 =	vld [tilespmem:s29+$0x0]  }
0x81: {  	vm7 =	vgt.s32 v18, v3;
	vm12 =	vgt.s32 v17, v3;
	vm15 =	vgt.s32 v16, v3  }
0x82: {  	vm14 =	vgt.s32 v21, v3;
	vm13 =	vgt.s32 v20, v3;
	v6 =	vmax.f32 v19, $0.0e+00  }
0x83: {  	v9 =	vand.u32 $0x7FFFFFFF, v19;
	v8 =	vmax.f32 v22, $0.0e+00;
	v13 =	vld [tilespmem:s29+$0x80];
	v7 =	vmax.f32 v23, $0.0e+00  }
0x84: {  	v15 =	vmul.f32 $-1.442695020e+00, v9;
	v16 =	vand.u32 $0x7FFFFFFF, v22;
	v14 =	vld [tilespmem:s29+$0x100];
	v10 =	vmax.f32 v11, $0.0e+00  }
0x85: {  	v16 =	vmul.f32 $-1.442695020e+00, v16;
	v18 =	vand.u32 $0x7FFFFFFF, v23;
	v9 =	vmax.f32 v12, $0.0e+00;
	v17 =	vld [tilespmem:s29+$0x180]  }
0x86: {  	v18 =	vmul.f32 $-1.442695020e+00, v18;
	v11 =	vand.u32 $0x7FFFFFFF, v11;
	v19 =	vld [tilespmem:s29+$0xFFFFFE00];
	(erf) = vpow2.f32 v15  }
0x87: {  	v12 =	vand.u32 $0x7FFFFFFF, v12;
	v11 =	vmul.f32 $-1.442695020e+00, v11;
	v21 =	vld [tilespmem:s29+$0xFFFFFE80];
	(erf) = vpow2.f32 v16  }
0x88: {  	v12 =	vmul.f32 $-1.442695020e+00, v12;
	v23 =	vld [tilespmem:s29+$0xFFFFFF00];
	v15 =	vand.u32 $0x7FFFFFFF, v13;
	(erf) = vpow2.f32 v18  }
0x89: {  	v18 =	vld [tilespmem:s29+$0xFFFFFF80];
	v15 =	vmul.f32 $-1.442695020e+00, v15;
	v16 =	vand.u32 $0x7FFFFFFF, v14;
	(erf) = vpow2.f32 v11  }
0x8a: {  	v31 =	vld [tilespmem:s29+$0xFFFFFC00];
	v11 =	vmul.f32 $-1.442695020e+00, v16;
	v16 =	vand.u32 $0x7FFFFFFF, v17;
	(erf) = vpow2.f32 v12  }
0x8b: {  	v32 =	vld [tilespmem:s29+$0xFFFFFC80];
	v12 =	vand.u32 $0x7FFFFFFF, v19;
	v16 =	vmul.f32 $-1.442695020e+00, v16;
	(erf) = vpow2.f32 v15  }
0x8c: {  	v33 =	vld [tilespmem:s29+$0xFFFFFD00];
	v12 =	vmul.f32 $-1.442695020e+00, v12;
	v15 =	vand.u32 $0x7FFFFFFF, v21;
	(erf) = vpow2.f32 v11  }
0x8d: {  	v11 =	vld [tilespmem:s29+$0xFFFFFD80];
	v15 =	vmul.f32 $-1.442695020e+00, v15;
	v24 =	vand.u32 $0x7FFFFFFF, v23;
	(erf) = vpow2.f32 v16  }
0x8e: {  	v16 =	vmul.f32 $-1.442695020e+00, v24;
	v24 =	vand.u32 $0x7FFFFFFF, v18;
	(erf) = vpow2.f32 v12  }
0x8f: {  	v12 =	vand.u32 $0x7FFFFFFF, v31;
	v26 =	vmul.f32 $-1.442695020e+00, v24;
	(erf) = vpow2.f32 v15;
	v20 =	vpop (erf)  }
0x90: {  	v12 =	vmul.f32 $-1.442695020e+00, v12;
	v15 =	vand.u32 $0x7FFFFFFF, v32;
	(erf) = vpow2.f32 v16;
	v22 =	vpop (erf)  }
0x91: {  	v15 =	vmul.f32 $-1.442695020e+00, v15;
	v16 =	vand.u32 $0x7FFFFFFF, v33;
	(erf) = vpow2.f32 v26;
	v24 =	vpop (erf)  }
0x92: {  	v16 =	vmul.f32 $-1.442695020e+00, v16;
	v28 =	vand.u32 $0x7FFFFFFF, v11;
	(erf) = vpow2.f32 v12;
	v25 =	vpop (erf)  }
0x93: {  	v12 =	vmax.f32 v13, $0.0e+00;
	v30 =	vmul.f32 $-1.442695020e+00, v28;
	(erf) = vpow2.f32 v15;
	v26 =	vpop (erf)  }
0x94: {  	v13 =	vmax.f32 v14, $0.0e+00;
	v14 =	vmax.f32 v17, $0.0e+00;
	(erf) = vpow2.f32 v16;
	v27 =	vpop (erf)  }
0x95: {  	v15 =	vmax.f32 v19, $0.0e+00;
	v16 =	vmax.f32 v21, $0.0e+00;
	(erf) = vpow2.f32 v30;
	v28 =	vpop (erf)  }
0x96: {  	v34 =	vmul.f32 $7.390210780e-02, v20;
	v35 =	vmul.f32 $7.390210780e-02, v22;
	v17 =	vmax.f32 v23, $0.0e+00;
	v29 =	vpop (erf)  }
0x97: {  	v18 =	vmax.f32 v18, $0.0e+00;
	v36 =	vmul.f32 $7.390210780e-02, v24;
	v37 =	vmul.f32 $7.390210780e-02, v25;
	v30 =	vpop (erf)  }
0x98: {  	v19 =	vmax.f32 v31, $0.0e+00;
	v38 =	vmul.f32 $7.390210780e-02, v26;
	v39 =	vmul.f32 $7.390210780e-02, v27;
	v31 =	vpop (erf)  }
0x99: {  	v21 =	vmax.f32 v32, $0.0e+00;
	v40 =	vmul.f32 $7.390210780e-02, v28;
	v41 =	vmul.f32 $7.390210780e-02, v29;
	v32 =	vpop (erf)  }
0x9a: {  	v23 =	vmax.f32 v33, $0.0e+00;
	v42 =	vmul.f32 $7.390210780e-02, v30;
	v43 =	vmul.f32 $7.390210780e-02, v31;
	v33 =	vpop (erf)  }
0x9b: {  	v46 =	vsub.f32 $2.518836860e-01, v34;
	v44 =	vmul.f32 $7.390210780e-02, v32;
	v45 =	vmul.f32 $7.390210780e-02, v33;
	v34 =	vpop (erf)  }
0x9c: {  	v48 =	vsub.f32 $2.518836860e-01, v35;
	v49 =	vsub.f32 $2.518836860e-01, v36;
	v47 =	vmul.f32 $7.390210780e-02, v34;
	v35 =	vpop (erf)  }
0x9d: {  	v51 =	vsub.f32 $2.518836860e-01, v37;
	v38 =	vsub.f32 $2.518836860e-01, v38;
	v50 =	vmul.f32 $7.390210780e-02, v35;
	v36 =	vpop (erf)  }
0x9e: {  	v39 =	vsub.f32 $2.518836860e-01, v39;
	v40 =	vsub.f32 $2.518836860e-01, v40;
	v52 =	vmul.f32 $7.390210780e-02, v36;
	v37 =	vpop (erf)  }
0x9f: {  	v41 =	vsub.f32 $2.518836860e-01, v41;
	v42 =	vsub.f32 $2.518836860e-01, v42;
	v53 =	vmul.f32 $7.390210780e-02, v37  }
0xa0: {  	v46 =	vmul.f32 v46, v20;
	v43 =	vsub.f32 $2.518836860e-01, v43;
	v44 =	vsub.f32 $2.518836860e-01, v44  }
0xa1: {  	v48 =	vmul.f32 v48, v22;
	v49 =	vmul.f32 v49, v24;
	v45 =	vsub.f32 $2.518836860e-01, v45  }
0xa2: {  	v51 =	vmul.f32 v51, v25;
	v38 =	vmul.f32 v38, v26;
	v47 =	vsub.f32 $2.518836860e-01, v47  }
0xa3: {  	s26 =	sadd.s32 $0x4, s26;
	v39 =	vmul.f32 v39, v27;
	v40 =	vmul.f32 v40, v28;
	v50 =	vsub.f32 $2.518836860e-01, v50  }
0xa4: {  	p0 =	slt.u32 s26, $0x2C;
	v41 =	vmul.f32 v41, v29;
	v42 =	vmul.f32 v42, v30;
	v52 =	vsub.f32 $2.518836860e-01, v52  }
0xa5: {  	v43 =	vmul.f32 v43, v31;
	v44 =	vmul.f32 v44, v32;
	v53 =	vsub.f32 $2.518836860e-01, v53  }
0xa6: {  	v46 =	vadd.f32 $-4.846417900e-01, v46;
	v48 =	vadd.f32 $-4.846417900e-01, v48;
	v45 =	vmul.f32 v45, v33  }
0xa7: {  	v49 =	vadd.f32 $-4.846417900e-01, v49;
	v51 =	vadd.f32 $-4.846417900e-01, v51;
	v47 =	vmul.f32 v47, v34  }
0xa8: {  	v38 =	vadd.f32 $-4.846417900e-01, v38;
	v39 =	vadd.f32 $-4.846417900e-01, v39;
	v50 =	vmul.f32 v50, v35  }
0xa9: {  	v40 =	vadd.f32 $-4.846417900e-01, v40;
	v41 =	vadd.f32 $-4.846417900e-01, v41;
	v52 =	vmul.f32 v52, v36  }
0xaa: {  	v42 =	vadd.f32 $-4.846417900e-01, v42;
	v43 =	vadd.f32 $-4.846417900e-01, v43;
	v53 =	vmul.f32 v53, v37  }
0xab: {  	v46 =	vmul.f32 v46, v20;
	v44 =	vadd.f32 $-4.846417900e-01, v44;
	v45 =	vadd.f32 $-4.846417900e-01, v45  }
0xac: {  	v48 =	vmul.f32 v48, v22;
	v49 =	vmul.f32 v49, v24;
	v47 =	vadd.f32 $-4.846417900e-01, v47  }
0xad: {  	v51 =	vmul.f32 v51, v25;
	v38 =	vmul.f32 v38, v26;
	v50 =	vadd.f32 $-4.846417900e-01, v50  }
0xae: {  	v39 =	vmul.f32 v39, v27;
	v40 =	vmul.f32 v40, v28;
	v52 =	vadd.f32 $-4.846417900e-01, v52  }
0xaf: {  	v41 =	vmul.f32 v41, v29;
	v42 =	vmul.f32 v42, v30;
	v53 =	vadd.f32 $-4.846417900e-01, v53  }
0xb0: {  	v46 =	vadd.f32 $9.993023870e-01, v46;
	v43 =	vmul.f32 v43, v31;
	v44 =	vmul.f32 v44, v32  }
0xb1: {  	v48 =	vadd.f32 $9.993023870e-01, v48;
	v49 =	vadd.f32 $9.993023870e-01, v49;
	v45 =	vmul.f32 v45, v33  }
0xb2: {  	v51 =	vadd.f32 $9.993023870e-01, v51;
	v38 =	vadd.f32 $9.993023870e-01, v38;
	v47 =	vmul.f32 v47, v34  }
0xb3: {  	v39 =	vadd.f32 $9.993023870e-01, v39;
	v40 =	vadd.f32 $9.993023870e-01, v40;
	v50 =	vmul.f32 v50, v35  }
0xb4: {  	v41 =	vadd.f32 $9.993023870e-01, v41;
	v42 =	vadd.f32 $9.993023870e-01, v42;
	v52 =	vmul.f32 v52, v36  }
0xb5: {  	v43 =	vadd.f32 $9.993023870e-01, v43;
	v44 =	vadd.f32 $9.993023870e-01, v44;
	v53 =	vmul.f32 v53, v37  }
0xb6: {  	v20 =	vmul.f32 v46, v20;
	v22 =	vmul.f32 v48, v22;
	v45 =	vadd.f32 $9.993023870e-01, v45  }
0xb7: {  	v24 =	vmul.f32 v49, v24;
	v25 =	vmul.f32 v51, v25;
	v46 =	vadd.f32 $9.993023870e-01, v47  }
0xb8: {  	v26 =	vmul.f32 v38, v26;
	v27 =	vmul.f32 v39, v27;
	v47 =	vadd.f32 $9.993023870e-01, v50  }
0xb9: {  	v28 =	vmul.f32 v40, v28;
	v29 =	vmul.f32 v41, v29;
	v38 =	vadd.f32 $9.993023870e-01, v52  }
0xba: {  	v30 =	vmul.f32 v42, v30;
	v31 =	vmul.f32 v43, v31;
	v39 =	vadd.f32 $9.993023870e-01, v53  }
0xbb: {  	v6 =	vadd.f32 v20, v6;
	v8 =	vadd.f32 v22, v8;
	v32 =	vmul.f32 v44, v32  }
0xbc: {  	v22 =	vadd.f32 v24, v7;
	v24 =	vadd.f32 v25, v10;
	v20 =	vmul.f32 v45, v33  }
0xbd: {  	v9 =	vadd.f32 v26, v9;
	v10 =	vadd.f32 v27, v12;
	v7 =	vmul.f32 v46, v34  }
0xbe: {  	v13 =	vadd.f32 v28, v13;
	v14 =	vadd.f32 v29, v14;
	v12 =	vmul.f32 v47, v35  }
0xbf: {  	v15 =	vadd.f32 v30, v15;
	v16 =	vadd.f32 v31, v16;
	v25 =	vmul.f32 v38, v36  }
0xc0: {  	v17 =	vadd.f32 v32, v17;
	v18 =	vadd.f32 v20, v18;
	v26 =	vmul.f32 v39, v37  }
0xc1: {  	v11 =	vmax.f32 v11, $0.0e+00;
	v7 =	vadd.f32 v7, v19;
	v12 =	vadd.f32 v12, v21  }
0xc2: {  	v20 =	vsel vm5, $0x0, v6;
	v19 =	vadd.f32 v25, v23;
	v11 =	vadd.f32 v26, v11  }
0xc3: {  	v8 =	vsel vm6, $0x0, v8;
	v6 =	vsel vm8, $0x0, v9;
	v9 =	vsel vm10, $0x0, v10  }
0xc4: {  	v13 =	vsel vm9, $0x0, v13;
	v10 =	vsel vm11, $0x0, v15;
	v7 =	vsel vm15, $0x0, v7  }
0xc5: {  	v12 =	vsel vm12, $0x0, v12;
	v15 =	vsel vm13, $0x0, v19;
	v11 =	vsel vm14, $0x0, v11  }
0xc6: {  	v7 =	vadd.f32 v12, v7;
	v12 =	vsel vm4, $0x0, v16;
	v11 =	vadd.f32 v11, v15  }
.Ltmp0:
0xc7: {  	v16 =	vsel vm7, $0x0, v18;
	v10 =	vadd.f32 v12, v10;
	v15 =	vsel vm3, $0x0, v17;
	(pc) =	sbr.rel @p0 .LBB2_3-.Ltmp0, $4  }
0xc8: {  	v12 =	vadd.f32 v16, v15;
	v11 =	vadd.f32 v11, v7;
	v7 =	vsel vm2, $0x0, v14  }
0xc9: {  	v6 =	vadd.f32 v9, v6;
	v7 =	vadd.f32 v7, v13;
	v13 =	vsel vm1, $0x0, v22  }
0xca: {  	v10 =	vadd.f32 v12, v10;
	v9 =	vadd.f32 v11, v5;
	v11 =	vsel vm0, $0x0, v24  }
0xcb: {  	s28 =	sadd.s32 $0x10, s28;
	v5 =	vadd.f32 v8, v20;
	v8 =	vadd.f32 v11, v13  }
0xcc: {  	v9 =	vadd.f32 v10, v9;
	v6 =	vadd.f32 v7, v6;
	_ =	sdelay $0x1  }
0xcd: {  	v5 =	vadd.f32 v8, v5;
	v6 =	vadd.f32 v6, v9;
	_ =	sdelay $0x1  }
0xce: {  	s26 =	smov.u32 s21;
	v5 =	vadd.f32 v5, v6  }
.LBB2_5:
0xcf: {  	v6 =	vld [tilespmem:s26+$0x0]  }
0xd0: {  	v7 =	vld [tilespmem:s26+$0x80]  }
0xd1: {  	v8 =	vld [tilespmem:s26+$0x100]  }
0xd2: {  	v9 =	vld [tilespmem:s26+$0x180];
	_ =	sdelay $0x1  }
0xd3: {  	v10 =	vand.u32 $0x7FFFFFFF, v6  }
0xd4: {  	v11 =	vand.u32 $0x7FFFFFFF, v7;
	v10 =	vmul.f32 $-1.442695020e+00, v10  }
0xd5: {  	v53 =	vand.u32 $0x7FFFFFFF, v8;
	v52 =	vmul.f32 $-1.442695020e+00, v11  }
0xd6: {  	v12 =	vand.u32 $0x7FFFFFFF, v9;
	v11 =	vmul.f32 $-1.442695020e+00, v53;
	(erf) = vpow2.f32 v10  }
0xd7: {  	v54 =	vmul.f32 $-1.442695020e+00, v12;
	(erf) = vpow2.f32 v52  }
0xd8: {  	(erf) = vpow2.f32 v11  }
0xd9: {  	(erf) = vpow2.f32 v54;
	_ =	sdelay $0x5  }
0xda: {  	v55 =	vpop (erf)  }
0xdb: {  	v57 =	vpop (erf)  }
0xdc: {  	v56 =	vmul.f32 $7.390210780e-02, v55;
	v13 =	vpop (erf)  }
0xdd: {  	v14 =	vmul.f32 $7.390210780e-02, v57;
	v16 =	vpop (erf)  }
0xde: {  	v11 =	vsub.f32 $2.518836860e-01, v56;
	v15 =	vmul.f32 $7.390210780e-02, v13;
	v17 =	vmul.f32 $7.390210780e-02, v16  }
0xdf: {  	v14 =	vsub.f32 $2.518836860e-01, v14  }
0xe0: {  	v11 =	vmul.f32 v11, v55;
	v15 =	vsub.f32 $2.518836860e-01, v15;
	v17 =	vsub.f32 $2.518836860e-01, v17  }
0xe1: {  	v14 =	vmul.f32 v14, v57  }
0xe2: {  	v11 =	vadd.f32 $-4.846417900e-01, v11;
	v15 =	vmul.f32 v15, v13;
	v17 =	vmul.f32 v17, v16  }
0xe3: {  	v63 =	vmov s25;
	v14 =	vadd.f32 $-4.846417900e-01, v14  }
0xe4: {  	s0 =	sadd.s32 $0xFFFFFFFD, s25;
	s30 =	sadd.s32 $0xFFFFFFFE, s25;
	v11 =	vmul.f32 v11, v55;
	v15 =	vadd.f32 $-4.846417900e-01, v15;
	v17 =	vadd.f32 $-4.846417900e-01, v17  }
0xe5: {  	v18 =	vmov s0;
	v59 =	vmov s30;
	v14 =	vmul.f32 v14, v57  }
0xe6: {  	s31 =	sadd.s32 $0xFFFFFFFF, s25;
	v11 =	vadd.f32 $9.993023870e-01, v11;
	v15 =	vmul.f32 v15, v13;
	v58 =	vmul.f32 v17, v16  }
0xe7: {  	v62 =	vmov s31;
	vm2 =	vgt.s32 v63, v3;
	v14 =	vadd.f32 $9.993023870e-01, v14  }
0xe8: {  	v10 =	vmul.f32 v11, v55;
	v15 =	vadd.f32 $9.993023870e-01, v15;
	v11 =	vadd.f32 $9.993023870e-01, v58  }
0xe9: {  	v6 =	vmax.f32 v6, $0.0e+00;
	v7 =	vmax.f32 v7, $0.0e+00;
	v60 =	vmul.f32 v14, v57  }
0xea: {  	v8 =	vmax.f32 v8, $0.0e+00;
	v61 =	vmul.f32 v15, v13;
	v11 =	vmul.f32 v11, v16  }
0xeb: {  	v9 =	vmax.f32 v9, $0.0e+00;
	v6 =	vadd.f32 v10, v6;
	v7 =	vadd.f32 v60, v7  }
0xec: {  	vm0 =	vgt.s32 v18, v3;
	v8 =	vadd.f32 v61, v8;
	v9 =	vadd.f32 v11, v9  }
0xed: {  	vm1 =	vgt.s32 v59, v3;
	vm15 =	vgt.s32 v62, v3;
	v6 =	vsel vm0, $0x0, v6  }
0xee: {  	p0 =	sne.s32 s25, $0xC7;
	v7 =	vsel vm1, $0x0, v7;
	v8 =	vsel vm15, $0x0, v8;
	v9 =	vsel vm2, $0x0, v9  }
.Ltmp1:
0xef: {  	v6 =	vadd.f32 v7, v6;
	v7 =	vadd.f32 v9, v8;
	(pc) =	sbr.rel @p0 .LBB2_5-.Ltmp1, $3  }
0xf0: {  	_ = 	snop  }
0xf1: {  	v6 =	vadd.f32 v7, v6;
	_ =	sdelay $0x1  }
0xf2: {  	s26 =	sadd.s32 $0x200, s26;
	s25 =	sadd.s32 $0x4, s25;
	v5 =	vadd.f32 v6, v5  }
0xf3: {  	v3 =	vshll.u32 v3, $0x7  }
0xf4: {  	v3 =	vadd.s32 s24, v3  }
0xf5: {  	v3 =	vadd.s32 v0, v3;
	_ =	sdelay $0x4  }
0xf6: {  	v3 =	vld.idx.msk [tilespmem:v3+s2+$0x0], $0xffff;
	_ =	sdelay $0x2  }
0xf7: {  	s23 =	sadd.s32 $0x1, s23  }
0xf8: {  	p0 =	sne.s32 s23, $0x8  }
.Ltmp2:
0xf9: {  	v3 =	vmul.f32 v3, v4;
	(pc) =	sbr.rel @p0 .LBB2_2-.Ltmp2, $3  }
0xfa: {  	_ = 	snop  }
0xfb: {  	v3 =	vsub.f32 v5, v3;
	_ =	sdelay $0x1  }
0xfc: {  	s22 =	sadd.s32 $0x10, s22;
	s21 =	sadd.s32 $0x10, s21;
	v1 =	vadd.f32 v3, v1  }
0xfd: {  	s21 =	simm.s32 $0x0  }
0xfe: {  	[tilespmem:s21], [sflag:$0x1] =	stream.strided.gather [hbm4b:s7+s17], $0x6400, s11, s17, $0x38;
	[tilespmem:$0xCC80] =	vst v63  }
0xff: {  	_ =	swait.ge [sflag:s18], $0x6400  }
0x100: {  	[sflag:s18] =	ssyncset.done $0x0  }
0x101: {  	s22 =	simm.s32 $0x6800;
	s23 =	simm.s32 $0xC400;
	[sflag:s18] =	ssyncadd.s32 $0xFFFF9C00  }
.LBB2_8:
0x102: {  	v20 =	vld [tilespmem:s22+$0x280]  }
0x103: {  	v21 =	vld [tilespmem:s22+$0x300]  }
0x104: {  	v41 =	vld [tilespmem:s22+$0x100]  }
0x105: {  	v44 =	vld [tilespmem:s22+$0x180]  }
0x106: {  	s24 =	sshll.u32 s21, $0x4;
	v47 =	vld [tilespmem:s22+$0xFFFFFE80]  }
0x107: {  	s0 =	simm.s32 $0xF;
	s1 =	simm.s32 $0xC;
	v3 =	vimm.f32 $0.0e+00;
	s26 =	simm.s32 $0x8;
	v48 =	vld [tilespmem:s22+$0xFFFFFF00]  }
0x108: {  	s12 =	simm.s32 $0x9;
	s29 =	simm.s32 $0xE;
	s30 =	simm.s32 $0xA;
	v50 =	vld [tilespmem:s22+$0xFFFFFF80];
	v4 =	vmov s0;
	v5 =	vmov s1;
	v6 =	vmov s26  }
0x109: {  	s31 =	simm.s32 $0xB;
	v22 =	vld [tilespmem:s22+$0xFFFFFC80];
	v7 =	vmov s12;
	v8 =	vmov s29;
	s29 =	simm.s32 $0x4;
	s26 =	simm.s32 $0x6;
	v9 =	vmov s30  }
0x10a: {  	v23 =	vld [tilespmem:s22+$0xFFFFFD00];
	v10 =	vmov s31;
	s30 =	simm.s32 $0x0;
	s31 =	simm.s32 $0x1;
	v11 =	vmov s29;
	v13 =	vmov s26;
	s29 =	simm.s32 $0x7  }
0x10b: {  	v2 =	vld [tilespmem:s24+$0xC880];
	v14 =	vmov s30;
	v15 =	vmov s31;
	s30 =	simm.s32 $0x2;
	s31 =	simm.s32 $0x3;
	v16 =	vmov s29  }
0x10c: {  	v18 =	vmov s30;
	v19 =	vmov s31;
	v43 =	vand.u32 $0x7FFFFFFF, v20  }
0x10d: {  	v45 =	vand.u32 $0x7FFFFFFF, v21;
	v51 =	vand.u32 $0x7FFFFFFF, v41;
	v58 =	vand.u32 $0x7FFFFFFF, v44  }
0x10e: {  	v59 =	vand.u32 $0x7FFFFFFF, v47;
	v60 =	vand.u32 $0x7FFFFFFF, v48;
	v62 =	vand.u32 $0x7FFFFFFF, v50  }
0x10f: {  	s25 =	simm.s32 $0xD;
	v17 =	vld [tilespmem:s22+$0x200];
	v53 =	vand.u32 $0x7FFFFFFF, v22;
	v54 =	vand.u32 $0x7FFFFFFF, v23;
	v22 =	vmax.f32 v22, $0.0e+00  }
0x110: {  	v23 =	vmax.f32 v23, $0.0e+00;
	vm0 =	vgt.s32 v4, v2;
	v4 =	vmov s25  }
0x111: {  	vm5 =	vgt.s32 v5, v2;
	vm7 =	vgt.s32 v6, v2;
	vm1 =	vgt.s32 v8, v2  }
0x112: {  	vm10 =	vgt.s32 v7, v2;
	vm8 =	vgt.s32 v9, v2;
	vm2 =	vgt.s32 v10, v2  }
0x113: {  	v9 =	vld [tilespmem:s22+$0x380];
	vm11 =	vgt.s32 v11, v2;
	vm4 =	vgt.s32 v13, v2;
	vm15 =	vgt.s32 v14, v2  }
0x114: {  	v10 =	vld [tilespmem:s22+$0x0];
	vm12 =	vgt.s32 v15, v2;
	vm9 =	vgt.s32 v16, v2;
	v7 =	vand.u32 $0x7FFFFFFF, v17  }
0x115: {  	vm13 =	vgt.s32 v18, v2;
	vm14 =	vgt.s32 v19, v2;
	v42 =	vmul.f32 $-1.442695020e+00, v7  }
0x116: {  	v11 =	vld [tilespmem:s22+$0x80];
	v6 =	vmax.f32 v20, $0.0e+00;
	v14 =	vmul.f32 $-1.442695020e+00, v43;
	v16 =	vmul.f32 $-1.442695020e+00, v45  }
0x117: {  	v52 =	vld [tilespmem:s22+$0xFFFFFC00];
	v5 =	vmax.f32 v21, $0.0e+00;
	v61 =	vmul.f32 $-1.442695020e+00, v60;
	(erf) = vpow2.f32 v42  }
0x118: {  	v46 =	vld [tilespmem:s22+$0xFFFFFE00];
	v24 =	vmul.f32 $-1.442695020e+00, v62;
	v15 =	vmax.f32 v48, $0.0e+00;
	(erf) = vpow2.f32 v14  }
0x119: {  	v8 =	vmax.f32 v9, $0.0e+00;
	v7 =	vmax.f32 v10, $0.0e+00;
	v9 =	vand.u32 $0x7FFFFFFF, v9  }
0x11a: {  	v10 =	vand.u32 $0x7FFFFFFF, v10;
	(erf) = vpow2.f32 v16;
	v9 =	vmul.f32 $-1.442695020e+00, v9  }
0x11b: {  	v14 =	vmul.f32 $-1.442695020e+00, v58;
	v49 =	vand.u32 $0x7FFFFFFF, v11;
	v10 =	vmul.f32 $-1.442695020e+00, v10  }
0x11c: {  	v18 =	vmax.f32 v52, $0.0e+00;
	v13 =	vmul.f32 $-1.442695020e+00, v49;
	(erf) = vpow2.f32 v9  }
0x11d: {  	s25 =	simm.s32 $0x5;
	v9 =	vmul.f32 $-1.442695020e+00, v51;
	(erf) = vpow2.f32 v10;
	v10 =	vand.u32 $0x7FFFFFFF, v46  }
0x11e: {  	v12 =	vmov s25;
	(erf) = vpow2.f32 v13;
	v10 =	vmul.f32 $-1.442695020e+00, v10  }
0x11f: {  	vm6 =	vgt.s32 v4, v2;
	v13 =	vmul.f32 $-1.442695020e+00, v59;
	(erf) = vpow2.f32 v9  }
0x120: {  	v4 =	vmax.f32 v17, $0.0e+00;
	v9 =	vld [tilespmem:s22+$0xFFFFFD80];
	(erf) = vpow2.f32 v14;
	v63 =	vpop (erf);
	v14 =	vmul.f32 $-1.442695020e+00, v54  }
0x121: {  	(erf) = vpow2.f32 v10;
	v10 =	vand.u32 $0x7FFFFFFF, v52;
	v57 =	vmul.f32 $7.390210780e-02, v63  }
0x122: {  	vm3 =	vgt.s32 v12, v2;
	v25 =	vpop (erf);
	(erf) = vpow2.f32 v13;
	v10 =	vmul.f32 $-1.442695020e+00, v10  }
0x123: {  	v12 =	vmax.f32 v44, $0.0e+00;
	v13 =	vmul.f32 $-1.442695020e+00, v53;
	v55 =	vpop (erf);
	v58 =	vmul.f32 $7.390210780e-02, v25  }
0x124: {  	v16 =	vmax.f32 v50, $0.0e+00;
	(erf) = vpow2.f32 v61;
	v31 =	vmul.f32 $7.390210780e-02, v55  }
0x125: {  	v20 =	vsub.f32 $2.518836860e-01, v57;
	(erf) = vpow2.f32 v24;
	v26 =	vand.u32 $0x7FFFFFFF, v9  }
0x126: {  	v9 =	vmax.f32 v9, $0.0e+00;
	(erf) = vpow2.f32 v10;
	v26 =	vmul.f32 $-1.442695020e+00, v26  }
0x127: {  	v10 =	vmax.f32 v11, $0.0e+00;
	v11 =	vmax.f32 v41, $0.0e+00;
	v31 =	vsub.f32 $2.518836860e-01, v31  }
0x128: {  	v27 =	vpop (erf);
	v20 =	vmul.f32 v20, v63;
	(erf) = vpow2.f32 v13;
	v13 =	vmax.f32 v46, $0.0e+00  }
0x129: {  	v28 =	vpop (erf);
	v32 =	vmul.f32 $7.390210780e-02, v27;
	(erf) = vpow2.f32 v14;
	v14 =	vmax.f32 v47, $0.0e+00  }
0x12a: {  	v29 =	vpop (erf);
	v59 =	vmul.f32 $7.390210780e-02, v28;
	v31 =	vmul.f32 v31, v55;
	v20 =	vadd.f32 $-4.846417900e-01, v20  }
0x12b: {  	(erf) = vpow2.f32 v26;
	v56 =	vpop (erf);
	v34 =	vmul.f32 $7.390210780e-02, v29;
	v26 =	vsub.f32 $2.518836860e-01, v58  }
0x12c: {  	v32 =	vsub.f32 $2.518836860e-01, v32;
	v30 =	vpop (erf);
	v36 =	vmul.f32 $7.390210780e-02, v56;
	v21 =	vsub.f32 $2.518836860e-01, v59  }
0x12d: {  	v31 =	vadd.f32 $-4.846417900e-01, v31;
	v20 =	vmul.f32 v20, v63;
	v37 =	vmul.f32 $7.390210780e-02, v30  }
0x12e: {  	v33 =	vpop (erf);
	v34 =	vsub.f32 $2.518836860e-01, v34;
	v26 =	vmul.f32 v26, v25;
	v32 =	vmul.f32 v32, v27  }
0x12f: {  	v35 =	vpop (erf);
	v39 =	vmul.f32 $7.390210780e-02, v33;
	v36 =	vsub.f32 $2.518836860e-01, v36;
	v21 =	vmul.f32 v21, v28  }
0x130: {  	v31 =	vmul.f32 v31, v55;
	v20 =	vadd.f32 $9.993023870e-01, v20;
	v40 =	vmul.f32 $7.390210780e-02, v35  }
0x131: {  	v38 =	vpop (erf);
	v37 =	vsub.f32 $2.518836860e-01, v37;
	v34 =	vmul.f32 v34, v29;
	v26 =	vadd.f32 $-4.846417900e-01, v26  }
0x132: {  	v32 =	vadd.f32 $-4.846417900e-01, v32;
	v42 =	vmul.f32 $7.390210780e-02, v38;
	v39 =	vsub.f32 $2.518836860e-01, v39  }
0x133: {  	v41 =	vpop (erf);
	v36 =	vmul.f32 v36, v56;
	v21 =	vadd.f32 $-4.846417900e-01, v21;
	v31 =	vadd.f32 $9.993023870e-01, v31  }
0x134: {  	v17 =	vmul.f32 v20, v63;
	v43 =	vmul.f32 $7.390210780e-02, v41;
	v40 =	vsub.f32 $2.518836860e-01, v40  }
0x135: {  	v44 =	vpop (erf);
	v37 =	vmul.f32 v37, v30;
	v34 =	vadd.f32 $-4.846417900e-01, v34;
	v26 =	vmul.f32 v26, v25  }
0x136: {  	v32 =	vmul.f32 v32, v27;
	v45 =	vmul.f32 $7.390210780e-02, v44;
	v42 =	vsub.f32 $2.518836860e-01, v42  }
0x137: {  	v46 =	vpop (erf);
	v39 =	vmul.f32 v39, v33;
	v36 =	vadd.f32 $-4.846417900e-01, v36;
	v21 =	vmul.f32 v21, v28  }
0x138: {  	v24 =	vmul.f32 v31, v55;
	v4 =	vadd.f32 v17, v4;
	v47 =	vmul.f32 $7.390210780e-02, v46  }
0x139: {  	v43 =	vsub.f32 $2.518836860e-01, v43;
	v40 =	vmul.f32 v40, v35;
	v37 =	vadd.f32 $-4.846417900e-01, v37  }
0x13a: {  	v48 =	vpop (erf);
	v34 =	vmul.f32 v34, v29;
	v26 =	vadd.f32 $9.993023870e-01, v26;
	v32 =	vadd.f32 $9.993023870e-01, v32  }
0x13b: {  	v49 =	vmul.f32 $7.390210780e-02, v48;
	v45 =	vsub.f32 $2.518836860e-01, v45;
	v42 =	vmul.f32 v42, v38  }
0x13c: {  	v50 =	vpop (erf);
	v39 =	vadd.f32 $-4.846417900e-01, v39;
	v36 =	vmul.f32 v36, v56;
	v21 =	vadd.f32 $9.993023870e-01, v21  }
0x13d: {  	v55 =	vadd.f32 v24, v5;
	v4 =	vsel vm5, $0x0, v4;
	v51 =	vmul.f32 $7.390210780e-02, v50  }
0x13e: {  	v47 =	vsub.f32 $2.518836860e-01, v47;
	v43 =	vmul.f32 v43, v41;
	v40 =	vadd.f32 $-4.846417900e-01, v40  }
0x13f: {  	v37 =	vmul.f32 v37, v30;
	v34 =	vadd.f32 $9.993023870e-01, v34;
	v60 =	vmul.f32 v26, v25  }
0x140: {  	v62 =	vmul.f32 v32, v27;
	v49 =	vsub.f32 $2.518836860e-01, v49;
	v45 =	vmul.f32 v45, v44  }
0x141: {  	v42 =	vadd.f32 $-4.846417900e-01, v42;
	v39 =	vmul.f32 v39, v33;
	v36 =	vadd.f32 $9.993023870e-01, v36  }
0x142: {  	v21 =	vmul.f32 v21, v28;
	v51 =	vsub.f32 $2.518836860e-01, v51;
	v47 =	vmul.f32 v47, v46  }
0x143: {  	v43 =	vadd.f32 $-4.846417900e-01, v43;
	v40 =	vmul.f32 v40, v35;
	v37 =	vadd.f32 $9.993023870e-01, v37  }
0x144: {  	v6 =	vadd.f32 v60, v6;
	v49 =	vmul.f32 v49, v48;
	v45 =	vadd.f32 $-4.846417900e-01, v45  }
0x145: {  	v42 =	vmul.f32 v42, v38;
	v39 =	vadd.f32 $9.993023870e-01, v39;
	v19 =	vmul.f32 v36, v56  }
0x146: {  	v56 =	vadd.f32 v62, v8;
	v7 =	vadd.f32 v21, v7;
	v51 =	vmul.f32 v51, v50  }
0x147: {  	v47 =	vadd.f32 $-4.846417900e-01, v47;
	v43 =	vmul.f32 v43, v41;
	v40 =	vadd.f32 $9.993023870e-01, v40  }
0x148: {  	v30 =	vmul.f32 v37, v30;
	v60 =	vsel vm6, $0x0, v6;
	v49 =	vadd.f32 $-4.846417900e-01, v49  }
0x149: {  	v45 =	vmul.f32 v45, v44;
	v42 =	vadd.f32 $9.993023870e-01, v42;
	v11 =	vadd.f32 v19, v11  }
0x14a: {  	v7 =	vsel vm7, $0x0, v7;
	v51 =	vadd.f32 $-4.846417900e-01, v51;
	v47 =	vmul.f32 v47, v46  }
0x14b: {  	v43 =	vadd.f32 $9.993023870e-01, v43;
	v52 =	vmul.f32 v40, v35;
	v12 =	vadd.f32 v30, v12  }
0x14c: {  	v49 =	vmul.f32 v49, v48;
	v61 =	vadd.f32 $9.993023870e-01, v45;
	v45 =	vmul.f32 v34, v29  }
0x14d: {  	v53 =	vmul.f32 v42, v38;
	v11 =	vsel vm8, $0x0, v11;
	v51 =	vmul.f32 v51, v50  }
0x14e: {  	v63 =	vadd.f32 $9.993023870e-01, v47;
	v54 =	vmul.f32 v43, v41;
	v14 =	vadd.f32 v52, v14  }
0x14f: {  	v47 =	vadd.f32 $9.993023870e-01, v49;
	v5 =	vmul.f32 v61, v44;
	v49 =	vadd.f32 $9.993023870e-01, v51  }
0x150: {  	v8 =	vadd.f32 v45, v10;
	v15 =	vadd.f32 v53, v15;
	v10 =	vmul.f32 v63, v46  }
0x151: {  	v16 =	vadd.f32 v54, v16;
	v57 =	vmul.f32 v47, v48;
	v58 =	vmul.f32 v49, v50  }
0x152: {  	v51 =	vmul.f32 v39, v33;
	v5 =	vadd.f32 v5, v18;
	v10 =	vadd.f32 v10, v22  }
0x153: {  	v8 =	vsel vm10, $0x0, v8;
	v59 =	vadd.f32 v57, v23;
	v9 =	vadd.f32 v58, v9  }
0x154: {  	v62 =	vsel vm4, $0x0, v15;
	v13 =	vadd.f32 v51, v13;
	v5 =	vsel vm15, $0x0, v5  }
0x155: {  	v10 =	vsel vm12, $0x0, v10;
	v61 =	vsel vm13, $0x0, v59;
	v9 =	vsel vm14, $0x0, v9  }
0x156: {  	v63 =	vsel vm9, $0x0, v16;
	v5 =	vadd.f32 v10, v5;
	v9 =	vadd.f32 v9, v61  }
0x157: {  	v6 =	vsel vm11, $0x0, v13;
	v13 =	vadd.f32 v63, v62;
	v10 =	vsel vm3, $0x0, v14  }
0x158: {  	v10 =	vadd.f32 v10, v6;
	v6 =	vsel vm2, $0x0, v12;
	v9 =	vadd.f32 v9, v5  }
0x159: {  	v6 =	vadd.f32 v6, v11;
	v5 =	vadd.f32 v8, v7;
	v7 =	vsel vm1, $0x0, v55  }
0x15a: {  	v8 =	vadd.f32 v9, v3;
	v9 =	vadd.f32 v13, v10;
	v10 =	vsel vm0, $0x0, v56  }
0x15b: {  	s28 =	smov.u32 s22;
	s26 =	simm.s32 $0x1F;
	s25 =	simm.s32 $0x0;
	v4 =	vadd.f32 v60, v4;
	v3 =	vld [tilespmem:s24+$0xCA80];
	v7 =	vadd.f32 v10, v7  }
.LBB2_9:
0x15c: {  	s0 =	sadd.s32 $0xFFFFFFFD, s26;
	v10 =	vmov s26;
	v8 =	vadd.f32 v9, v8;
	v5 =	vadd.f32 v6, v5  }
0x15d: {  	v6 =	vmov s0;
	s0 =	sadd.s32 $0xFFFFFFFE, s26;
	vm0 =	vgt.s32 v10, v2  }
0x15e: {  	s1 =	sadd.s32 $0xFFFFFFF9, s26;
	s12 =	sadd.s32 $0xFFFFFFFA, s26;
	v4 =	vadd.f32 v7, v4;
	v9 =	vmov s0;
	s0 =	sadd.s32 $0xFFFFFFFF, s26;
	v5 =	vadd.f32 v5, v8  }
0x15f: {  	s28 =	sadd.s32 $0x800, s28;
	v7 =	vmov s1;
	s1 =	sadd.s32 $0xFFFFFFFB, s26;
	v8 =	vmov s12;
	s12 =	sadd.s32 $0xFFFFFFFC, s26;
	v10 =	vmov s0  }
0x160: {  	s29 =	sadd.s32 $0xFFFFFFF6, s26;
	s30 =	sadd.s32 $0xFFFFFFF7, s26;
	v11 =	vmov s1;
	s0 =	sadd.s32 $0xFFFFFFF5, s26;
	v12 =	vmov s12;
	v4 =	vadd.f32 v4, v5  }
0x161: {  	v13 =	vmov s29;
	v14 =	vmov s30;
	s1 =	sadd.s32 $0xFFFFFFF1, s26;
	s12 =	sadd.s32 $0xFFFFFFF2, s26;
	v5 =	vmov s0;
	s0 =	sadd.s32 $0xFFFFFFF8, s26  }
0x162: {  	v15 =	vmov s1;
	s1 =	sadd.s32 $0xFFFFFFF3, s26;
	v16 =	vmov s12;
	s12 =	sadd.s32 $0xFFFFFFF4, s26;
	v17 =	vmov s0;
	v18 =	vld [tilespmem:s28+$0x200]  }
0x163: {  	vm5 =	vgt.s32 v6, v2;
	v19 =	vmov s1;
	v20 =	vmov s12;
	v21 =	vld [tilespmem:s28+$0x280]  }
0x164: {  	vm8 =	vgt.s32 v7, v2;
	vm6 =	vgt.s32 v9, v2;
	vm1 =	vgt.s32 v10, v2;
	v22 =	vld [tilespmem:s28+$0x300]  }
0x165: {  	vm10 =	vgt.s32 v8, v2;
	vm9 =	vgt.s32 v11, v2;
	vm2 =	vgt.s32 v12, v2;
	v10 =	vld [tilespmem:s28+$0x380]  }
0x166: {  	vm4 =	vgt.s32 v13, v2;
	vm3 =	vgt.s32 v14, v2;
	vm11 =	vgt.s32 v5, v2;
	v11 =	vld [tilespmem:s28+$0x0]  }
0x167: {  	vm15 =	vgt.s32 v15, v2;
	vm12 =	vgt.s32 v16, v2;
	vm7 =	vgt.s32 v17, v2  }
0x168: {  	vm13 =	vgt.s32 v19, v2;
	vm14 =	vgt.s32 v20, v2;
	v5 =	vmax.f32 v18, $0.0e+00  }
0x169: {  	v8 =	vand.u32 $0x7FFFFFFF, v18;
	v7 =	vmax.f32 v21, $0.0e+00;
	v12 =	vld [tilespmem:s28+$0x80];
	v6 =	vmax.f32 v22, $0.0e+00  }
0x16a: {  	v14 =	vmul.f32 $-1.442695020e+00, v8;
	v15 =	vand.u32 $0x7FFFFFFF, v21;
	v13 =	vld [tilespmem:s28+$0x100];
	v9 =	vmax.f32 v10, $0.0e+00  }
0x16b: {  	v15 =	vmul.f32 $-1.442695020e+00, v15;
	v17 =	vand.u32 $0x7FFFFFFF, v22;
	v8 =	vmax.f32 v11, $0.0e+00;
	v16 =	vld [tilespmem:s28+$0x180]  }
0x16c: {  	v17 =	vmul.f32 $-1.442695020e+00, v17;
	v10 =	vand.u32 $0x7FFFFFFF, v10;
	v18 =	vld [tilespmem:s28+$0xFFFFFE00];
	(erf) = vpow2.f32 v14  }
0x16d: {  	v11 =	vand.u32 $0x7FFFFFFF, v11;
	v10 =	vmul.f32 $-1.442695020e+00, v10;
	v20 =	vld [tilespmem:s28+$0xFFFFFE80];
	(erf) = vpow2.f32 v15  }
0x16e: {  	v11 =	vmul.f32 $-1.442695020e+00, v11;
	v22 =	vld [tilespmem:s28+$0xFFFFFF00];
	v14 =	vand.u32 $0x7FFFFFFF, v12;
	(erf) = vpow2.f32 v17  }
0x16f: {  	v17 =	vld [tilespmem:s28+$0xFFFFFF80];
	v14 =	vmul.f32 $-1.442695020e+00, v14;
	v15 =	vand.u32 $0x7FFFFFFF, v13;
	(erf) = vpow2.f32 v10  }
0x170: {  	v30 =	vld [tilespmem:s28+$0xFFFFFC00];
	v10 =	vmul.f32 $-1.442695020e+00, v15;
	v15 =	vand.u32 $0x7FFFFFFF, v16;
	(erf) = vpow2.f32 v11  }
0x171: {  	v31 =	vld [tilespmem:s28+$0xFFFFFC80];
	v11 =	vand.u32 $0x7FFFFFFF, v18;
	v15 =	vmul.f32 $-1.442695020e+00, v15;
	(erf) = vpow2.f32 v14  }
0x172: {  	v32 =	vld [tilespmem:s28+$0xFFFFFD00];
	v11 =	vmul.f32 $-1.442695020e+00, v11;
	v14 =	vand.u32 $0x7FFFFFFF, v20;
	(erf) = vpow2.f32 v10  }
0x173: {  	v10 =	vld [tilespmem:s28+$0xFFFFFD80];
	v14 =	vmul.f32 $-1.442695020e+00, v14;
	v23 =	vand.u32 $0x7FFFFFFF, v22;
	(erf) = vpow2.f32 v15  }
0x174: {  	v15 =	vmul.f32 $-1.442695020e+00, v23;
	v23 =	vand.u32 $0x7FFFFFFF, v17;
	(erf) = vpow2.f32 v11  }
0x175: {  	v11 =	vand.u32 $0x7FFFFFFF, v30;
	v25 =	vmul.f32 $-1.442695020e+00, v23;
	(erf) = vpow2.f32 v14;
	v19 =	vpop (erf)  }
0x176: {  	v11 =	vmul.f32 $-1.442695020e+00, v11;
	v14 =	vand.u32 $0x7FFFFFFF, v31;
	(erf) = vpow2.f32 v15;
	v21 =	vpop (erf)  }
0x177: {  	v14 =	vmul.f32 $-1.442695020e+00, v14;
	v15 =	vand.u32 $0x7FFFFFFF, v32;
	(erf) = vpow2.f32 v25;
	v23 =	vpop (erf)  }
0x178: {  	v15 =	vmul.f32 $-1.442695020e+00, v15;
	v27 =	vand.u32 $0x7FFFFFFF, v10;
	(erf) = vpow2.f32 v11;
	v24 =	vpop (erf)  }
0x179: {  	v11 =	vmax.f32 v12, $0.0e+00;
	v29 =	vmul.f32 $-1.442695020e+00, v27;
	(erf) = vpow2.f32 v14;
	v25 =	vpop (erf)  }
0x17a: {  	v12 =	vmax.f32 v13, $0.0e+00;
	v13 =	vmax.f32 v16, $0.0e+00;
	(erf) = vpow2.f32 v15;
	v26 =	vpop (erf)  }
0x17b: {  	v14 =	vmax.f32 v18, $0.0e+00;
	v15 =	vmax.f32 v20, $0.0e+00;
	(erf) = vpow2.f32 v29;
	v27 =	vpop (erf)  }
0x17c: {  	v33 =	vmul.f32 $7.390210780e-02, v19;
	v34 =	vmul.f32 $7.390210780e-02, v21;
	v16 =	vmax.f32 v22, $0.0e+00;
	v28 =	vpop (erf)  }
0x17d: {  	v17 =	vmax.f32 v17, $0.0e+00;
	v35 =	vmul.f32 $7.390210780e-02, v23;
	v36 =	vmul.f32 $7.390210780e-02, v24;
	v29 =	vpop (erf)  }
0x17e: {  	v18 =	vmax.f32 v30, $0.0e+00;
	v37 =	vmul.f32 $7.390210780e-02, v25;
	v38 =	vmul.f32 $7.390210780e-02, v26;
	v30 =	vpop (erf)  }
0x17f: {  	v20 =	vmax.f32 v31, $0.0e+00;
	v39 =	vmul.f32 $7.390210780e-02, v27;
	v40 =	vmul.f32 $7.390210780e-02, v28;
	v31 =	vpop (erf)  }
0x180: {  	v22 =	vmax.f32 v32, $0.0e+00;
	v41 =	vmul.f32 $7.390210780e-02, v29;
	v42 =	vmul.f32 $7.390210780e-02, v30;
	v32 =	vpop (erf)  }
0x181: {  	v45 =	vsub.f32 $2.518836860e-01, v33;
	v43 =	vmul.f32 $7.390210780e-02, v31;
	v44 =	vmul.f32 $7.390210780e-02, v32;
	v33 =	vpop (erf)  }
0x182: {  	v47 =	vsub.f32 $2.518836860e-01, v34;
	v48 =	vsub.f32 $2.518836860e-01, v35;
	v46 =	vmul.f32 $7.390210780e-02, v33;
	v34 =	vpop (erf)  }
0x183: {  	v50 =	vsub.f32 $2.518836860e-01, v36;
	v37 =	vsub.f32 $2.518836860e-01, v37;
	v49 =	vmul.f32 $7.390210780e-02, v34;
	v35 =	vpop (erf)  }
0x184: {  	v38 =	vsub.f32 $2.518836860e-01, v38;
	v39 =	vsub.f32 $2.518836860e-01, v39;
	v51 =	vmul.f32 $7.390210780e-02, v35;
	v36 =	vpop (erf)  }
0x185: {  	v40 =	vsub.f32 $2.518836860e-01, v40;
	v41 =	vsub.f32 $2.518836860e-01, v41;
	v52 =	vmul.f32 $7.390210780e-02, v36  }
0x186: {  	v45 =	vmul.f32 v45, v19;
	v42 =	vsub.f32 $2.518836860e-01, v42;
	v43 =	vsub.f32 $2.518836860e-01, v43  }
0x187: {  	v47 =	vmul.f32 v47, v21;
	v48 =	vmul.f32 v48, v23;
	v44 =	vsub.f32 $2.518836860e-01, v44  }
0x188: {  	v50 =	vmul.f32 v50, v24;
	v37 =	vmul.f32 v37, v25;
	v46 =	vsub.f32 $2.518836860e-01, v46  }
0x189: {  	s25 =	sadd.s32 $0x4, s25;
	v38 =	vmul.f32 v38, v26;
	v39 =	vmul.f32 v39, v27;
	v49 =	vsub.f32 $2.518836860e-01, v49  }
0x18a: {  	p0 =	slt.u32 s25, $0x2C;
	v40 =	vmul.f32 v40, v28;
	v41 =	vmul.f32 v41, v29;
	v51 =	vsub.f32 $2.518836860e-01, v51  }
0x18b: {  	v42 =	vmul.f32 v42, v30;
	v43 =	vmul.f32 v43, v31;
	v52 =	vsub.f32 $2.518836860e-01, v52  }
0x18c: {  	v45 =	vadd.f32 $-4.846417900e-01, v45;
	v47 =	vadd.f32 $-4.846417900e-01, v47;
	v44 =	vmul.f32 v44, v32  }
0x18d: {  	v48 =	vadd.f32 $-4.846417900e-01, v48;
	v50 =	vadd.f32 $-4.846417900e-01, v50;
	v46 =	vmul.f32 v46, v33  }
0x18e: {  	v37 =	vadd.f32 $-4.846417900e-01, v37;
	v38 =	vadd.f32 $-4.846417900e-01, v38;
	v49 =	vmul.f32 v49, v34  }
0x18f: {  	v39 =	vadd.f32 $-4.846417900e-01, v39;
	v40 =	vadd.f32 $-4.846417900e-01, v40;
	v51 =	vmul.f32 v51, v35  }
0x190: {  	v41 =	vadd.f32 $-4.846417900e-01, v41;
	v42 =	vadd.f32 $-4.846417900e-01, v42;
	v52 =	vmul.f32 v52, v36  }
0x191: {  	v45 =	vmul.f32 v45, v19;
	v43 =	vadd.f32 $-4.846417900e-01, v43;
	v44 =	vadd.f32 $-4.846417900e-01, v44  }
0x192: {  	v47 =	vmul.f32 v47, v21;
	v48 =	vmul.f32 v48, v23;
	v46 =	vadd.f32 $-4.846417900e-01, v46  }
0x193: {  	v50 =	vmul.f32 v50, v24;
	v37 =	vmul.f32 v37, v25;
	v49 =	vadd.f32 $-4.846417900e-01, v49  }
0x194: {  	v38 =	vmul.f32 v38, v26;
	v39 =	vmul.f32 v39, v27;
	v51 =	vadd.f32 $-4.846417900e-01, v51  }
0x195: {  	v40 =	vmul.f32 v40, v28;
	v41 =	vmul.f32 v41, v29;
	v52 =	vadd.f32 $-4.846417900e-01, v52  }
0x196: {  	v45 =	vadd.f32 $9.993023870e-01, v45;
	v42 =	vmul.f32 v42, v30;
	v43 =	vmul.f32 v43, v31  }
0x197: {  	v47 =	vadd.f32 $9.993023870e-01, v47;
	v48 =	vadd.f32 $9.993023870e-01, v48;
	v44 =	vmul.f32 v44, v32  }
0x198: {  	v50 =	vadd.f32 $9.993023870e-01, v50;
	v37 =	vadd.f32 $9.993023870e-01, v37;
	v46 =	vmul.f32 v46, v33  }
0x199: {  	v38 =	vadd.f32 $9.993023870e-01, v38;
	v39 =	vadd.f32 $9.993023870e-01, v39;
	v49 =	vmul.f32 v49, v34  }
0x19a: {  	v40 =	vadd.f32 $9.993023870e-01, v40;
	v41 =	vadd.f32 $9.993023870e-01, v41;
	v51 =	vmul.f32 v51, v35  }
0x19b: {  	v42 =	vadd.f32 $9.993023870e-01, v42;
	v43 =	vadd.f32 $9.993023870e-01, v43;
	v52 =	vmul.f32 v52, v36  }
0x19c: {  	v19 =	vmul.f32 v45, v19;
	v21 =	vmul.f32 v47, v21;
	v44 =	vadd.f32 $9.993023870e-01, v44  }
0x19d: {  	v23 =	vmul.f32 v48, v23;
	v24 =	vmul.f32 v50, v24;
	v45 =	vadd.f32 $9.993023870e-01, v46  }
0x19e: {  	v25 =	vmul.f32 v37, v25;
	v26 =	vmul.f32 v38, v26;
	v46 =	vadd.f32 $9.993023870e-01, v49  }
0x19f: {  	v27 =	vmul.f32 v39, v27;
	v28 =	vmul.f32 v40, v28;
	v37 =	vadd.f32 $9.993023870e-01, v51  }
0x1a0: {  	v29 =	vmul.f32 v41, v29;
	v30 =	vmul.f32 v42, v30;
	v38 =	vadd.f32 $9.993023870e-01, v52  }
0x1a1: {  	v5 =	vadd.f32 v19, v5;
	v7 =	vadd.f32 v21, v7;
	v31 =	vmul.f32 v43, v31  }
0x1a2: {  	v21 =	vadd.f32 v23, v6;
	v23 =	vadd.f32 v24, v9;
	v19 =	vmul.f32 v44, v32  }
0x1a3: {  	v8 =	vadd.f32 v25, v8;
	v9 =	vadd.f32 v26, v11;
	v6 =	vmul.f32 v45, v33  }
0x1a4: {  	v12 =	vadd.f32 v27, v12;
	v13 =	vadd.f32 v28, v13;
	v11 =	vmul.f32 v46, v34  }
0x1a5: {  	v14 =	vadd.f32 v29, v14;
	v15 =	vadd.f32 v30, v15;
	v24 =	vmul.f32 v37, v35  }
0x1a6: {  	v16 =	vadd.f32 v31, v16;
	v17 =	vadd.f32 v19, v17;
	v25 =	vmul.f32 v38, v36  }
0x1a7: {  	v10 =	vmax.f32 v10, $0.0e+00;
	v6 =	vadd.f32 v6, v18;
	v11 =	vadd.f32 v11, v20  }
0x1a8: {  	v19 =	vsel vm5, $0x0, v5;
	v18 =	vadd.f32 v24, v22;
	v10 =	vadd.f32 v25, v10  }
0x1a9: {  	v7 =	vsel vm6, $0x0, v7;
	v5 =	vsel vm8, $0x0, v8;
	v8 =	vsel vm10, $0x0, v9  }
0x1aa: {  	v12 =	vsel vm9, $0x0, v12;
	v9 =	vsel vm11, $0x0, v14;
	v6 =	vsel vm15, $0x0, v6  }
0x1ab: {  	v11 =	vsel vm12, $0x0, v11;
	v14 =	vsel vm13, $0x0, v18;
	v10 =	vsel vm14, $0x0, v10  }
0x1ac: {  	v6 =	vadd.f32 v11, v6;
	v11 =	vsel vm4, $0x0, v15;
	v10 =	vadd.f32 v10, v14  }
.Ltmp3:
0x1ad: {  	v15 =	vsel vm7, $0x0, v17;
	v9 =	vadd.f32 v11, v9;
	v14 =	vsel vm3, $0x0, v16;
	(pc) =	sbr.rel @p0 .LBB2_9-.Ltmp3, $4  }
0x1ae: {  	v11 =	vadd.f32 v15, v14;
	v10 =	vadd.f32 v10, v6;
	v6 =	vsel vm2, $0x0, v13  }
0x1af: {  	v5 =	vadd.f32 v8, v5;
	v6 =	vadd.f32 v6, v12;
	v12 =	vsel vm1, $0x0, v21  }
0x1b0: {  	v9 =	vadd.f32 v11, v9;
	v8 =	vadd.f32 v10, v4;
	v10 =	vsel vm0, $0x0, v23  }
0x1b1: {  	s26 =	sadd.s32 $0x10, s26;
	v4 =	vadd.f32 v7, v19;
	v7 =	vadd.f32 v10, v12  }
0x1b2: {  	v8 =	vadd.f32 v9, v8;
	v5 =	vadd.f32 v6, v5;
	_ =	sdelay $0x1  }
0x1b3: {  	v4 =	vadd.f32 v7, v4;
	v5 =	vadd.f32 v5, v8;
	_ =	sdelay $0x1  }
0x1b4: {  	s25 =	simm.s32 $0xC3;
	s26 =	smov.u32 s23;
	v4 =	vadd.f32 v4, v5  }
.LBB2_11:
0x1b5: {  	v5 =	vld [tilespmem:s26+$0x0]  }
0x1b6: {  	v6 =	vld [tilespmem:s26+$0x80]  }
0x1b7: {  	v7 =	vld [tilespmem:s26+$0x100]  }
0x1b8: {  	v8 =	vld [tilespmem:s26+$0x180];
	_ =	sdelay $0x1  }
0x1b9: {  	v9 =	vand.u32 $0x7FFFFFFF, v5  }
0x1ba: {  	v10 =	vand.u32 $0x7FFFFFFF, v6;
	v9 =	vmul.f32 $-1.442695020e+00, v9  }
0x1bb: {  	v53 =	vand.u32 $0x7FFFFFFF, v7;
	v52 =	vmul.f32 $-1.442695020e+00, v10  }
0x1bc: {  	v11 =	vand.u32 $0x7FFFFFFF, v8;
	v10 =	vmul.f32 $-1.442695020e+00, v53;
	(erf) = vpow2.f32 v9  }
0x1bd: {  	v54 =	vmul.f32 $-1.442695020e+00, v11;
	(erf) = vpow2.f32 v52  }
0x1be: {  	(erf) = vpow2.f32 v10  }
0x1bf: {  	(erf) = vpow2.f32 v54;
	_ =	sdelay $0x5  }
0x1c0: {  	v55 =	vpop (erf)  }
0x1c1: {  	v57 =	vpop (erf)  }
0x1c2: {  	v56 =	vmul.f32 $7.390210780e-02, v55;
	v12 =	vpop (erf)  }
0x1c3: {  	v13 =	vmul.f32 $7.390210780e-02, v57;
	v15 =	vpop (erf)  }
0x1c4: {  	v10 =	vsub.f32 $2.518836860e-01, v56;
	v14 =	vmul.f32 $7.390210780e-02, v12;
	v16 =	vmul.f32 $7.390210780e-02, v15  }
0x1c5: {  	v13 =	vsub.f32 $2.518836860e-01, v13  }
0x1c6: {  	v10 =	vmul.f32 v10, v55;
	v14 =	vsub.f32 $2.518836860e-01, v14;
	v16 =	vsub.f32 $2.518836860e-01, v16  }
0x1c7: {  	v13 =	vmul.f32 v13, v57  }
0x1c8: {  	v10 =	vadd.f32 $-4.846417900e-01, v10;
	v14 =	vmul.f32 v14, v12;
	v16 =	vmul.f32 v16, v15  }
0x1c9: {  	v63 =	vmov s25;
	v13 =	vadd.f32 $-4.846417900e-01, v13  }
0x1ca: {  	s0 =	sadd.s32 $0xFFFFFFFD, s25;
	s30 =	sadd.s32 $0xFFFFFFFE, s25;
	v10 =	vmul.f32 v10, v55;
	v14 =	vadd.f32 $-4.846417900e-01, v14;
	v16 =	vadd.f32 $-4.846417900e-01, v16  }
0x1cb: {  	v17 =	vmov s0;
	v59 =	vmov s30;
	v13 =	vmul.f32 v13, v57  }
0x1cc: {  	s31 =	sadd.s32 $0xFFFFFFFF, s25;
	v10 =	vadd.f32 $9.993023870e-01, v10;
	v14 =	vmul.f32 v14, v12;
	v58 =	vmul.f32 v16, v15  }
0x1cd: {  	v62 =	vmov s31;
	vm2 =	vgt.s32 v63, v2;
	v13 =	vadd.f32 $9.993023870e-01, v13  }
0x1ce: {  	v9 =	vmul.f32 v10, v55;
	v14 =	vadd.f32 $9.993023870e-01, v14;
	v10 =	vadd.f32 $9.993023870e-01, v58  }
0x1cf: {  	v5 =	vmax.f32 v5, $0.0e+00;
	v6 =	vmax.f32 v6, $0.0e+00;
	v60 =	vmul.f32 v13, v57  }
0x1d0: {  	v7 =	vmax.f32 v7, $0.0e+00;
	v61 =	vmul.f32 v14, v12;
	v10 =	vmul.f32 v10, v15  }
0x1d1: {  	v8 =	vmax.f32 v8, $0.0e+00;
	v5 =	vadd.f32 v9, v5;
	v6 =	vadd.f32 v60, v6  }
0x1d2: {  	vm0 =	vgt.s32 v17, v2;
	v7 =	vadd.f32 v61, v7;
	v8 =	vadd.f32 v10, v8  }
0x1d3: {  	vm1 =	vgt.s32 v59, v2;
	vm15 =	vgt.s32 v62, v2;
	v5 =	vsel vm0, $0x0, v5  }
0x1d4: {  	p0 =	sne.s32 s25, $0xC7;
	v6 =	vsel vm1, $0x0, v6;
	v7 =	vsel vm15, $0x0, v7;
	v8 =	vsel vm2, $0x0, v8  }
.Ltmp4:
0x1d5: {  	v5 =	vadd.f32 v6, v5;
	v6 =	vadd.f32 v8, v7;
	(pc) =	sbr.rel @p0 .LBB2_11-.Ltmp4, $3  }
0x1d6: {  	_ = 	snop  }
0x1d7: {  	v5 =	vadd.f32 v6, v5;
	_ =	sdelay $0x1  }
0x1d8: {  	s26 =	sadd.s32 $0x200, s26;
	s25 =	sadd.s32 $0x4, s25;
	v4 =	vadd.f32 v5, v4  }
0x1d9: {  	v2 =	vshll.u32 v2, $0x7  }
0x1da: {  	v2 =	vadd.s32 s24, v2  }
0x1db: {  	v2 =	vadd.s32 v0, v2;
	_ =	sdelay $0x4  }
0x1dc: {  	v2 =	vld.idx.msk [tilespmem:v2+s15+$0x0], $0xffff;
	_ =	sdelay $0x2  }
0x1dd: {  	s21 =	sadd.s32 $0x1, s21  }
0x1de: {  	p0 =	sne.s32 s21, $0x8  }
.Ltmp5:
0x1df: {  	v2 =	vmul.f32 v2, v3;
	(pc) =	sbr.rel @p0 .LBB2_8-.Ltmp5, $3  }
0x1e0: {  	_ = 	snop  }
0x1e1: {  	v2 =	vsub.f32 v4, v2;
	_ =	sdelay $0x1  }
0x1e2: {  	s22 =	sadd.s32 $0x10, s22;
	s23 =	sadd.s32 $0x10, s23;
	v1 =	vadd.f32 v2, v1  }
0x1e3: {  	s21 =	simm.s32 $0x400  }
0x1e4: {  	[tilespmem:s15], [sflag:$0x2] =	stream.strided.gather [hbm4b:s8+s21], $0x6400, s11, s21, $0x38;
	[tilespmem:$0xCC80] =	vst v63  }
0x1e5: {  	_ =	swait.ge [sflag:s16], $0x6400  }
0x1e6: {  	[sflag:s16] =	ssyncset.done $0x0  }
0x1e7: {  	s22 =	simm.s32 $0x0;
	s23 =	simm.s32 $0x6000;
	[sflag:s16] =	ssyncadd.s32 $0xFFFF9C00  }
.LBB2_14:
0x1e8: {  	v20 =	vld [tilespmem:s21+$0x280]  }
0x1e9: {  	v21 =	vld [tilespmem:s21+$0x300]  }
0x1ea: {  	v41 =	vld [tilespmem:s21+$0x100]  }
0x1eb: {  	v44 =	vld [tilespmem:s21+$0x180]  }
0x1ec: {  	s24 =	sshll.u32 s22, $0x4;
	v47 =	vld [tilespmem:s21+$0xFFFFFE80]  }
0x1ed: {  	s0 =	simm.s32 $0xF;
	s1 =	simm.s32 $0xC;
	v3 =	vimm.f32 $0.0e+00;
	s26 =	simm.s32 $0x8;
	v48 =	vld [tilespmem:s21+$0xFFFFFF00]  }
0x1ee: {  	s12 =	simm.s32 $0x9;
	s29 =	simm.s32 $0xE;
	s30 =	simm.s32 $0xA;
	v50 =	vld [tilespmem:s21+$0xFFFFFF80];
	v4 =	vmov s0;
	v5 =	vmov s1;
	v6 =	vmov s26  }
0x1ef: {  	s31 =	simm.s32 $0xB;
	v22 =	vld [tilespmem:s21+$0xFFFFFC80];
	v7 =	vmov s12;
	v8 =	vmov s29;
	s29 =	simm.s32 $0x4;
	s26 =	simm.s32 $0x6;
	v9 =	vmov s30  }
0x1f0: {  	v23 =	vld [tilespmem:s21+$0xFFFFFD00];
	v10 =	vmov s31;
	s30 =	simm.s32 $0x0;
	s31 =	simm.s32 $0x1;
	v11 =	vmov s29;
	v13 =	vmov s26;
	s29 =	simm.s32 $0x7  }
0x1f1: {  	v2 =	vld [tilespmem:s24+$0xC900];
	v14 =	vmov s30;
	v15 =	vmov s31;
	s30 =	simm.s32 $0x2;
	s31 =	simm.s32 $0x3;
	v16 =	vmov s29  }
0x1f2: {  	v18 =	vmov s30;
	v19 =	vmov s31;
	v43 =	vand.u32 $0x7FFFFFFF, v20  }
0x1f3: {  	v45 =	vand.u32 $0x7FFFFFFF, v21;
	v51 =	vand.u32 $0x7FFFFFFF, v41;
	v58 =	vand.u32 $0x7FFFFFFF, v44  }
0x1f4: {  	v59 =	vand.u32 $0x7FFFFFFF, v47;
	v60 =	vand.u32 $0x7FFFFFFF, v48;
	v62 =	vand.u32 $0x7FFFFFFF, v50  }
0x1f5: {  	s25 =	simm.s32 $0xD;
	v17 =	vld [tilespmem:s21+$0x200];
	v53 =	vand.u32 $0x7FFFFFFF, v22;
	v54 =	vand.u32 $0x7FFFFFFF, v23;
	v22 =	vmax.f32 v22, $0.0e+00  }
0x1f6: {  	v23 =	vmax.f32 v23, $0.0e+00;
	vm0 =	vgt.s32 v4, v2;
	v4 =	vmov s25  }
0x1f7: {  	vm5 =	vgt.s32 v5, v2;
	vm7 =	vgt.s32 v6, v2;
	vm1 =	vgt.s32 v8, v2  }
0x1f8: {  	vm10 =	vgt.s32 v7, v2;
	vm8 =	vgt.s32 v9, v2;
	vm2 =	vgt.s32 v10, v2  }
0x1f9: {  	v9 =	vld [tilespmem:s21+$0x380];
	vm11 =	vgt.s32 v11, v2;
	vm4 =	vgt.s32 v13, v2;
	vm15 =	vgt.s32 v14, v2  }
0x1fa: {  	v10 =	vld [tilespmem:s21+$0x0];
	vm12 =	vgt.s32 v15, v2;
	vm9 =	vgt.s32 v16, v2;
	v7 =	vand.u32 $0x7FFFFFFF, v17  }
0x1fb: {  	vm13 =	vgt.s32 v18, v2;
	vm14 =	vgt.s32 v19, v2;
	v42 =	vmul.f32 $-1.442695020e+00, v7  }
0x1fc: {  	v11 =	vld [tilespmem:s21+$0x80];
	v6 =	vmax.f32 v20, $0.0e+00;
	v14 =	vmul.f32 $-1.442695020e+00, v43;
	v16 =	vmul.f32 $-1.442695020e+00, v45  }
0x1fd: {  	v52 =	vld [tilespmem:s21+$0xFFFFFC00];
	v5 =	vmax.f32 v21, $0.0e+00;
	v61 =	vmul.f32 $-1.442695020e+00, v60;
	(erf) = vpow2.f32 v42  }
0x1fe: {  	v46 =	vld [tilespmem:s21+$0xFFFFFE00];
	v24 =	vmul.f32 $-1.442695020e+00, v62;
	v15 =	vmax.f32 v48, $0.0e+00;
	(erf) = vpow2.f32 v14  }
0x1ff: {  	v8 =	vmax.f32 v9, $0.0e+00;
	v7 =	vmax.f32 v10, $0.0e+00;
	v9 =	vand.u32 $0x7FFFFFFF, v9  }
0x200: {  	v10 =	vand.u32 $0x7FFFFFFF, v10;
	(erf) = vpow2.f32 v16;
	v9 =	vmul.f32 $-1.442695020e+00, v9  }
0x201: {  	v14 =	vmul.f32 $-1.442695020e+00, v58;
	v49 =	vand.u32 $0x7FFFFFFF, v11;
	v10 =	vmul.f32 $-1.442695020e+00, v10  }
0x202: {  	v18 =	vmax.f32 v52, $0.0e+00;
	v13 =	vmul.f32 $-1.442695020e+00, v49;
	(erf) = vpow2.f32 v9  }
0x203: {  	s25 =	simm.s32 $0x5;
	v9 =	vmul.f32 $-1.442695020e+00, v51;
	(erf) = vpow2.f32 v10;
	v10 =	vand.u32 $0x7FFFFFFF, v46  }
0x204: {  	v12 =	vmov s25;
	(erf) = vpow2.f32 v13;
	v10 =	vmul.f32 $-1.442695020e+00, v10  }
0x205: {  	vm6 =	vgt.s32 v4, v2;
	v13 =	vmul.f32 $-1.442695020e+00, v59;
	(erf) = vpow2.f32 v9  }
0x206: {  	v4 =	vmax.f32 v17, $0.0e+00;
	v9 =	vld [tilespmem:s21+$0xFFFFFD80];
	(erf) = vpow2.f32 v14;
	v63 =	vpop (erf);
	v14 =	vmul.f32 $-1.442695020e+00, v54  }
0x207: {  	(erf) = vpow2.f32 v10;
	v10 =	vand.u32 $0x7FFFFFFF, v52;
	v57 =	vmul.f32 $7.390210780e-02, v63  }
0x208: {  	vm3 =	vgt.s32 v12, v2;
	v25 =	vpop (erf);
	(erf) = vpow2.f32 v13;
	v10 =	vmul.f32 $-1.442695020e+00, v10  }
0x209: {  	v12 =	vmax.f32 v44, $0.0e+00;
	v13 =	vmul.f32 $-1.442695020e+00, v53;
	v55 =	vpop (erf);
	v58 =	vmul.f32 $7.390210780e-02, v25  }
0x20a: {  	v16 =	vmax.f32 v50, $0.0e+00;
	(erf) = vpow2.f32 v61;
	v31 =	vmul.f32 $7.390210780e-02, v55  }
0x20b: {  	v20 =	vsub.f32 $2.518836860e-01, v57;
	(erf) = vpow2.f32 v24;
	v26 =	vand.u32 $0x7FFFFFFF, v9  }
0x20c: {  	v9 =	vmax.f32 v9, $0.0e+00;
	(erf) = vpow2.f32 v10;
	v26 =	vmul.f32 $-1.442695020e+00, v26  }
0x20d: {  	v10 =	vmax.f32 v11, $0.0e+00;
	v11 =	vmax.f32 v41, $0.0e+00;
	v31 =	vsub.f32 $2.518836860e-01, v31  }
0x20e: {  	v27 =	vpop (erf);
	v20 =	vmul.f32 v20, v63;
	(erf) = vpow2.f32 v13;
	v13 =	vmax.f32 v46, $0.0e+00  }
0x20f: {  	v28 =	vpop (erf);
	v32 =	vmul.f32 $7.390210780e-02, v27;
	(erf) = vpow2.f32 v14;
	v14 =	vmax.f32 v47, $0.0e+00  }
0x210: {  	v29 =	vpop (erf);
	v59 =	vmul.f32 $7.390210780e-02, v28;
	v31 =	vmul.f32 v31, v55;
	v20 =	vadd.f32 $-4.846417900e-01, v20  }
0x211: {  	(erf) = vpow2.f32 v26;
	v56 =	vpop (erf);
	v34 =	vmul.f32 $7.390210780e-02, v29;
	v26 =	vsub.f32 $2.518836860e-01, v58  }
0x212: {  	v32 =	vsub.f32 $2.518836860e-01, v32;
	v30 =	vpop (erf);
	v36 =	vmul.f32 $7.390210780e-02, v56;
	v21 =	vsub.f32 $2.518836860e-01, v59  }
0x213: {  	v31 =	vadd.f32 $-4.846417900e-01, v31;
	v20 =	vmul.f32 v20, v63;
	v37 =	vmul.f32 $7.390210780e-02, v30  }
0x214: {  	v33 =	vpop (erf);
	v34 =	vsub.f32 $2.518836860e-01, v34;
	v26 =	vmul.f32 v26, v25;
	v32 =	vmul.f32 v32, v27  }
0x215: {  	v35 =	vpop (erf);
	v39 =	vmul.f32 $7.390210780e-02, v33;
	v36 =	vsub.f32 $2.518836860e-01, v36;
	v21 =	vmul.f32 v21, v28  }
0x216: {  	v31 =	vmul.f32 v31, v55;
	v20 =	vadd.f32 $9.993023870e-01, v20;
	v40 =	vmul.f32 $7.390210780e-02, v35  }
0x217: {  	v38 =	vpop (erf);
	v37 =	vsub.f32 $2.518836860e-01, v37;
	v34 =	vmul.f32 v34, v29;
	v26 =	vadd.f32 $-4.846417900e-01, v26  }
0x218: {  	v32 =	vadd.f32 $-4.846417900e-01, v32;
	v42 =	vmul.f32 $7.390210780e-02, v38;
	v39 =	vsub.f32 $2.518836860e-01, v39  }
0x219: {  	v41 =	vpop (erf);
	v36 =	vmul.f32 v36, v56;
	v21 =	vadd.f32 $-4.846417900e-01, v21;
	v31 =	vadd.f32 $9.993023870e-01, v31  }
0x21a: {  	v17 =	vmul.f32 v20, v63;
	v43 =	vmul.f32 $7.390210780e-02, v41;
	v40 =	vsub.f32 $2.518836860e-01, v40  }
0x21b: {  	v44 =	vpop (erf);
	v37 =	vmul.f32 v37, v30;
	v34 =	vadd.f32 $-4.846417900e-01, v34;
	v26 =	vmul.f32 v26, v25  }
0x21c: {  	v32 =	vmul.f32 v32, v27;
	v45 =	vmul.f32 $7.390210780e-02, v44;
	v42 =	vsub.f32 $2.518836860e-01, v42  }
0x21d: {  	v46 =	vpop (erf);
	v39 =	vmul.f32 v39, v33;
	v36 =	vadd.f32 $-4.846417900e-01, v36;
	v21 =	vmul.f32 v21, v28  }
0x21e: {  	v24 =	vmul.f32 v31, v55;
	v4 =	vadd.f32 v17, v4;
	v47 =	vmul.f32 $7.390210780e-02, v46  }
0x21f: {  	v43 =	vsub.f32 $2.518836860e-01, v43;
	v40 =	vmul.f32 v40, v35;
	v37 =	vadd.f32 $-4.846417900e-01, v37  }
0x220: {  	v48 =	vpop (erf);
	v34 =	vmul.f32 v34, v29;
	v26 =	vadd.f32 $9.993023870e-01, v26;
	v32 =	vadd.f32 $9.993023870e-01, v32  }
0x221: {  	v49 =	vmul.f32 $7.390210780e-02, v48;
	v45 =	vsub.f32 $2.518836860e-01, v45;
	v42 =	vmul.f32 v42, v38  }
0x222: {  	v50 =	vpop (erf);
	v39 =	vadd.f32 $-4.846417900e-01, v39;
	v36 =	vmul.f32 v36, v56;
	v21 =	vadd.f32 $9.993023870e-01, v21  }
0x223: {  	v55 =	vadd.f32 v24, v5;
	v4 =	vsel vm5, $0x0, v4;
	v51 =	vmul.f32 $7.390210780e-02, v50  }
0x224: {  	v47 =	vsub.f32 $2.518836860e-01, v47;
	v43 =	vmul.f32 v43, v41;
	v40 =	vadd.f32 $-4.846417900e-01, v40  }
0x225: {  	v37 =	vmul.f32 v37, v30;
	v34 =	vadd.f32 $9.993023870e-01, v34;
	v60 =	vmul.f32 v26, v25  }
0x226: {  	v62 =	vmul.f32 v32, v27;
	v49 =	vsub.f32 $2.518836860e-01, v49;
	v45 =	vmul.f32 v45, v44  }
0x227: {  	v42 =	vadd.f32 $-4.846417900e-01, v42;
	v39 =	vmul.f32 v39, v33;
	v36 =	vadd.f32 $9.993023870e-01, v36  }
0x228: {  	v21 =	vmul.f32 v21, v28;
	v51 =	vsub.f32 $2.518836860e-01, v51;
	v47 =	vmul.f32 v47, v46  }
0x229: {  	v43 =	vadd.f32 $-4.846417900e-01, v43;
	v40 =	vmul.f32 v40, v35;
	v37 =	vadd.f32 $9.993023870e-01, v37  }
0x22a: {  	v6 =	vadd.f32 v60, v6;
	v49 =	vmul.f32 v49, v48;
	v45 =	vadd.f32 $-4.846417900e-01, v45  }
0x22b: {  	v42 =	vmul.f32 v42, v38;
	v39 =	vadd.f32 $9.993023870e-01, v39;
	v19 =	vmul.f32 v36, v56  }
0x22c: {  	v56 =	vadd.f32 v62, v8;
	v7 =	vadd.f32 v21, v7;
	v51 =	vmul.f32 v51, v50  }
0x22d: {  	v47 =	vadd.f32 $-4.846417900e-01, v47;
	v43 =	vmul.f32 v43, v41;
	v40 =	vadd.f32 $9.993023870e-01, v40  }
0x22e: {  	v30 =	vmul.f32 v37, v30;
	v60 =	vsel vm6, $0x0, v6;
	v49 =	vadd.f32 $-4.846417900e-01, v49  }
0x22f: {  	v45 =	vmul.f32 v45, v44;
	v42 =	vadd.f32 $9.993023870e-01, v42;
	v11 =	vadd.f32 v19, v11  }
0x230: {  	v7 =	vsel vm7, $0x0, v7;
	v51 =	vadd.f32 $-4.846417900e-01, v51;
	v47 =	vmul.f32 v47, v46  }
0x231: {  	v43 =	vadd.f32 $9.993023870e-01, v43;
	v52 =	vmul.f32 v40, v35;
	v12 =	vadd.f32 v30, v12  }
0x232: {  	v49 =	vmul.f32 v49, v48;
	v61 =	vadd.f32 $9.993023870e-01, v45;
	v45 =	vmul.f32 v34, v29  }
0x233: {  	v53 =	vmul.f32 v42, v38;
	v11 =	vsel vm8, $0x0, v11;
	v51 =	vmul.f32 v51, v50  }
0x234: {  	v63 =	vadd.f32 $9.993023870e-01, v47;
	v54 =	vmul.f32 v43, v41;
	v14 =	vadd.f32 v52, v14  }
0x235: {  	v47 =	vadd.f32 $9.993023870e-01, v49;
	v5 =	vmul.f32 v61, v44;
	v49 =	vadd.f32 $9.993023870e-01, v51  }
0x236: {  	v8 =	vadd.f32 v45, v10;
	v15 =	vadd.f32 v53, v15;
	v10 =	vmul.f32 v63, v46  }
0x237: {  	v16 =	vadd.f32 v54, v16;
	v57 =	vmul.f32 v47, v48;
	v58 =	vmul.f32 v49, v50  }
0x238: {  	v51 =	vmul.f32 v39, v33;
	v5 =	vadd.f32 v5, v18;
	v10 =	vadd.f32 v10, v22  }
0x239: {  	v8 =	vsel vm10, $0x0, v8;
	v59 =	vadd.f32 v57, v23;
	v9 =	vadd.f32 v58, v9  }
0x23a: {  	v62 =	vsel vm4, $0x0, v15;
	v13 =	vadd.f32 v51, v13;
	v5 =	vsel vm15, $0x0, v5  }
0x23b: {  	v10 =	vsel vm12, $0x0, v10;
	v61 =	vsel vm13, $0x0, v59;
	v9 =	vsel vm14, $0x0, v9  }
0x23c: {  	v63 =	vsel vm9, $0x0, v16;
	v5 =	vadd.f32 v10, v5;
	v9 =	vadd.f32 v9, v61  }
0x23d: {  	v6 =	vsel vm11, $0x0, v13;
	v13 =	vadd.f32 v63, v62;
	v10 =	vsel vm3, $0x0, v14  }
0x23e: {  	v10 =	vadd.f32 v10, v6;
	v6 =	vsel vm2, $0x0, v12;
	v9 =	vadd.f32 v9, v5  }
0x23f: {  	v6 =	vadd.f32 v6, v11;
	v5 =	vadd.f32 v8, v7;
	v7 =	vsel vm1, $0x0, v55  }
0x240: {  	v8 =	vadd.f32 v9, v3;
	v9 =	vadd.f32 v13, v10;
	v10 =	vsel vm0, $0x0, v56  }
0x241: {  	s28 =	smov.u32 s21;
	s26 =	simm.s32 $0x1F;
	s25 =	simm.s32 $0x0;
	v4 =	vadd.f32 v60, v4;
	v3 =	vld [tilespmem:s24+$0xCB00];
	v7 =	vadd.f32 v10, v7  }
.LBB2_15:
0x242: {  	s0 =	sadd.s32 $0xFFFFFFFD, s26;
	v10 =	vmov s26;
	v8 =	vadd.f32 v9, v8;
	v5 =	vadd.f32 v6, v5  }
0x243: {  	v6 =	vmov s0;
	s0 =	sadd.s32 $0xFFFFFFFE, s26;
	vm0 =	vgt.s32 v10, v2  }
0x244: {  	s1 =	sadd.s32 $0xFFFFFFF9, s26;
	s12 =	sadd.s32 $0xFFFFFFFA, s26;
	v4 =	vadd.f32 v7, v4;
	v9 =	vmov s0;
	s0 =	sadd.s32 $0xFFFFFFFF, s26;
	v5 =	vadd.f32 v5, v8  }
0x245: {  	s28 =	sadd.s32 $0x800, s28;
	v7 =	vmov s1;
	s1 =	sadd.s32 $0xFFFFFFFB, s26;
	v8 =	vmov s12;
	s12 =	sadd.s32 $0xFFFFFFFC, s26;
	v10 =	vmov s0  }
0x246: {  	s29 =	sadd.s32 $0xFFFFFFF6, s26;
	s30 =	sadd.s32 $0xFFFFFFF7, s26;
	v11 =	vmov s1;
	s0 =	sadd.s32 $0xFFFFFFF5, s26;
	v12 =	vmov s12;
	v4 =	vadd.f32 v4, v5  }
0x247: {  	v13 =	vmov s29;
	v14 =	vmov s30;
	s1 =	sadd.s32 $0xFFFFFFF1, s26;
	s12 =	sadd.s32 $0xFFFFFFF2, s26;
	v5 =	vmov s0;
	s0 =	sadd.s32 $0xFFFFFFF8, s26  }
0x248: {  	v15 =	vmov s1;
	s1 =	sadd.s32 $0xFFFFFFF3, s26;
	v16 =	vmov s12;
	s12 =	sadd.s32 $0xFFFFFFF4, s26;
	v17 =	vmov s0;
	v18 =	vld [tilespmem:s28+$0x200]  }
0x249: {  	vm5 =	vgt.s32 v6, v2;
	v19 =	vmov s1;
	v20 =	vmov s12;
	v21 =	vld [tilespmem:s28+$0x280]  }
0x24a: {  	vm8 =	vgt.s32 v7, v2;
	vm6 =	vgt.s32 v9, v2;
	vm1 =	vgt.s32 v10, v2;
	v22 =	vld [tilespmem:s28+$0x300]  }
0x24b: {  	vm10 =	vgt.s32 v8, v2;
	vm9 =	vgt.s32 v11, v2;
	vm2 =	vgt.s32 v12, v2;
	v10 =	vld [tilespmem:s28+$0x380]  }
0x24c: {  	vm4 =	vgt.s32 v13, v2;
	vm3 =	vgt.s32 v14, v2;
	vm11 =	vgt.s32 v5, v2;
	v11 =	vld [tilespmem:s28+$0x0]  }
0x24d: {  	vm15 =	vgt.s32 v15, v2;
	vm12 =	vgt.s32 v16, v2;
	vm7 =	vgt.s32 v17, v2  }
0x24e: {  	vm13 =	vgt.s32 v19, v2;
	vm14 =	vgt.s32 v20, v2;
	v5 =	vmax.f32 v18, $0.0e+00  }
0x24f: {  	v8 =	vand.u32 $0x7FFFFFFF, v18;
	v7 =	vmax.f32 v21, $0.0e+00;
	v12 =	vld [tilespmem:s28+$0x80];
	v6 =	vmax.f32 v22, $0.0e+00  }
0x250: {  	v14 =	vmul.f32 $-1.442695020e+00, v8;
	v15 =	vand.u32 $0x7FFFFFFF, v21;
	v13 =	vld [tilespmem:s28+$0x100];
	v9 =	vmax.f32 v10, $0.0e+00  }
0x251: {  	v15 =	vmul.f32 $-1.442695020e+00, v15;
	v17 =	vand.u32 $0x7FFFFFFF, v22;
	v8 =	vmax.f32 v11, $0.0e+00;
	v16 =	vld [tilespmem:s28+$0x180]  }
0x252: {  	v17 =	vmul.f32 $-1.442695020e+00, v17;
	v10 =	vand.u32 $0x7FFFFFFF, v10;
	v18 =	vld [tilespmem:s28+$0xFFFFFE00];
	(erf) = vpow2.f32 v14  }
0x253: {  	v11 =	vand.u32 $0x7FFFFFFF, v11;
	v10 =	vmul.f32 $-1.442695020e+00, v10;
	v20 =	vld [tilespmem:s28+$0xFFFFFE80];
	(erf) = vpow2.f32 v15  }
0x254: {  	v11 =	vmul.f32 $-1.442695020e+00, v11;
	v22 =	vld [tilespmem:s28+$0xFFFFFF00];
	v14 =	vand.u32 $0x7FFFFFFF, v12;
	(erf) = vpow2.f32 v17  }
0x255: {  	v17 =	vld [tilespmem:s28+$0xFFFFFF80];
	v14 =	vmul.f32 $-1.442695020e+00, v14;
	v15 =	vand.u32 $0x7FFFFFFF, v13;
	(erf) = vpow2.f32 v10  }
0x256: {  	v30 =	vld [tilespmem:s28+$0xFFFFFC00];
	v10 =	vmul.f32 $-1.442695020e+00, v15;
	v15 =	vand.u32 $0x7FFFFFFF, v16;
	(erf) = vpow2.f32 v11  }
0x257: {  	v31 =	vld [tilespmem:s28+$0xFFFFFC80];
	v11 =	vand.u32 $0x7FFFFFFF, v18;
	v15 =	vmul.f32 $-1.442695020e+00, v15;
	(erf) = vpow2.f32 v14  }
0x258: {  	v32 =	vld [tilespmem:s28+$0xFFFFFD00];
	v11 =	vmul.f32 $-1.442695020e+00, v11;
	v14 =	vand.u32 $0x7FFFFFFF, v20;
	(erf) = vpow2.f32 v10  }
0x259: {  	v10 =	vld [tilespmem:s28+$0xFFFFFD80];
	v14 =	vmul.f32 $-1.442695020e+00, v14;
	v23 =	vand.u32 $0x7FFFFFFF, v22;
	(erf) = vpow2.f32 v15  }
0x25a: {  	v15 =	vmul.f32 $-1.442695020e+00, v23;
	v23 =	vand.u32 $0x7FFFFFFF, v17;
	(erf) = vpow2.f32 v11  }
0x25b: {  	v11 =	vand.u32 $0x7FFFFFFF, v30;
	v25 =	vmul.f32 $-1.442695020e+00, v23;
	(erf) = vpow2.f32 v14;
	v19 =	vpop (erf)  }
0x25c: {  	v11 =	vmul.f32 $-1.442695020e+00, v11;
	v14 =	vand.u32 $0x7FFFFFFF, v31;
	(erf) = vpow2.f32 v15;
	v21 =	vpop (erf)  }
0x25d: {  	v14 =	vmul.f32 $-1.442695020e+00, v14;
	v15 =	vand.u32 $0x7FFFFFFF, v32;
	(erf) = vpow2.f32 v25;
	v23 =	vpop (erf)  }
0x25e: {  	v15 =	vmul.f32 $-1.442695020e+00, v15;
	v27 =	vand.u32 $0x7FFFFFFF, v10;
	(erf) = vpow2.f32 v11;
	v24 =	vpop (erf)  }
0x25f: {  	v11 =	vmax.f32 v12, $0.0e+00;
	v29 =	vmul.f32 $-1.442695020e+00, v27;
	(erf) = vpow2.f32 v14;
	v25 =	vpop (erf)  }
0x260: {  	v12 =	vmax.f32 v13, $0.0e+00;
	v13 =	vmax.f32 v16, $0.0e+00;
	(erf) = vpow2.f32 v15;
	v26 =	vpop (erf)  }
0x261: {  	v14 =	vmax.f32 v18, $0.0e+00;
	v15 =	vmax.f32 v20, $0.0e+00;
	(erf) = vpow2.f32 v29;
	v27 =	vpop (erf)  }
0x262: {  	v33 =	vmul.f32 $7.390210780e-02, v19;
	v34 =	vmul.f32 $7.390210780e-02, v21;
	v16 =	vmax.f32 v22, $0.0e+00;
	v28 =	vpop (erf)  }
0x263: {  	v17 =	vmax.f32 v17, $0.0e+00;
	v35 =	vmul.f32 $7.390210780e-02, v23;
	v36 =	vmul.f32 $7.390210780e-02, v24;
	v29 =	vpop (erf)  }
0x264: {  	v18 =	vmax.f32 v30, $0.0e+00;
	v37 =	vmul.f32 $7.390210780e-02, v25;
	v38 =	vmul.f32 $7.390210780e-02, v26;
	v30 =	vpop (erf)  }
0x265: {  	v20 =	vmax.f32 v31, $0.0e+00;
	v39 =	vmul.f32 $7.390210780e-02, v27;
	v40 =	vmul.f32 $7.390210780e-02, v28;
	v31 =	vpop (erf)  }
0x266: {  	v22 =	vmax.f32 v32, $0.0e+00;
	v41 =	vmul.f32 $7.390210780e-02, v29;
	v42 =	vmul.f32 $7.390210780e-02, v30;
	v32 =	vpop (erf)  }
0x267: {  	v45 =	vsub.f32 $2.518836860e-01, v33;
	v43 =	vmul.f32 $7.390210780e-02, v31;
	v44 =	vmul.f32 $7.390210780e-02, v32;
	v33 =	vpop (erf)  }
0x268: {  	v47 =	vsub.f32 $2.518836860e-01, v34;
	v48 =	vsub.f32 $2.518836860e-01, v35;
	v46 =	vmul.f32 $7.390210780e-02, v33;
	v34 =	vpop (erf)  }
0x269: {  	v50 =	vsub.f32 $2.518836860e-01, v36;
	v37 =	vsub.f32 $2.518836860e-01, v37;
	v49 =	vmul.f32 $7.390210780e-02, v34;
	v35 =	vpop (erf)  }
0x26a: {  	v38 =	vsub.f32 $2.518836860e-01, v38;
	v39 =	vsub.f32 $2.518836860e-01, v39;
	v51 =	vmul.f32 $7.390210780e-02, v35;
	v36 =	vpop (erf)  }
0x26b: {  	v40 =	vsub.f32 $2.518836860e-01, v40;
	v41 =	vsub.f32 $2.518836860e-01, v41;
	v52 =	vmul.f32 $7.390210780e-02, v36  }
0x26c: {  	v45 =	vmul.f32 v45, v19;
	v42 =	vsub.f32 $2.518836860e-01, v42;
	v43 =	vsub.f32 $2.518836860e-01, v43  }
0x26d: {  	v47 =	vmul.f32 v47, v21;
	v48 =	vmul.f32 v48, v23;
	v44 =	vsub.f32 $2.518836860e-01, v44  }
0x26e: {  	v50 =	vmul.f32 v50, v24;
	v37 =	vmul.f32 v37, v25;
	v46 =	vsub.f32 $2.518836860e-01, v46  }
0x26f: {  	s25 =	sadd.s32 $0x4, s25;
	v38 =	vmul.f32 v38, v26;
	v39 =	vmul.f32 v39, v27;
	v49 =	vsub.f32 $2.518836860e-01, v49  }
0x270: {  	p0 =	slt.u32 s25, $0x2C;
	v40 =	vmul.f32 v40, v28;
	v41 =	vmul.f32 v41, v29;
	v51 =	vsub.f32 $2.518836860e-01, v51  }
0x271: {  	v42 =	vmul.f32 v42, v30;
	v43 =	vmul.f32 v43, v31;
	v52 =	vsub.f32 $2.518836860e-01, v52  }
0x272: {  	v45 =	vadd.f32 $-4.846417900e-01, v45;
	v47 =	vadd.f32 $-4.846417900e-01, v47;
	v44 =	vmul.f32 v44, v32  }
0x273: {  	v48 =	vadd.f32 $-4.846417900e-01, v48;
	v50 =	vadd.f32 $-4.846417900e-01, v50;
	v46 =	vmul.f32 v46, v33  }
0x274: {  	v37 =	vadd.f32 $-4.846417900e-01, v37;
	v38 =	vadd.f32 $-4.846417900e-01, v38;
	v49 =	vmul.f32 v49, v34  }
0x275: {  	v39 =	vadd.f32 $-4.846417900e-01, v39;
	v40 =	vadd.f32 $-4.846417900e-01, v40;
	v51 =	vmul.f32 v51, v35  }
0x276: {  	v41 =	vadd.f32 $-4.846417900e-01, v41;
	v42 =	vadd.f32 $-4.846417900e-01, v42;
	v52 =	vmul.f32 v52, v36  }
0x277: {  	v45 =	vmul.f32 v45, v19;
	v43 =	vadd.f32 $-4.846417900e-01, v43;
	v44 =	vadd.f32 $-4.846417900e-01, v44  }
0x278: {  	v47 =	vmul.f32 v47, v21;
	v48 =	vmul.f32 v48, v23;
	v46 =	vadd.f32 $-4.846417900e-01, v46  }
0x279: {  	v50 =	vmul.f32 v50, v24;
	v37 =	vmul.f32 v37, v25;
	v49 =	vadd.f32 $-4.846417900e-01, v49  }
0x27a: {  	v38 =	vmul.f32 v38, v26;
	v39 =	vmul.f32 v39, v27;
	v51 =	vadd.f32 $-4.846417900e-01, v51  }
0x27b: {  	v40 =	vmul.f32 v40, v28;
	v41 =	vmul.f32 v41, v29;
	v52 =	vadd.f32 $-4.846417900e-01, v52  }
0x27c: {  	v45 =	vadd.f32 $9.993023870e-01, v45;
	v42 =	vmul.f32 v42, v30;
	v43 =	vmul.f32 v43, v31  }
0x27d: {  	v47 =	vadd.f32 $9.993023870e-01, v47;
	v48 =	vadd.f32 $9.993023870e-01, v48;
	v44 =	vmul.f32 v44, v32  }
0x27e: {  	v50 =	vadd.f32 $9.993023870e-01, v50;
	v37 =	vadd.f32 $9.993023870e-01, v37;
	v46 =	vmul.f32 v46, v33  }
0x27f: {  	v38 =	vadd.f32 $9.993023870e-01, v38;
	v39 =	vadd.f32 $9.993023870e-01, v39;
	v49 =	vmul.f32 v49, v34  }
0x280: {  	v40 =	vadd.f32 $9.993023870e-01, v40;
	v41 =	vadd.f32 $9.993023870e-01, v41;
	v51 =	vmul.f32 v51, v35  }
0x281: {  	v42 =	vadd.f32 $9.993023870e-01, v42;
	v43 =	vadd.f32 $9.993023870e-01, v43;
	v52 =	vmul.f32 v52, v36  }
0x282: {  	v19 =	vmul.f32 v45, v19;
	v21 =	vmul.f32 v47, v21;
	v44 =	vadd.f32 $9.993023870e-01, v44  }
0x283: {  	v23 =	vmul.f32 v48, v23;
	v24 =	vmul.f32 v50, v24;
	v45 =	vadd.f32 $9.993023870e-01, v46  }
0x284: {  	v25 =	vmul.f32 v37, v25;
	v26 =	vmul.f32 v38, v26;
	v46 =	vadd.f32 $9.993023870e-01, v49  }
0x285: {  	v27 =	vmul.f32 v39, v27;
	v28 =	vmul.f32 v40, v28;
	v37 =	vadd.f32 $9.993023870e-01, v51  }
0x286: {  	v29 =	vmul.f32 v41, v29;
	v30 =	vmul.f32 v42, v30;
	v38 =	vadd.f32 $9.993023870e-01, v52  }
0x287: {  	v5 =	vadd.f32 v19, v5;
	v7 =	vadd.f32 v21, v7;
	v31 =	vmul.f32 v43, v31  }
0x288: {  	v21 =	vadd.f32 v23, v6;
	v23 =	vadd.f32 v24, v9;
	v19 =	vmul.f32 v44, v32  }
0x289: {  	v8 =	vadd.f32 v25, v8;
	v9 =	vadd.f32 v26, v11;
	v6 =	vmul.f32 v45, v33  }
0x28a: {  	v12 =	vadd.f32 v27, v12;
	v13 =	vadd.f32 v28, v13;
	v11 =	vmul.f32 v46, v34  }
0x28b: {  	v14 =	vadd.f32 v29, v14;
	v15 =	vadd.f32 v30, v15;
	v24 =	vmul.f32 v37, v35  }
0x28c: {  	v16 =	vadd.f32 v31, v16;
	v17 =	vadd.f32 v19, v17;
	v25 =	vmul.f32 v38, v36  }
0x28d: {  	v10 =	vmax.f32 v10, $0.0e+00;
	v6 =	vadd.f32 v6, v18;
	v11 =	vadd.f32 v11, v20  }
0x28e: {  	v19 =	vsel vm5, $0x0, v5;
	v18 =	vadd.f32 v24, v22;
	v10 =	vadd.f32 v25, v10  }
0x28f: {  	v7 =	vsel vm6, $0x0, v7;
	v5 =	vsel vm8, $0x0, v8;
	v8 =	vsel vm10, $0x0, v9  }
0x290: {  	v12 =	vsel vm9, $0x0, v12;
	v9 =	vsel vm11, $0x0, v14;
	v6 =	vsel vm15, $0x0, v6  }
0x291: {  	v11 =	vsel vm12, $0x0, v11;
	v14 =	vsel vm13, $0x0, v18;
	v10 =	vsel vm14, $0x0, v10  }
0x292: {  	v6 =	vadd.f32 v11, v6;
	v11 =	vsel vm4, $0x0, v15;
	v10 =	vadd.f32 v10, v14  }
.Ltmp6:
0x293: {  	v15 =	vsel vm7, $0x0, v17;
	v9 =	vadd.f32 v11, v9;
	v14 =	vsel vm3, $0x0, v16;
	(pc) =	sbr.rel @p0 .LBB2_15-.Ltmp6, $4  }
0x294: {  	v11 =	vadd.f32 v15, v14;
	v10 =	vadd.f32 v10, v6;
	v6 =	vsel vm2, $0x0, v13  }
0x295: {  	v5 =	vadd.f32 v8, v5;
	v6 =	vadd.f32 v6, v12;
	v12 =	vsel vm1, $0x0, v21  }
0x296: {  	v9 =	vadd.f32 v11, v9;
	v8 =	vadd.f32 v10, v4;
	v10 =	vsel vm0, $0x0, v23  }
0x297: {  	s26 =	sadd.s32 $0x10, s26;
	v4 =	vadd.f32 v7, v19;
	v7 =	vadd.f32 v10, v12  }
0x298: {  	v8 =	vadd.f32 v9, v8;
	v5 =	vadd.f32 v6, v5;
	_ =	sdelay $0x1  }
0x299: {  	v4 =	vadd.f32 v7, v4;
	v5 =	vadd.f32 v5, v8;
	_ =	sdelay $0x1  }
0x29a: {  	s25 =	simm.s32 $0xC3;
	s26 =	smov.u32 s23;
	v4 =	vadd.f32 v4, v5  }
.LBB2_17:
0x29b: {  	v5 =	vld [tilespmem:s26+$0x0]  }
0x29c: {  	v6 =	vld [tilespmem:s26+$0x80]  }
0x29d: {  	v7 =	vld [tilespmem:s26+$0x100]  }
0x29e: {  	v8 =	vld [tilespmem:s26+$0x180];
	_ =	sdelay $0x1  }
0x29f: {  	v9 =	vand.u32 $0x7FFFFFFF, v5  }
0x2a0: {  	v10 =	vand.u32 $0x7FFFFFFF, v6;
	v9 =	vmul.f32 $-1.442695020e+00, v9  }
0x2a1: {  	v53 =	vand.u32 $0x7FFFFFFF, v7;
	v52 =	vmul.f32 $-1.442695020e+00, v10  }
0x2a2: {  	v11 =	vand.u32 $0x7FFFFFFF, v8;
	v10 =	vmul.f32 $-1.442695020e+00, v53;
	(erf) = vpow2.f32 v9  }
0x2a3: {  	v54 =	vmul.f32 $-1.442695020e+00, v11;
	(erf) = vpow2.f32 v52  }
0x2a4: {  	(erf) = vpow2.f32 v10  }
0x2a5: {  	(erf) = vpow2.f32 v54;
	_ =	sdelay $0x5  }
0x2a6: {  	v55 =	vpop (erf)  }
0x2a7: {  	v57 =	vpop (erf)  }
0x2a8: {  	v56 =	vmul.f32 $7.390210780e-02, v55;
	v12 =	vpop (erf)  }
0x2a9: {  	v13 =	vmul.f32 $7.390210780e-02, v57;
	v15 =	vpop (erf)  }
0x2aa: {  	v10 =	vsub.f32 $2.518836860e-01, v56;
	v14 =	vmul.f32 $7.390210780e-02, v12;
	v16 =	vmul.f32 $7.390210780e-02, v15  }
0x2ab: {  	v13 =	vsub.f32 $2.518836860e-01, v13  }
0x2ac: {  	v10 =	vmul.f32 v10, v55;
	v14 =	vsub.f32 $2.518836860e-01, v14;
	v16 =	vsub.f32 $2.518836860e-01, v16  }
0x2ad: {  	v13 =	vmul.f32 v13, v57  }
0x2ae: {  	v10 =	vadd.f32 $-4.846417900e-01, v10;
	v14 =	vmul.f32 v14, v12;
	v16 =	vmul.f32 v16, v15  }
0x2af: {  	v63 =	vmov s25;
	v13 =	vadd.f32 $-4.846417900e-01, v13  }
0x2b0: {  	s0 =	sadd.s32 $0xFFFFFFFD, s25;
	s30 =	sadd.s32 $0xFFFFFFFE, s25;
	v10 =	vmul.f32 v10, v55;
	v14 =	vadd.f32 $-4.846417900e-01, v14;
	v16 =	vadd.f32 $-4.846417900e-01, v16  }
0x2b1: {  	v17 =	vmov s0;
	v59 =	vmov s30;
	v13 =	vmul.f32 v13, v57  }
0x2b2: {  	s31 =	sadd.s32 $0xFFFFFFFF, s25;
	v10 =	vadd.f32 $9.993023870e-01, v10;
	v14 =	vmul.f32 v14, v12;
	v58 =	vmul.f32 v16, v15  }
0x2b3: {  	v62 =	vmov s31;
	vm2 =	vgt.s32 v63, v2;
	v13 =	vadd.f32 $9.993023870e-01, v13  }
0x2b4: {  	v9 =	vmul.f32 v10, v55;
	v14 =	vadd.f32 $9.993023870e-01, v14;
	v10 =	vadd.f32 $9.993023870e-01, v58  }
0x2b5: {  	v5 =	vmax.f32 v5, $0.0e+00;
	v6 =	vmax.f32 v6, $0.0e+00;
	v60 =	vmul.f32 v13, v57  }
0x2b6: {  	v7 =	vmax.f32 v7, $0.0e+00;
	v61 =	vmul.f32 v14, v12;
	v10 =	vmul.f32 v10, v15  }
0x2b7: {  	v8 =	vmax.f32 v8, $0.0e+00;
	v5 =	vadd.f32 v9, v5;
	v6 =	vadd.f32 v60, v6  }
0x2b8: {  	vm0 =	vgt.s32 v17, v2;
	v7 =	vadd.f32 v61, v7;
	v8 =	vadd.f32 v10, v8  }
0x2b9: {  	vm1 =	vgt.s32 v59, v2;
	vm15 =	vgt.s32 v62, v2;
	v5 =	vsel vm0, $0x0, v5  }
0x2ba: {  	p0 =	sne.s32 s25, $0xC7;
	v6 =	vsel vm1, $0x0, v6;
	v7 =	vsel vm15, $0x0, v7;
	v8 =	vsel vm2, $0x0, v8  }
.Ltmp7:
0x2bb: {  	v5 =	vadd.f32 v6, v5;
	v6 =	vadd.f32 v8, v7;
	(pc) =	sbr.rel @p0 .LBB2_17-.Ltmp7, $3  }
0x2bc: {  	_ = 	snop  }
0x2bd: {  	v5 =	vadd.f32 v6, v5;
	_ =	sdelay $0x1  }
0x2be: {  	s26 =	sadd.s32 $0x200, s26;
	s25 =	sadd.s32 $0x4, s25;
	v4 =	vadd.f32 v5, v4  }
0x2bf: {  	v2 =	vshll.u32 v2, $0x7  }
0x2c0: {  	v2 =	vadd.s32 s24, v2  }
0x2c1: {  	v2 =	vadd.s32 v0, v2;
	_ =	sdelay $0x4  }
0x2c2: {  	v2 =	vld.idx.msk [tilespmem:v2+s2+$0x0], $0xffff;
	_ =	sdelay $0x2  }
0x2c3: {  	s22 =	sadd.s32 $0x1, s22  }
0x2c4: {  	p0 =	sne.s32 s22, $0x8  }
.Ltmp8:
0x2c5: {  	v2 =	vmul.f32 v2, v3;
	(pc) =	sbr.rel @p0 .LBB2_14-.Ltmp8, $3  }
0x2c6: {  	_ = 	snop  }
0x2c7: {  	v2 =	vsub.f32 v4, v2;
	_ =	sdelay $0x1  }
0x2c8: {  	s21 =	sadd.s32 $0x10, s21;
	s23 =	sadd.s32 $0x10, s23;
	v1 =	vadd.f32 v2, v1  }
0x2c9: {  	_ =	swait.ge [sflag:s18], $0x6400  }
0x2ca: {  	s21 =	simm.s32 $0x0;
	[sflag:s18] =	ssyncset.done $0x0  }
0x2cb: {  	s22 =	simm.s32 $0x6800;
	s23 =	simm.s32 $0xC400;
	[sflag:s18] =	ssyncadd.s32 $0xFFFF9C00  }
.LBB2_20:
0x2cc: {  	v20 =	vld [tilespmem:s22+$0x280]  }
0x2cd: {  	v21 =	vld [tilespmem:s22+$0x300]  }
0x2ce: {  	v41 =	vld [tilespmem:s22+$0x100]  }
0x2cf: {  	v44 =	vld [tilespmem:s22+$0x180]  }
0x2d0: {  	s24 =	sshll.u32 s21, $0x4;
	v47 =	vld [tilespmem:s22+$0xFFFFFE80]  }
0x2d1: {  	s0 =	simm.s32 $0xF;
	s1 =	simm.s32 $0xC;
	v3 =	vimm.f32 $0.0e+00;
	s26 =	simm.s32 $0x8;
	v48 =	vld [tilespmem:s22+$0xFFFFFF00]  }
0x2d2: {  	s12 =	simm.s32 $0x9;
	s29 =	simm.s32 $0xE;
	s30 =	simm.s32 $0xA;
	v50 =	vld [tilespmem:s22+$0xFFFFFF80];
	v4 =	vmov s0;
	v5 =	vmov s1;
	v6 =	vmov s26  }
0x2d3: {  	s31 =	simm.s32 $0xB;
	v22 =	vld [tilespmem:s22+$0xFFFFFC80];
	v7 =	vmov s12;
	v8 =	vmov s29;
	s29 =	simm.s32 $0x4;
	s26 =	simm.s32 $0x6;
	v9 =	vmov s30  }
0x2d4: {  	v23 =	vld [tilespmem:s22+$0xFFFFFD00];
	v10 =	vmov s31;
	s30 =	simm.s32 $0x0;
	s31 =	simm.s32 $0x1;
	v11 =	vmov s29;
	v13 =	vmov s26;
	s29 =	simm.s32 $0x7  }
0x2d5: {  	v2 =	vld [tilespmem:s24+$0xC980];
	v14 =	vmov s30;
	v15 =	vmov s31;
	s30 =	simm.s32 $0x2;
	s31 =	simm.s32 $0x3;
	v16 =	vmov s29  }
0x2d6: {  	v18 =	vmov s30;
	v19 =	vmov s31;
	v43 =	vand.u32 $0x7FFFFFFF, v20  }
0x2d7: {  	v45 =	vand.u32 $0x7FFFFFFF, v21;
	v51 =	vand.u32 $0x7FFFFFFF, v41;
	v58 =	vand.u32 $0x7FFFFFFF, v44  }
0x2d8: {  	v59 =	vand.u32 $0x7FFFFFFF, v47;
	v60 =	vand.u32 $0x7FFFFFFF, v48;
	v62 =	vand.u32 $0x7FFFFFFF, v50  }
0x2d9: {  	s25 =	simm.s32 $0xD;
	v17 =	vld [tilespmem:s22+$0x200];
	v53 =	vand.u32 $0x7FFFFFFF, v22;
	v54 =	vand.u32 $0x7FFFFFFF, v23;
	v22 =	vmax.f32 v22, $0.0e+00  }
0x2da: {  	v23 =	vmax.f32 v23, $0.0e+00;
	vm0 =	vgt.s32 v4, v2;
	v4 =	vmov s25  }
0x2db: {  	vm5 =	vgt.s32 v5, v2;
	vm7 =	vgt.s32 v6, v2;
	vm1 =	vgt.s32 v8, v2  }
0x2dc: {  	vm10 =	vgt.s32 v7, v2;
	vm8 =	vgt.s32 v9, v2;
	vm2 =	vgt.s32 v10, v2  }
0x2dd: {  	v9 =	vld [tilespmem:s22+$0x380];
	vm11 =	vgt.s32 v11, v2;
	vm4 =	vgt.s32 v13, v2;
	vm15 =	vgt.s32 v14, v2  }
0x2de: {  	v10 =	vld [tilespmem:s22+$0x0];
	vm12 =	vgt.s32 v15, v2;
	vm9 =	vgt.s32 v16, v2;
	v7 =	vand.u32 $0x7FFFFFFF, v17  }
0x2df: {  	vm13 =	vgt.s32 v18, v2;
	vm14 =	vgt.s32 v19, v2;
	v42 =	vmul.f32 $-1.442695020e+00, v7  }
0x2e0: {  	v11 =	vld [tilespmem:s22+$0x80];
	v6 =	vmax.f32 v20, $0.0e+00;
	v14 =	vmul.f32 $-1.442695020e+00, v43;
	v16 =	vmul.f32 $-1.442695020e+00, v45  }
0x2e1: {  	v52 =	vld [tilespmem:s22+$0xFFFFFC00];
	v5 =	vmax.f32 v21, $0.0e+00;
	v61 =	vmul.f32 $-1.442695020e+00, v60;
	(erf) = vpow2.f32 v42  }
0x2e2: {  	v46 =	vld [tilespmem:s22+$0xFFFFFE00];
	v24 =	vmul.f32 $-1.442695020e+00, v62;
	v15 =	vmax.f32 v48, $0.0e+00;
	(erf) = vpow2.f32 v14  }
0x2e3: {  	v8 =	vmax.f32 v9, $0.0e+00;
	v7 =	vmax.f32 v10, $0.0e+00;
	v9 =	vand.u32 $0x7FFFFFFF, v9  }
0x2e4: {  	v10 =	vand.u32 $0x7FFFFFFF, v10;
	(erf) = vpow2.f32 v16;
	v9 =	vmul.f32 $-1.442695020e+00, v9  }
0x2e5: {  	v14 =	vmul.f32 $-1.442695020e+00, v58;
	v49 =	vand.u32 $0x7FFFFFFF, v11;
	v10 =	vmul.f32 $-1.442695020e+00, v10  }
0x2e6: {  	v18 =	vmax.f32 v52, $0.0e+00;
	v13 =	vmul.f32 $-1.442695020e+00, v49;
	(erf) = vpow2.f32 v9  }
0x2e7: {  	s25 =	simm.s32 $0x5;
	v9 =	vmul.f32 $-1.442695020e+00, v51;
	(erf) = vpow2.f32 v10;
	v10 =	vand.u32 $0x7FFFFFFF, v46  }
0x2e8: {  	v12 =	vmov s25;
	(erf) = vpow2.f32 v13;
	v10 =	vmul.f32 $-1.442695020e+00, v10  }
0x2e9: {  	vm6 =	vgt.s32 v4, v2;
	v13 =	vmul.f32 $-1.442695020e+00, v59;
	(erf) = vpow2.f32 v9  }
0x2ea: {  	v4 =	vmax.f32 v17, $0.0e+00;
	v9 =	vld [tilespmem:s22+$0xFFFFFD80];
	(erf) = vpow2.f32 v14;
	v63 =	vpop (erf);
	v14 =	vmul.f32 $-1.442695020e+00, v54  }
0x2eb: {  	(erf) = vpow2.f32 v10;
	v10 =	vand.u32 $0x7FFFFFFF, v52;
	v57 =	vmul.f32 $7.390210780e-02, v63  }
0x2ec: {  	vm3 =	vgt.s32 v12, v2;
	v25 =	vpop (erf);
	(erf) = vpow2.f32 v13;
	v10 =	vmul.f32 $-1.442695020e+00, v10  }
0x2ed: {  	v12 =	vmax.f32 v44, $0.0e+00;
	v13 =	vmul.f32 $-1.442695020e+00, v53;
	v55 =	vpop (erf);
	v58 =	vmul.f32 $7.390210780e-02, v25  }
0x2ee: {  	v16 =	vmax.f32 v50, $0.0e+00;
	(erf) = vpow2.f32 v61;
	v31 =	vmul.f32 $7.390210780e-02, v55  }
0x2ef: {  	v20 =	vsub.f32 $2.518836860e-01, v57;
	(erf) = vpow2.f32 v24;
	v26 =	vand.u32 $0x7FFFFFFF, v9  }
0x2f0: {  	v9 =	vmax.f32 v9, $0.0e+00;
	(erf) = vpow2.f32 v10;
	v26 =	vmul.f32 $-1.442695020e+00, v26  }
0x2f1: {  	v10 =	vmax.f32 v11, $0.0e+00;
	v11 =	vmax.f32 v41, $0.0e+00;
	v31 =	vsub.f32 $2.518836860e-01, v31  }
0x2f2: {  	v27 =	vpop (erf);
	v20 =	vmul.f32 v20, v63;
	(erf) = vpow2.f32 v13;
	v13 =	vmax.f32 v46, $0.0e+00  }
0x2f3: {  	v28 =	vpop (erf);
	v32 =	vmul.f32 $7.390210780e-02, v27;
	(erf) = vpow2.f32 v14;
	v14 =	vmax.f32 v47, $0.0e+00  }
0x2f4: {  	v29 =	vpop (erf);
	v59 =	vmul.f32 $7.390210780e-02, v28;
	v31 =	vmul.f32 v31, v55;
	v20 =	vadd.f32 $-4.846417900e-01, v20  }
0x2f5: {  	(erf) = vpow2.f32 v26;
	v56 =	vpop (erf);
	v34 =	vmul.f32 $7.390210780e-02, v29;
	v26 =	vsub.f32 $2.518836860e-01, v58  }
0x2f6: {  	v32 =	vsub.f32 $2.518836860e-01, v32;
	v30 =	vpop (erf);
	v36 =	vmul.f32 $7.390210780e-02, v56;
	v21 =	vsub.f32 $2.518836860e-01, v59  }
0x2f7: {  	v31 =	vadd.f32 $-4.846417900e-01, v31;
	v20 =	vmul.f32 v20, v63;
	v37 =	vmul.f32 $7.390210780e-02, v30  }
0x2f8: {  	v33 =	vpop (erf);
	v34 =	vsub.f32 $2.518836860e-01, v34;
	v26 =	vmul.f32 v26, v25;
	v32 =	vmul.f32 v32, v27  }
0x2f9: {  	v35 =	vpop (erf);
	v39 =	vmul.f32 $7.390210780e-02, v33;
	v36 =	vsub.f32 $2.518836860e-01, v36;
	v21 =	vmul.f32 v21, v28  }
0x2fa: {  	v31 =	vmul.f32 v31, v55;
	v20 =	vadd.f32 $9.993023870e-01, v20;
	v40 =	vmul.f32 $7.390210780e-02, v35  }
0x2fb: {  	v38 =	vpop (erf);
	v37 =	vsub.f32 $2.518836860e-01, v37;
	v34 =	vmul.f32 v34, v29;
	v26 =	vadd.f32 $-4.846417900e-01, v26  }
0x2fc: {  	v32 =	vadd.f32 $-4.846417900e-01, v32;
	v42 =	vmul.f32 $7.390210780e-02, v38;
	v39 =	vsub.f32 $2.518836860e-01, v39  }
0x2fd: {  	v41 =	vpop (erf);
	v36 =	vmul.f32 v36, v56;
	v21 =	vadd.f32 $-4.846417900e-01, v21;
	v31 =	vadd.f32 $9.993023870e-01, v31  }
0x2fe: {  	v17 =	vmul.f32 v20, v63;
	v43 =	vmul.f32 $7.390210780e-02, v41;
	v40 =	vsub.f32 $2.518836860e-01, v40  }
0x2ff: {  	v44 =	vpop (erf);
	v37 =	vmul.f32 v37, v30;
	v34 =	vadd.f32 $-4.846417900e-01, v34;
	v26 =	vmul.f32 v26, v25  }
0x300: {  	v32 =	vmul.f32 v32, v27;
	v45 =	vmul.f32 $7.390210780e-02, v44;
	v42 =	vsub.f32 $2.518836860e-01, v42  }
0x301: {  	v46 =	vpop (erf);
	v39 =	vmul.f32 v39, v33;
	v36 =	vadd.f32 $-4.846417900e-01, v36;
	v21 =	vmul.f32 v21, v28  }
0x302: {  	v24 =	vmul.f32 v31, v55;
	v4 =	vadd.f32 v17, v4;
	v47 =	vmul.f32 $7.390210780e-02, v46  }
0x303: {  	v43 =	vsub.f32 $2.518836860e-01, v43;
	v40 =	vmul.f32 v40, v35;
	v37 =	vadd.f32 $-4.846417900e-01, v37  }
0x304: {  	v48 =	vpop (erf);
	v34 =	vmul.f32 v34, v29;
	v26 =	vadd.f32 $9.993023870e-01, v26;
	v32 =	vadd.f32 $9.993023870e-01, v32  }
0x305: {  	v49 =	vmul.f32 $7.390210780e-02, v48;
	v45 =	vsub.f32 $2.518836860e-01, v45;
	v42 =	vmul.f32 v42, v38  }
0x306: {  	v50 =	vpop (erf);
	v39 =	vadd.f32 $-4.846417900e-01, v39;
	v36 =	vmul.f32 v36, v56;
	v21 =	vadd.f32 $9.993023870e-01, v21  }
0x307: {  	v55 =	vadd.f32 v24, v5;
	v4 =	vsel vm5, $0x0, v4;
	v51 =	vmul.f32 $7.390210780e-02, v50  }
0x308: {  	v47 =	vsub.f32 $2.518836860e-01, v47;
	v43 =	vmul.f32 v43, v41;
	v40 =	vadd.f32 $-4.846417900e-01, v40  }
0x309: {  	v37 =	vmul.f32 v37, v30;
	v34 =	vadd.f32 $9.993023870e-01, v34;
	v60 =	vmul.f32 v26, v25  }
0x30a: {  	v62 =	vmul.f32 v32, v27;
	v49 =	vsub.f32 $2.518836860e-01, v49;
	v45 =	vmul.f32 v45, v44  }
0x30b: {  	v42 =	vadd.f32 $-4.846417900e-01, v42;
	v39 =	vmul.f32 v39, v33;
	v36 =	vadd.f32 $9.993023870e-01, v36  }
0x30c: {  	v21 =	vmul.f32 v21, v28;
	v51 =	vsub.f32 $2.518836860e-01, v51;
	v47 =	vmul.f32 v47, v46  }
0x30d: {  	v43 =	vadd.f32 $-4.846417900e-01, v43;
	v40 =	vmul.f32 v40, v35;
	v37 =	vadd.f32 $9.993023870e-01, v37  }
0x30e: {  	v6 =	vadd.f32 v60, v6;
	v49 =	vmul.f32 v49, v48;
	v45 =	vadd.f32 $-4.846417900e-01, v45  }
0x30f: {  	v42 =	vmul.f32 v42, v38;
	v39 =	vadd.f32 $9.993023870e-01, v39;
	v19 =	vmul.f32 v36, v56  }
0x310: {  	v56 =	vadd.f32 v62, v8;
	v7 =	vadd.f32 v21, v7;
	v51 =	vmul.f32 v51, v50  }
0x311: {  	v47 =	vadd.f32 $-4.846417900e-01, v47;
	v43 =	vmul.f32 v43, v41;
	v40 =	vadd.f32 $9.993023870e-01, v40  }
0x312: {  	v30 =	vmul.f32 v37, v30;
	v60 =	vsel vm6, $0x0, v6;
	v49 =	vadd.f32 $-4.846417900e-01, v49  }
0x313: {  	v45 =	vmul.f32 v45, v44;
	v42 =	vadd.f32 $9.993023870e-01, v42;
	v11 =	vadd.f32 v19, v11  }
0x314: {  	v7 =	vsel vm7, $0x0, v7;
	v51 =	vadd.f32 $-4.846417900e-01, v51;
	v47 =	vmul.f32 v47, v46  }
0x315: {  	v43 =	vadd.f32 $9.993023870e-01, v43;
	v52 =	vmul.f32 v40, v35;
	v12 =	vadd.f32 v30, v12  }
0x316: {  	v49 =	vmul.f32 v49, v48;
	v61 =	vadd.f32 $9.993023870e-01, v45;
	v45 =	vmul.f32 v34, v29  }
0x317: {  	v53 =	vmul.f32 v42, v38;
	v11 =	vsel vm8, $0x0, v11;
	v51 =	vmul.f32 v51, v50  }
0x318: {  	v63 =	vadd.f32 $9.993023870e-01, v47;
	v54 =	vmul.f32 v43, v41;
	v14 =	vadd.f32 v52, v14  }
0x319: {  	v47 =	vadd.f32 $9.993023870e-01, v49;
	v5 =	vmul.f32 v61, v44;
	v49 =	vadd.f32 $9.993023870e-01, v51  }
0x31a: {  	v8 =	vadd.f32 v45, v10;
	v15 =	vadd.f32 v53, v15;
	v10 =	vmul.f32 v63, v46  }
0x31b: {  	v16 =	vadd.f32 v54, v16;
	v57 =	vmul.f32 v47, v48;
	v58 =	vmul.f32 v49, v50  }
0x31c: {  	v51 =	vmul.f32 v39, v33;
	v5 =	vadd.f32 v5, v18;
	v10 =	vadd.f32 v10, v22  }
0x31d: {  	v8 =	vsel vm10, $0x0, v8;
	v59 =	vadd.f32 v57, v23;
	v9 =	vadd.f32 v58, v9  }
0x31e: {  	v62 =	vsel vm4, $0x0, v15;
	v13 =	vadd.f32 v51, v13;
	v5 =	vsel vm15, $0x0, v5  }
0x31f: {  	v10 =	vsel vm12, $0x0, v10;
	v61 =	vsel vm13, $0x0, v59;
	v9 =	vsel vm14, $0x0, v9  }
0x320: {  	v63 =	vsel vm9, $0x0, v16;
	v5 =	vadd.f32 v10, v5;
	v9 =	vadd.f32 v9, v61  }
0x321: {  	v6 =	vsel vm11, $0x0, v13;
	v13 =	vadd.f32 v63, v62;
	v10 =	vsel vm3, $0x0, v14  }
0x322: {  	v10 =	vadd.f32 v10, v6;
	v6 =	vsel vm2, $0x0, v12;
	v9 =	vadd.f32 v9, v5  }
0x323: {  	v6 =	vadd.f32 v6, v11;
	v5 =	vadd.f32 v8, v7;
	v7 =	vsel vm1, $0x0, v55  }
0x324: {  	v8 =	vadd.f32 v9, v3;
	v9 =	vadd.f32 v13, v10;
	v10 =	vsel vm0, $0x0, v56  }
0x325: {  	s28 =	smov.u32 s22;
	s26 =	simm.s32 $0x1F;
	s25 =	simm.s32 $0x0;
	v4 =	vadd.f32 v60, v4;
	v3 =	vld [tilespmem:s24+$0xCB80];
	v7 =	vadd.f32 v10, v7  }
.LBB2_21:
0x326: {  	s0 =	sadd.s32 $0xFFFFFFFD, s26;
	v10 =	vmov s26;
	v8 =	vadd.f32 v9, v8;
	v5 =	vadd.f32 v6, v5  }
0x327: {  	v6 =	vmov s0;
	s0 =	sadd.s32 $0xFFFFFFFE, s26;
	vm0 =	vgt.s32 v10, v2  }
0x328: {  	s1 =	sadd.s32 $0xFFFFFFF9, s26;
	s12 =	sadd.s32 $0xFFFFFFFA, s26;
	v4 =	vadd.f32 v7, v4;
	v9 =	vmov s0;
	s0 =	sadd.s32 $0xFFFFFFFF, s26;
	v5 =	vadd.f32 v5, v8  }
0x329: {  	s28 =	sadd.s32 $0x800, s28;
	v7 =	vmov s1;
	s1 =	sadd.s32 $0xFFFFFFFB, s26;
	v8 =	vmov s12;
	s12 =	sadd.s32 $0xFFFFFFFC, s26;
	v10 =	vmov s0  }
0x32a: {  	s29 =	sadd.s32 $0xFFFFFFF6, s26;
	s30 =	sadd.s32 $0xFFFFFFF7, s26;
	v11 =	vmov s1;
	s0 =	sadd.s32 $0xFFFFFFF5, s26;
	v12 =	vmov s12;
	v4 =	vadd.f32 v4, v5  }
0x32b: {  	v13 =	vmov s29;
	v14 =	vmov s30;
	s1 =	sadd.s32 $0xFFFFFFF1, s26;
	s12 =	sadd.s32 $0xFFFFFFF2, s26;
	v5 =	vmov s0;
	s0 =	sadd.s32 $0xFFFFFFF8, s26  }
0x32c: {  	v15 =	vmov s1;
	s1 =	sadd.s32 $0xFFFFFFF3, s26;
	v16 =	vmov s12;
	s12 =	sadd.s32 $0xFFFFFFF4, s26;
	v17 =	vmov s0;
	v18 =	vld [tilespmem:s28+$0x200]  }
0x32d: {  	vm5 =	vgt.s32 v6, v2;
	v19 =	vmov s1;
	v20 =	vmov s12;
	v21 =	vld [tilespmem:s28+$0x280]  }
0x32e: {  	vm8 =	vgt.s32 v7, v2;
	vm6 =	vgt.s32 v9, v2;
	vm1 =	vgt.s32 v10, v2;
	v22 =	vld [tilespmem:s28+$0x300]  }
0x32f: {  	vm10 =	vgt.s32 v8, v2;
	vm9 =	vgt.s32 v11, v2;
	vm2 =	vgt.s32 v12, v2;
	v10 =	vld [tilespmem:s28+$0x380]  }
0x330: {  	vm4 =	vgt.s32 v13, v2;
	vm3 =	vgt.s32 v14, v2;
	vm11 =	vgt.s32 v5, v2;
	v11 =	vld [tilespmem:s28+$0x0]  }
0x331: {  	vm15 =	vgt.s32 v15, v2;
	vm12 =	vgt.s32 v16, v2;
	vm7 =	vgt.s32 v17, v2  }
0x332: {  	vm13 =	vgt.s32 v19, v2;
	vm14 =	vgt.s32 v20, v2;
	v5 =	vmax.f32 v18, $0.0e+00  }
0x333: {  	v8 =	vand.u32 $0x7FFFFFFF, v18;
	v7 =	vmax.f32 v21, $0.0e+00;
	v12 =	vld [tilespmem:s28+$0x80];
	v6 =	vmax.f32 v22, $0.0e+00  }
0x334: {  	v14 =	vmul.f32 $-1.442695020e+00, v8;
	v15 =	vand.u32 $0x7FFFFFFF, v21;
	v13 =	vld [tilespmem:s28+$0x100];
	v9 =	vmax.f32 v10, $0.0e+00  }
0x335: {  	v15 =	vmul.f32 $-1.442695020e+00, v15;
	v17 =	vand.u32 $0x7FFFFFFF, v22;
	v8 =	vmax.f32 v11, $0.0e+00;
	v16 =	vld [tilespmem:s28+$0x180]  }
0x336: {  	v17 =	vmul.f32 $-1.442695020e+00, v17;
	v10 =	vand.u32 $0x7FFFFFFF, v10;
	v18 =	vld [tilespmem:s28+$0xFFFFFE00];
	(erf) = vpow2.f32 v14  }
0x337: {  	v11 =	vand.u32 $0x7FFFFFFF, v11;
	v10 =	vmul.f32 $-1.442695020e+00, v10;
	v20 =	vld [tilespmem:s28+$0xFFFFFE80];
	(erf) = vpow2.f32 v15  }
0x338: {  	v11 =	vmul.f32 $-1.442695020e+00, v11;
	v22 =	vld [tilespmem:s28+$0xFFFFFF00];
	v14 =	vand.u32 $0x7FFFFFFF, v12;
	(erf) = vpow2.f32 v17  }
0x339: {  	v17 =	vld [tilespmem:s28+$0xFFFFFF80];
	v14 =	vmul.f32 $-1.442695020e+00, v14;
	v15 =	vand.u32 $0x7FFFFFFF, v13;
	(erf) = vpow2.f32 v10  }
0x33a: {  	v30 =	vld [tilespmem:s28+$0xFFFFFC00];
	v10 =	vmul.f32 $-1.442695020e+00, v15;
	v15 =	vand.u32 $0x7FFFFFFF, v16;
	(erf) = vpow2.f32 v11  }
0x33b: {  	v31 =	vld [tilespmem:s28+$0xFFFFFC80];
	v11 =	vand.u32 $0x7FFFFFFF, v18;
	v15 =	vmul.f32 $-1.442695020e+00, v15;
	(erf) = vpow2.f32 v14  }
0x33c: {  	v32 =	vld [tilespmem:s28+$0xFFFFFD00];
	v11 =	vmul.f32 $-1.442695020e+00, v11;
	v14 =	vand.u32 $0x7FFFFFFF, v20;
	(erf) = vpow2.f32 v10  }
0x33d: {  	v10 =	vld [tilespmem:s28+$0xFFFFFD80];
	v14 =	vmul.f32 $-1.442695020e+00, v14;
	v23 =	vand.u32 $0x7FFFFFFF, v22;
	(erf) = vpow2.f32 v15  }
0x33e: {  	v15 =	vmul.f32 $-1.442695020e+00, v23;
	v23 =	vand.u32 $0x7FFFFFFF, v17;
	(erf) = vpow2.f32 v11  }
0x33f: {  	v11 =	vand.u32 $0x7FFFFFFF, v30;
	v25 =	vmul.f32 $-1.442695020e+00, v23;
	(erf) = vpow2.f32 v14;
	v19 =	vpop (erf)  }
0x340: {  	v11 =	vmul.f32 $-1.442695020e+00, v11;
	v14 =	vand.u32 $0x7FFFFFFF, v31;
	(erf) = vpow2.f32 v15;
	v21 =	vpop (erf)  }
0x341: {  	v14 =	vmul.f32 $-1.442695020e+00, v14;
	v15 =	vand.u32 $0x7FFFFFFF, v32;
	(erf) = vpow2.f32 v25;
	v23 =	vpop (erf)  }
0x342: {  	v15 =	vmul.f32 $-1.442695020e+00, v15;
	v27 =	vand.u32 $0x7FFFFFFF, v10;
	(erf) = vpow2.f32 v11;
	v24 =	vpop (erf)  }
0x343: {  	v11 =	vmax.f32 v12, $0.0e+00;
	v29 =	vmul.f32 $-1.442695020e+00, v27;
	(erf) = vpow2.f32 v14;
	v25 =	vpop (erf)  }
0x344: {  	v12 =	vmax.f32 v13, $0.0e+00;
	v13 =	vmax.f32 v16, $0.0e+00;
	(erf) = vpow2.f32 v15;
	v26 =	vpop (erf)  }
0x345: {  	v14 =	vmax.f32 v18, $0.0e+00;
	v15 =	vmax.f32 v20, $0.0e+00;
	(erf) = vpow2.f32 v29;
	v27 =	vpop (erf)  }
0x346: {  	v33 =	vmul.f32 $7.390210780e-02, v19;
	v34 =	vmul.f32 $7.390210780e-02, v21;
	v16 =	vmax.f32 v22, $0.0e+00;
	v28 =	vpop (erf)  }
0x347: {  	v17 =	vmax.f32 v17, $0.0e+00;
	v35 =	vmul.f32 $7.390210780e-02, v23;
	v36 =	vmul.f32 $7.390210780e-02, v24;
	v29 =	vpop (erf)  }
0x348: {  	v18 =	vmax.f32 v30, $0.0e+00;
	v37 =	vmul.f32 $7.390210780e-02, v25;
	v38 =	vmul.f32 $7.390210780e-02, v26;
	v30 =	vpop (erf)  }
0x349: {  	v20 =	vmax.f32 v31, $0.0e+00;
	v39 =	vmul.f32 $7.390210780e-02, v27;
	v40 =	vmul.f32 $7.390210780e-02, v28;
	v31 =	vpop (erf)  }
0x34a: {  	v22 =	vmax.f32 v32, $0.0e+00;
	v41 =	vmul.f32 $7.390210780e-02, v29;
	v42 =	vmul.f32 $7.390210780e-02, v30;
	v32 =	vpop (erf)  }
0x34b: {  	v45 =	vsub.f32 $2.518836860e-01, v33;
	v43 =	vmul.f32 $7.390210780e-02, v31;
	v44 =	vmul.f32 $7.390210780e-02, v32;
	v33 =	vpop (erf)  }
0x34c: {  	v47 =	vsub.f32 $2.518836860e-01, v34;
	v48 =	vsub.f32 $2.518836860e-01, v35;
	v46 =	vmul.f32 $7.390210780e-02, v33;
	v34 =	vpop (erf)  }
0x34d: {  	v50 =	vsub.f32 $2.518836860e-01, v36;
	v37 =	vsub.f32 $2.518836860e-01, v37;
	v49 =	vmul.f32 $7.390210780e-02, v34;
	v35 =	vpop (erf)  }
0x34e: {  	v38 =	vsub.f32 $2.518836860e-01, v38;
	v39 =	vsub.f32 $2.518836860e-01, v39;
	v51 =	vmul.f32 $7.390210780e-02, v35;
	v36 =	vpop (erf)  }
0x34f: {  	v40 =	vsub.f32 $2.518836860e-01, v40;
	v41 =	vsub.f32 $2.518836860e-01, v41;
	v52 =	vmul.f32 $7.390210780e-02, v36  }
0x350: {  	v45 =	vmul.f32 v45, v19;
	v42 =	vsub.f32 $2.518836860e-01, v42;
	v43 =	vsub.f32 $2.518836860e-01, v43  }
0x351: {  	v47 =	vmul.f32 v47, v21;
	v48 =	vmul.f32 v48, v23;
	v44 =	vsub.f32 $2.518836860e-01, v44  }
0x352: {  	v50 =	vmul.f32 v50, v24;
	v37 =	vmul.f32 v37, v25;
	v46 =	vsub.f32 $2.518836860e-01, v46  }
0x353: {  	s25 =	sadd.s32 $0x4, s25;
	v38 =	vmul.f32 v38, v26;
	v39 =	vmul.f32 v39, v27;
	v49 =	vsub.f32 $2.518836860e-01, v49  }
0x354: {  	p0 =	slt.u32 s25, $0x2C;
	v40 =	vmul.f32 v40, v28;
	v41 =	vmul.f32 v41, v29;
	v51 =	vsub.f32 $2.518836860e-01, v51  }
0x355: {  	v42 =	vmul.f32 v42, v30;
	v43 =	vmul.f32 v43, v31;
	v52 =	vsub.f32 $2.518836860e-01, v52  }
0x356: {  	v45 =	vadd.f32 $-4.846417900e-01, v45;
	v47 =	vadd.f32 $-4.846417900e-01, v47;
	v44 =	vmul.f32 v44, v32  }
0x357: {  	v48 =	vadd.f32 $-4.846417900e-01, v48;
	v50 =	vadd.f32 $-4.846417900e-01, v50;
	v46 =	vmul.f32 v46, v33  }
0x358: {  	v37 =	vadd.f32 $-4.846417900e-01, v37;
	v38 =	vadd.f32 $-4.846417900e-01, v38;
	v49 =	vmul.f32 v49, v34  }
0x359: {  	v39 =	vadd.f32 $-4.846417900e-01, v39;
	v40 =	vadd.f32 $-4.846417900e-01, v40;
	v51 =	vmul.f32 v51, v35  }
0x35a: {  	v41 =	vadd.f32 $-4.846417900e-01, v41;
	v42 =	vadd.f32 $-4.846417900e-01, v42;
	v52 =	vmul.f32 v52, v36  }
0x35b: {  	v45 =	vmul.f32 v45, v19;
	v43 =	vadd.f32 $-4.846417900e-01, v43;
	v44 =	vadd.f32 $-4.846417900e-01, v44  }
0x35c: {  	v47 =	vmul.f32 v47, v21;
	v48 =	vmul.f32 v48, v23;
	v46 =	vadd.f32 $-4.846417900e-01, v46  }
0x35d: {  	v50 =	vmul.f32 v50, v24;
	v37 =	vmul.f32 v37, v25;
	v49 =	vadd.f32 $-4.846417900e-01, v49  }
0x35e: {  	v38 =	vmul.f32 v38, v26;
	v39 =	vmul.f32 v39, v27;
	v51 =	vadd.f32 $-4.846417900e-01, v51  }
0x35f: {  	v40 =	vmul.f32 v40, v28;
	v41 =	vmul.f32 v41, v29;
	v52 =	vadd.f32 $-4.846417900e-01, v52  }
0x360: {  	v45 =	vadd.f32 $9.993023870e-01, v45;
	v42 =	vmul.f32 v42, v30;
	v43 =	vmul.f32 v43, v31  }
0x361: {  	v47 =	vadd.f32 $9.993023870e-01, v47;
	v48 =	vadd.f32 $9.993023870e-01, v48;
	v44 =	vmul.f32 v44, v32  }
0x362: {  	v50 =	vadd.f32 $9.993023870e-01, v50;
	v37 =	vadd.f32 $9.993023870e-01, v37;
	v46 =	vmul.f32 v46, v33  }
0x363: {  	v38 =	vadd.f32 $9.993023870e-01, v38;
	v39 =	vadd.f32 $9.993023870e-01, v39;
	v49 =	vmul.f32 v49, v34  }
0x364: {  	v40 =	vadd.f32 $9.993023870e-01, v40;
	v41 =	vadd.f32 $9.993023870e-01, v41;
	v51 =	vmul.f32 v51, v35  }
0x365: {  	v42 =	vadd.f32 $9.993023870e-01, v42;
	v43 =	vadd.f32 $9.993023870e-01, v43;
	v52 =	vmul.f32 v52, v36  }
0x366: {  	v19 =	vmul.f32 v45, v19;
	v21 =	vmul.f32 v47, v21;
	v44 =	vadd.f32 $9.993023870e-01, v44  }
0x367: {  	v23 =	vmul.f32 v48, v23;
	v24 =	vmul.f32 v50, v24;
	v45 =	vadd.f32 $9.993023870e-01, v46  }
0x368: {  	v25 =	vmul.f32 v37, v25;
	v26 =	vmul.f32 v38, v26;
	v46 =	vadd.f32 $9.993023870e-01, v49  }
0x369: {  	v27 =	vmul.f32 v39, v27;
	v28 =	vmul.f32 v40, v28;
	v37 =	vadd.f32 $9.993023870e-01, v51  }
0x36a: {  	v29 =	vmul.f32 v41, v29;
	v30 =	vmul.f32 v42, v30;
	v38 =	vadd.f32 $9.993023870e-01, v52  }
0x36b: {  	v5 =	vadd.f32 v19, v5;
	v7 =	vadd.f32 v21, v7;
	v31 =	vmul.f32 v43, v31  }
0x36c: {  	v21 =	vadd.f32 v23, v6;
	v23 =	vadd.f32 v24, v9;
	v19 =	vmul.f32 v44, v32  }
0x36d: {  	v8 =	vadd.f32 v25, v8;
	v9 =	vadd.f32 v26, v11;
	v6 =	vmul.f32 v45, v33  }
0x36e: {  	v12 =	vadd.f32 v27, v12;
	v13 =	vadd.f32 v28, v13;
	v11 =	vmul.f32 v46, v34  }
0x36f: {  	v14 =	vadd.f32 v29, v14;
	v15 =	vadd.f32 v30, v15;
	v24 =	vmul.f32 v37, v35  }
0x370: {  	v16 =	vadd.f32 v31, v16;
	v17 =	vadd.f32 v19, v17;
	v25 =	vmul.f32 v38, v36  }
0x371: {  	v10 =	vmax.f32 v10, $0.0e+00;
	v6 =	vadd.f32 v6, v18;
	v11 =	vadd.f32 v11, v20  }
0x372: {  	v19 =	vsel vm5, $0x0, v5;
	v18 =	vadd.f32 v24, v22;
	v10 =	vadd.f32 v25, v10  }
0x373: {  	v7 =	vsel vm6, $0x0, v7;
	v5 =	vsel vm8, $0x0, v8;
	v8 =	vsel vm10, $0x0, v9  }
0x374: {  	v12 =	vsel vm9, $0x0, v12;
	v9 =	vsel vm11, $0x0, v14;
	v6 =	vsel vm15, $0x0, v6  }
0x375: {  	v11 =	vsel vm12, $0x0, v11;
	v14 =	vsel vm13, $0x0, v18;
	v10 =	vsel vm14, $0x0, v10  }
0x376: {  	v6 =	vadd.f32 v11, v6;
	v11 =	vsel vm4, $0x0, v15;
	v10 =	vadd.f32 v10, v14  }
.Ltmp9:
0x377: {  	v15 =	vsel vm7, $0x0, v17;
	v9 =	vadd.f32 v11, v9;
	v14 =	vsel vm3, $0x0, v16;
	(pc) =	sbr.rel @p0 .LBB2_21-.Ltmp9, $4  }
0x378: {  	v11 =	vadd.f32 v15, v14;
	v10 =	vadd.f32 v10, v6;
	v6 =	vsel vm2, $0x0, v13  }
0x379: {  	v5 =	vadd.f32 v8, v5;
	v6 =	vadd.f32 v6, v12;
	v12 =	vsel vm1, $0x0, v21  }
0x37a: {  	v9 =	vadd.f32 v11, v9;
	v8 =	vadd.f32 v10, v4;
	v10 =	vsel vm0, $0x0, v23  }
0x37b: {  	s26 =	sadd.s32 $0x10, s26;
	v4 =	vadd.f32 v7, v19;
	v7 =	vadd.f32 v10, v12  }
0x37c: {  	v8 =	vadd.f32 v9, v8;
	v5 =	vadd.f32 v6, v5;
	_ =	sdelay $0x1  }
0x37d: {  	v4 =	vadd.f32 v7, v4;
	v5 =	vadd.f32 v5, v8;
	_ =	sdelay $0x1  }
0x37e: {  	s25 =	simm.s32 $0xC3;
	s26 =	smov.u32 s23;
	v4 =	vadd.f32 v4, v5  }
.LBB2_23:
0x37f: {  	v5 =	vld [tilespmem:s26+$0x0]  }
0x380: {  	v6 =	vld [tilespmem:s26+$0x80]  }
0x381: {  	v7 =	vld [tilespmem:s26+$0x100]  }
0x382: {  	v8 =	vld [tilespmem:s26+$0x180];
	_ =	sdelay $0x1  }
0x383: {  	v9 =	vand.u32 $0x7FFFFFFF, v5  }
0x384: {  	v10 =	vand.u32 $0x7FFFFFFF, v6;
	v9 =	vmul.f32 $-1.442695020e+00, v9  }
0x385: {  	v53 =	vand.u32 $0x7FFFFFFF, v7;
	v52 =	vmul.f32 $-1.442695020e+00, v10  }
0x386: {  	v11 =	vand.u32 $0x7FFFFFFF, v8;
	v10 =	vmul.f32 $-1.442695020e+00, v53;
	(erf) = vpow2.f32 v9  }
0x387: {  	v54 =	vmul.f32 $-1.442695020e+00, v11;
	(erf) = vpow2.f32 v52  }
0x388: {  	(erf) = vpow2.f32 v10  }
0x389: {  	(erf) = vpow2.f32 v54;
	_ =	sdelay $0x5  }
0x38a: {  	v55 =	vpop (erf)  }
0x38b: {  	v57 =	vpop (erf)  }
0x38c: {  	v56 =	vmul.f32 $7.390210780e-02, v55;
	v12 =	vpop (erf)  }
0x38d: {  	v13 =	vmul.f32 $7.390210780e-02, v57;
	v15 =	vpop (erf)  }
0x38e: {  	v10 =	vsub.f32 $2.518836860e-01, v56;
	v14 =	vmul.f32 $7.390210780e-02, v12;
	v16 =	vmul.f32 $7.390210780e-02, v15  }
0x38f: {  	v13 =	vsub.f32 $2.518836860e-01, v13  }
0x390: {  	v10 =	vmul.f32 v10, v55;
	v14 =	vsub.f32 $2.518836860e-01, v14;
	v16 =	vsub.f32 $2.518836860e-01, v16  }
0x391: {  	v13 =	vmul.f32 v13, v57  }
0x392: {  	v10 =	vadd.f32 $-4.846417900e-01, v10;
	v14 =	vmul.f32 v14, v12;
	v16 =	vmul.f32 v16, v15  }
0x393: {  	v63 =	vmov s25;
	v13 =	vadd.f32 $-4.846417900e-01, v13  }
0x394: {  	s0 =	sadd.s32 $0xFFFFFFFD, s25;
	s30 =	sadd.s32 $0xFFFFFFFE, s25;
	v10 =	vmul.f32 v10, v55;
	v14 =	vadd.f32 $-4.846417900e-01, v14;
	v16 =	vadd.f32 $-4.846417900e-01, v16  }
0x395: {  	v17 =	vmov s0;
	v59 =	vmov s30;
	v13 =	vmul.f32 v13, v57  }
0x396: {  	s31 =	sadd.s32 $0xFFFFFFFF, s25;
	v10 =	vadd.f32 $9.993023870e-01, v10;
	v14 =	vmul.f32 v14, v12;
	v58 =	vmul.f32 v16, v15  }
0x397: {  	v62 =	vmov s31;
	vm2 =	vgt.s32 v63, v2;
	v13 =	vadd.f32 $9.993023870e-01, v13  }
0x398: {  	v9 =	vmul.f32 v10, v55;
	v14 =	vadd.f32 $9.993023870e-01, v14;
	v10 =	vadd.f32 $9.993023870e-01, v58  }
0x399: {  	v5 =	vmax.f32 v5, $0.0e+00;
	v6 =	vmax.f32 v6, $0.0e+00;
	v60 =	vmul.f32 v13, v57  }
0x39a: {  	v7 =	vmax.f32 v7, $0.0e+00;
	v61 =	vmul.f32 v14, v12;
	v10 =	vmul.f32 v10, v15  }
0x39b: {  	v8 =	vmax.f32 v8, $0.0e+00;
	v5 =	vadd.f32 v9, v5;
	v6 =	vadd.f32 v60, v6  }
0x39c: {  	vm0 =	vgt.s32 v17, v2;
	v7 =	vadd.f32 v61, v7;
	v8 =	vadd.f32 v10, v8  }
0x39d: {  	vm1 =	vgt.s32 v59, v2;
	vm15 =	vgt.s32 v62, v2;
	v5 =	vsel vm0, $0x0, v5  }
0x39e: {  	p0 =	sne.s32 s25, $0xC7;
	v6 =	vsel vm1, $0x0, v6;
	v7 =	vsel vm15, $0x0, v7;
	v8 =	vsel vm2, $0x0, v8  }
.Ltmp10:
0x39f: {  	v5 =	vadd.f32 v6, v5;
	v6 =	vadd.f32 v8, v7;
	(pc) =	sbr.rel @p0 .LBB2_23-.Ltmp10, $3  }
0x3a0: {  	_ = 	snop  }
0x3a1: {  	v5 =	vadd.f32 v6, v5;
	_ =	sdelay $0x1  }
0x3a2: {  	s26 =	sadd.s32 $0x200, s26;
	s25 =	sadd.s32 $0x4, s25;
	v4 =	vadd.f32 v5, v4  }
0x3a3: {  	v2 =	vshll.u32 v2, $0x7  }
0x3a4: {  	v2 =	vadd.s32 s24, v2  }
0x3a5: {  	v2 =	vadd.s32 v0, v2;
	_ =	sdelay $0x4  }
0x3a6: {  	v2 =	vld.idx.msk [tilespmem:v2+s15+$0x0], $0xffff;
	_ =	sdelay $0x2  }
0x3a7: {  	s21 =	sadd.s32 $0x1, s21  }
0x3a8: {  	p0 =	sne.s32 s21, $0x8  }
.Ltmp11:
0x3a9: {  	v2 =	vmul.f32 v2, v3;
	(pc) =	sbr.rel @p0 .LBB2_20-.Ltmp11, $3  }
0x3aa: {  	_ = 	snop  }
0x3ab: {  	v2 =	vsub.f32 v4, v2;
	_ =	sdelay $0x1  }
0x3ac: {  	s22 =	sadd.s32 $0x10, s22;
	s23 =	sadd.s32 $0x10, s23;
	v1 =	vadd.f32 v2, v1  }
0x3ad: {  	s20 =	sadd.s32 $0x1, s20  }
0x3ae: {  	p0 =	sne.s32 s20, s10  }
.Ltmp12:
0x3af: {  	[tilespmem:$0xCC00] =	vst v1;
	(pc) =	sbr.rel @p0 .LBB2_1-.Ltmp12, $4  }
0x3b0: {  	[hbm4b:s9+s2] =	stream.linear.scatter [tilespmem:s19], [sflag:$0x3], $0x80, $0x38;
	[tilespmem:$0xCC80] =	vst v63  }
0x3b1: {  	_ =	swait.ge [sflag:s13], $0x80  }
0x3b2: {  	[sflag:s13] =	ssyncset.done $0x0  }
0x3b3: {  	[sflag:s13] =	ssyncadd.s32 $0xFFFFFF80  }
0x3b4: {  	_ =	sfence.sel $0x180000  }
0x3b5: {  	[bflag:$0x0] =	sbarrier.arrive $0xFFFF  }
0x3b6: {  	_ =	strace $0x90000047  }
0x3b7: {  	s0 =	stileid.u32;
	[bflag:$0x2] =	sbarrier.arrive $0xFFFF  }
0x3b8: {  	p0 =	sne.s32 s0, $0x0;
	s0 =	rddreg [dreg:$0x3]  }
0x3b9: {  	s0 =	sadd.s32 @!p0 $0x100000, s0  }
0x3ba: {  	[sflag:s0] =	ssyncadd.tile.s32 @!p0 $0x1;
	_ =	shalt  }
.Lfunc_end2:
_tile_overlayer_lowered:
.L_overlay_start_2:
0x3bb: {  	(tag) =	ssettag $0x2  }
0x3bc: {  	s0 =	rddreg [dreg:$0x0];
	s2 =	stileid.u32  }
0x3bd: {  	s1 =	rddreg [dreg:$0x1];
	p0 =	sne.s32 s2, $0x0  }
0x3be: {  	s3 =	rddreg [dreg:$0x2];
	[bflag:$0x3] =	sbarrier.arrive $0xFFFF;
	s2 =	simm.s32 @!p0 $0x1C03  }
0x3bf: {  	[timem:s3], [sflag:s2] =	dma.local @!p0 [hbm:s0], s1  }
0x3c0: {  	s0 =	simm.s32 @!p0 $0x3  }
0x3c1: {  	_ =	swait.ge @!p0 [sflag:s0], s1  }
0x3c2: {  	s1 =	ssub.s32 @!p0 $0x0, s1;
	[sflag:s0] =	ssyncset.done @!p0 $0x0  }
0x3c3: {  	[sflag:s0] =	ssyncadd.s32 @!p0 s1  }
0x3c4: {  	[bflag:$0x3] =	sbarrier.arrive $0xFFFF  }
0x3c5: {  	_ =	shalt  }

</sc_bundles>
